<compile_context>
chip_gen: v7x
topology: tpu7x:2x2x1
jax: 0.10.2.dev20260603
libtpu: 0.0.44.dev20260713+nightly
codegen_flags: <defaults>
</compile_context>

<pallas_src>
import functools

import jax
import jax.numpy as jnp
from jax import lax
from jax.experimental import pallas as pl
from jax.experimental.pallas import tpu as pltpu, tpu_sc as plsc

N_NODES = 10000
N_PAD = 10240
E = 320000
CHUNK = 128
NW = 32
N_CHUNKS = 80
EPT = N_CHUNKS * CHUNK
E_PAD = NW * EPT
ROWS_PT = N_PAD // 16

_mesh = plsc.VectorSubcoreMesh(core_axis_name="c", subcore_axis_name="s")


def _wid(cid, sid):
    return sid * 2 + cid


def _unpack_chunk(pidx_v, i, sref, dref):
    for k in range(CHUNK // 16):
        p = pidx_v[i, pl.ds(k * 16, 16)]
        sref[pl.ds(k * 16, 16)] = lax.shift_right_logical(p, 14)
        dref[pl.ds(k * 16, 16)] = lax.bitwise_and(p, (1 << 14) - 1)


@functools.partial(
    pl.kernel,
    out_type=(
        jax.ShapeDtypeStruct((2, N_PAD), jnp.float32),
        jax.ShapeDtypeStruct((2, N_PAD), jnp.float32),
    ),
    mesh=_mesh,
    scratch_types=(
        pltpu.VMEM((N_CHUNKS, CHUNK), jnp.int32),
        pltpu.VMEM((CHUNK,), jnp.int32),
        pltpu.VMEM((CHUNK,), jnp.int32),
        pltpu.VMEM((CHUNK,), jnp.int32),
        pltpu.VMEM((CHUNK,), jnp.int32),
        pltpu.VMEM((CHUNK,), jnp.float32),
        pltpu.VMEM_SHARED((N_PAD,), jnp.float32),
        pltpu.VMEM_SHARED((N_PAD,), jnp.float32),
        pltpu.SemaphoreType.DMA,
        pltpu.SemaphoreType.DMA,
        pltpu.SemaphoreType.DMA,
        pltpu.SemaphoreType.DMA,
    ),
)
def _deg_kernel(pidx_hbm, zeros_hbm, dego_hbm, degi_hbm,
                pidx_v, sidx0, didx0, sidx1, didx1, ones_v, dego_s, degi_s,
                semo0, semi0, semo1, semi1):
    cid = lax.axis_index("c")
    sid = lax.axis_index("s")
    wid = _wid(cid, sid)

    for j in range(CHUNK // 16):
        ones_v[pl.ds(j * 16, 16)] = jnp.full((16,), 1.0, jnp.float32)

    pltpu.sync_copy(pidx_hbm.at[wid], pidx_v)

    r0 = sid * ROWS_PT
    pltpu.sync_copy(zeros_hbm.at[pl.ds(r0, ROWS_PT)], dego_s.at[pl.ds(r0, ROWS_PT)])
    pltpu.sync_copy(zeros_hbm.at[pl.ds(r0, ROWS_PT)], degi_s.at[pl.ds(r0, ROWS_PT)])
    plsc.subcore_barrier()

    @pl.loop(0, N_CHUNKS, step=2)
    def _chunk(i):
        _unpack_chunk(pidx_v, i, sidx0, didx0)
        d0 = pltpu.async_copy(ones_v, dego_s.at[sidx0], semo0, add=True)
        d1 = pltpu.async_copy(ones_v, degi_s.at[didx0], semi0, add=True)
        _unpack_chunk(pidx_v, i + 1, sidx1, didx1)
        d2 = pltpu.async_copy(ones_v, dego_s.at[sidx1], semo1, add=True)
        d3 = pltpu.async_copy(ones_v, degi_s.at[didx1], semi1, add=True)
        d0.wait()
        d1.wait()
        d2.wait()
        d3.wait()

    plsc.subcore_barrier()
    pltpu.sync_copy(dego_s.at[pl.ds(r0, ROWS_PT)], dego_hbm.at[cid, pl.ds(r0, ROWS_PT)])
    pltpu.sync_copy(degi_s.at[pl.ds(r0, ROWS_PT)], degi_hbm.at[cid, pl.ds(r0, ROWS_PT)])


@functools.partial(
    pl.kernel,
    out_type=jax.ShapeDtypeStruct((2, N_PAD, 128), jnp.float32),
    mesh=_mesh,
    scratch_types=(
        pltpu.VMEM((N_CHUNKS, CHUNK), jnp.int32),
        pltpu.VMEM((CHUNK,), jnp.int32),
        pltpu.VMEM((CHUNK,), jnp.int32),
        pltpu.VMEM((CHUNK,), jnp.int32),
        pltpu.VMEM((CHUNK,), jnp.int32),
        pltpu.VMEM((CHUNK, 128), jnp.float32),
        pltpu.VMEM((CHUNK, 128), jnp.float32),
        pltpu.VMEM_SHARED((N_PAD, 128), jnp.float32),
        pltpu.SemaphoreType.DMA,
        pltpu.SemaphoreType.DMA,
    ),
)
def _prop128(h_hbm, pidx_hbm, zeros_hbm, out_hbm,
             pidx_v, sidx0, didx0, sidx1, didx1, msgs0, msgs1, acc_s,
             sem0, sem1):
    cid = lax.axis_index("c")
    sid = lax.axis_index("s")
    wid = _wid(cid, sid)
    r0 = sid * ROWS_PT

    pltpu.sync_copy(pidx_hbm.at[wid], pidx_v)
    pltpu.sync_copy(zeros_hbm.at[pl.ds(r0, ROWS_PT)], acc_s.at[pl.ds(r0, ROWS_PT)])
    plsc.subcore_barrier()

    _unpack_chunk(pidx_v, 0, sidx0, didx0)
    pltpu.async_copy(h_hbm.at[sidx0], msgs0, sem0)

    @pl.loop(0, N_CHUNKS, step=2)
    def _chunk(i):
        _unpack_chunk(pidx_v, i + 1, sidx1, didx1)
        pltpu.async_copy(h_hbm.at[sidx1], msgs1, sem1)
        pltpu.make_async_copy(h_hbm.at[sidx0], msgs0, sem0).wait()
        pltpu.sync_copy(msgs0, acc_s.at[didx0], add=True)

        @pl.when(i + 2 < N_CHUNKS)
        def _():
            _unpack_chunk(pidx_v, i + 2, sidx0, didx0)
            pltpu.async_copy(h_hbm.at[sidx0], msgs0, sem0)

        pltpu.make_async_copy(h_hbm.at[sidx1], msgs1, sem1).wait()
        pltpu.sync_copy(msgs1, acc_s.at[didx1], add=True)

    plsc.subcore_barrier()
    pltpu.sync_copy(acc_s.at[pl.ds(r0, ROWS_PT)],
                    out_hbm.at[cid, pl.ds(r0, ROWS_PT)])


def _norms(dego_ref, degi_ref):
    do = dego_ref[0, :] + dego_ref[1, :]
    di = degi_ref[0, :] + degi_ref[1, :]
    ns = jnp.where(do > 0, lax.rsqrt(jnp.maximum(do, 1.0)), 0.0)
    nd = jnp.where(di > 0, lax.rsqrt(jnp.maximum(di, 1.0)), 0.0)
    return ns, nd


def _k1a_body(x_ref, w1_ref, y_ref):
    y_ref[...] = jnp.dot(x_ref[...], w1_ref[...],
                         preferred_element_type=jnp.float32)


def _k1b_body(y_ref, dego_ref, degi_ref, h1_ref):
    ns, _ = _norms(dego_ref, degi_ref)
    h1_ref[...] = y_ref[...] * ns[:, None]


def _k3_body(p_ref, dego_ref, degi_ref, b1_ref, t_ref):
    ns, nd = _norms(dego_ref, degi_ref)
    t = (p_ref[0] + p_ref[1]) * nd[:, None] + b1_ref[...]
    t_ref[...] = jnp.maximum(t, 0.0) * ns[:, None]


def _k5_body(p_ref, dego_ref, degi_ref, b2_ref, w2_ref, out_ref):
    _, nd = _norms(dego_ref, degi_ref)
    agg = p_ref[0] + p_ref[1]
    out_ref[...] = (jnp.dot(agg, w2_ref[...], preferred_element_type=jnp.float32)
                    * nd[:, None] + b2_ref[...])


_BLK = 1024
_GRID = N_PAD // _BLK


def _deg_spec():
    return pl.BlockSpec((2, _BLK), lambda i: (0, i))


def kernel(x, W1, b1, W2, b2, edge_index):
    src = edge_index[0].astype(jnp.int32)
    dst = edge_index[1].astype(jnp.int32)
    pad = N_NODES + jnp.arange(E_PAD - E, dtype=jnp.int32) % (N_PAD - N_NODES)
    src = jnp.concatenate([src, pad])
    dst = jnp.concatenate([dst, pad])
    pidx = ((src << 14) | dst).reshape(NW, N_CHUNKS, CHUNK)
    xp = jnp.zeros((N_PAD, 128), jnp.float32).at[:N_NODES].set(x)
    z1 = jnp.zeros((N_PAD,), jnp.float32)
    z128 = jnp.zeros((N_PAD, 128), jnp.float32)

    dego, degi = _deg_kernel(pidx, z1)

    y = pl.pallas_call(
        _k1a_body,
        grid=(_GRID,),
        in_specs=[
            pl.BlockSpec((_BLK, 128), lambda i: (i, 0)),
            pl.BlockSpec((128, 128), lambda i: (0, 0)),
        ],
        out_specs=pl.BlockSpec((_BLK, 128), lambda i: (i, 0)),
        out_shape=jax.ShapeDtypeStruct((N_PAD, 128), jnp.float32),
    )(xp, W1)

    h1 = pl.pallas_call(
        _k1b_body,
        grid=(_GRID,),
        in_specs=[
            pl.BlockSpec((_BLK, 128), lambda i: (i, 0)),
            _deg_spec(), _deg_spec(),
        ],
        out_specs=pl.BlockSpec((_BLK, 128), lambda i: (i, 0)),
        out_shape=jax.ShapeDtypeStruct((N_PAD, 128), jnp.float32),
    )(y, dego, degi)

    parts1 = _prop128(h1, pidx, z128)

    t = pl.pallas_call(
        _k3_body,
        grid=(_GRID,),
        in_specs=[
            pl.BlockSpec((2, _BLK, 128), lambda i: (0, i, 0)),
            _deg_spec(), _deg_spec(),
            pl.BlockSpec((1, 128), lambda i: (0, 0)),
        ],
        out_specs=pl.BlockSpec((_BLK, 128), lambda i: (i, 0)),
        out_shape=jax.ShapeDtypeStruct((N_PAD, 128), jnp.float32),
    )(parts1, dego, degi, b1.reshape(1, 128))

    parts2 = _prop128(t, pidx, z128)

    out = pl.pallas_call(
        _k5_body,
        grid=(_GRID,),
        in_specs=[
            pl.BlockSpec((2, _BLK, 128), lambda i: (0, i, 0)),
            _deg_spec(), _deg_spec(),
            pl.BlockSpec((1, 40), lambda i: (0, 0)),
            pl.BlockSpec((128, 40), lambda i: (0, 0)),
        ],
        out_specs=pl.BlockSpec((_BLK, 40), lambda i: (i, 0)),
        out_shape=jax.ShapeDtypeStruct((N_PAD, 40), jnp.float32),
    )(parts2, dego, degi, b2.reshape(1, 40), W2)

    return out[:N_NODES]

# --- scband reference (transcript-rebuilt; emitter-appended) ---
"""Pipeline reference for scband-gcn-19997367730786 (READ-ONLY COPY).

The authoritative reference and input builder live on the scoring server;
editing this copy changes nothing except your own understanding.
"""

import jax, jax.numpy as jnp
import numpy as np

N_NODES = 10000


def _gcn_layer(x, W, b, src, dst, n):
    # DGL GraphConv with norm='both':
    #   h = D_in^{-1/2} A (D_out^{-1/2} x) W + b
    deg_out = jnp.zeros((n,), dtype=x.dtype).at[src].add(1.0)
    deg_in = jnp.zeros((n,), dtype=x.dtype).at[dst].add(1.0)
    norm_src = jnp.where(deg_out > 0, jax.lax.rsqrt(jnp.maximum(deg_out, 1.0)), 0.0)
    norm_dst = jnp.where(deg_in > 0, jax.lax.rsqrt(jnp.maximum(deg_in, 1.0)), 0.0)
    h = x * norm_src[:, None]
    # mult W first (in_feats >= out_feats path in DGL), then aggregate
    h = h @ W
    msgs = jnp.take(h, src, axis=0)
    agg = jnp.zeros((n, h.shape[1]), dtype=h.dtype).at[dst].add(msgs)
    return agg * norm_dst[:, None] + b


def setup_inputs(seed: int = 0) -> dict:
    key = jax.random.key(seed)
    k1, k2, k3, k4, k5 = jax.random.split(key, 5)
    x = jax.random.normal(k1, (N_NODES, 128), dtype=jnp.float32)
    edge_index = jax.random.randint(k2, (2, 320000), 0, N_NODES, dtype=jnp.int64)
    # Glorot-init weights as in dgl.nn.GraphConv; zero bias
    lim1 = float(np.sqrt(6.0 / (128 + 128)))
    W1 = jax.random.uniform(k3, (128, 128), dtype=jnp.float32, minval=-lim1, maxval=lim1)
    b1 = jnp.zeros((128,), dtype=jnp.float32)
    lim2 = float(np.sqrt(6.0 / (128 + 40)))
    W2 = jax.random.uniform(k4, (128, 40), dtype=jnp.float32, minval=-lim2, maxval=lim2)
    b2 = jnp.zeros((40,), dtype=jnp.float32)
    return {"x": x, "W1": W1, "b1": b1, "W2": W2, "b2": b2, "edge_index": edge_index}


def reference(x, W1, b1, W2, b2, edge_index):
    src = edge_index[0]
    dst = edge_index[1]
    h = _gcn_layer(x, W1, b1, src, dst, N_NODES)
    h = jax.nn.relu(h)
    out = _gcn_layer(h, W2, b2, src, dst, N_NODES)
    return out

if __name__ == "__main__":
    import jax
    _d = setup_inputs()
    print(jax.jit(kernel)(*tuple(_d.values())))

</pallas_src>

<mosaic_0001>
#map = affine_map<(d0, d1) -> (0, 0, 0)>
#map1 = affine_map<(d0, d1) -> (0)>
#map2 = affine_map<(d0, d1) -> (0, 0)>
module attributes {stable_mosaic.version = 14 : i64} {
  func.func @_deg_kernel(%arg0: i32, %arg1: i32, %arg2: memref<32x80x128xi32, #tpu.memory_space<hbm>>, %arg3: memref<10240xf32, #tpu.memory_space<hbm>>, %arg4: memref<2x10240xf32, #tpu.memory_space<hbm>>, %arg5: memref<2x10240xf32, #tpu.memory_space<hbm>>, %arg6: memref<80x128xi32, #tpu.memory_space<vmem>>, %arg7: memref<128xi32, #tpu.memory_space<vmem>>, %arg8: memref<128xi32, #tpu.memory_space<vmem>>, %arg9: memref<128xi32, #tpu.memory_space<vmem>>, %arg10: memref<128xi32, #tpu.memory_space<vmem>>, %arg11: memref<128xf32, #tpu.memory_space<vmem>>, %arg12: memref<10240xf32, #tpu.memory_space<vmem_shared>>, %arg13: memref<10240xf32, #tpu.memory_space<vmem_shared>>, %arg14: memref<!tpu.dma_semaphore, #tpu.memory_space<semaphore_mem>>, %arg15: memref<!tpu.dma_semaphore, #tpu.memory_space<semaphore_mem>>, %arg16: memref<!tpu.dma_semaphore, #tpu.memory_space<semaphore_mem>>, %arg17: memref<!tpu.dma_semaphore, #tpu.memory_space<semaphore_mem>>) attributes {dimension_semantics = [#tpu.dimension_semantics<core_parallel>, #tpu.dimension_semantics<subcore_parallel>], iteration_bounds = array<i64: 2, 16>, scalar_prefetch = 0 : i64, scratch_operands = 12 : i64, tpu.core_type = #tpu.core_type<sc_vector_subcore>, window_params = [{transform_indices = #map}, {transform_indices = #map1}, {transform_indices = #map2}, {transform_indices = #map2}]} {
    %mul3A = arith.constant 2 : i32
    %mul3A_0 = arith.muli %arg1, %mul3A : i32
    %add3A = arith.addi %mul3A_0, %arg0 : i32
    %broadcast_in_dim3A = arith.constant 1.000000e+00 : f32
    %broadcast_in_dim3A_1 = vector.broadcast %broadcast_in_dim3A : f32 to vector<16xf32>
    %swap3A = arith.constant 0 : index
    %swap3A_2 = tpu.vector_load %arg11[%swap3A] {strides = array<i32>} : memref<128xf32, #tpu.memory_space<vmem>>, vector<16xf32>,
    %swap3A_3 = vector.shape_cast %swap3A_2 : vector<16xf32> to vector<16xf32>
    %swap3A_4 = vector.shape_cast %broadcast_in_dim3A_1 : vector<16xf32> to vector<16xf32>
    tpu.vector_store %arg11[%swap3A], %swap3A_4 {strides = array<i32>} : memref<128xf32, #tpu.memory_space<vmem>>, vector<16xf32>,
    %broadcast_in_dim3A_5 = arith.constant 1.000000e+00 : f32
    %broadcast_in_dim3A_6 = vector.broadcast %broadcast_in_dim3A_5 : f32 to vector<16xf32>
    %swap3A_7 = arith.constant 16 : index
    %swap3A_8 = tpu.vector_load %arg11[%swap3A_7] {strides = array<i32>} : memref<128xf32, #tpu.memory_space<vmem>>, vector<16xf32>,
    %swap3A_9 = vector.shape_cast %swap3A_8 : vector<16xf32> to vector<16xf32>
    %swap3A_10 = vector.shape_cast %broadcast_in_dim3A_6 : vector<16xf32> to vector<16xf32>
    tpu.vector_store %arg11[%swap3A_7], %swap3A_10 {strides = array<i32>} : memref<128xf32, #tpu.memory_space<vmem>>, vector<16xf32>,
    %broadcast_in_dim3A_11 = arith.constant 1.000000e+00 : f32
    %broadcast_in_dim3A_12 = vector.broadcast %broadcast_in_dim3A_11 : f32 to vector<16xf32>
    %swap3A_13 = arith.constant 32 : index
    %swap3A_14 = tpu.vector_load %arg11[%swap3A_13] {strides = array<i32>} : memref<128xf32, #tpu.memory_space<vmem>>, vector<16xf32>,
    %swap3A_15 = vector.shape_cast %swap3A_14 : vector<16xf32> to vector<16xf32>
    %swap3A_16 = vector.shape_cast %broadcast_in_dim3A_12 : vector<16xf32> to vector<16xf32>
    tpu.vector_store %arg11[%swap3A_13], %swap3A_16 {strides = array<i32>} : memref<128xf32, #tpu.memory_space<vmem>>, vector<16xf32>,
    %broadcast_in_dim3A_17 = arith.constant 1.000000e+00 : f32
    %broadcast_in_dim3A_18 = vector.broadcast %broadcast_in_dim3A_17 : f32 to vector<16xf32>
    %swap3A_19 = arith.constant 48 : index
    %swap3A_20 = tpu.vector_load %arg11[%swap3A_19] {strides = array<i32>} : memref<128xf32, #tpu.memory_space<vmem>>, vector<16xf32>,
    %swap3A_21 = vector.shape_cast %swap3A_20 : vector<16xf32> to vector<16xf32>
    %swap3A_22 = vector.shape_cast %broadcast_in_dim3A_18 : vector<16xf32> to vector<16xf32>
    tpu.vector_store %arg11[%swap3A_19], %swap3A_22 {strides = array<i32>} : memref<128xf32, #tpu.memory_space<vmem>>, vector<16xf32>,
    %broadcast_in_dim3A_23 = arith.constant 1.000000e+00 : f32
    %broadcast_in_dim3A_24 = vector.broadcast %broadcast_in_dim3A_23 : f32 to vector<16xf32>
    %swap3A_25 = arith.constant 64 : index
    %swap3A_26 = tpu.vector_load %arg11[%swap3A_25] {strides = array<i32>} : memref<128xf32, #tpu.memory_space<vmem>>, vector<16xf32>,
    %swap3A_27 = vector.shape_cast %swap3A_26 : vector<16xf32> to vector<16xf32>
    %swap3A_28 = vector.shape_cast %broadcast_in_dim3A_24 : vector<16xf32> to vector<16xf32>
    tpu.vector_store %arg11[%swap3A_25], %swap3A_28 {strides = array<i32>} : memref<128xf32, #tpu.memory_space<vmem>>, vector<16xf32>,
    %broadcast_in_dim3A_29 = arith.constant 1.000000e+00 : f32
    %broadcast_in_dim3A_30 = vector.broadcast %broadcast_in_dim3A_29 : f32 to vector<16xf32>
    %swap3A_31 = arith.constant 80 : index
    %swap3A_32 = tpu.vector_load %arg11[%swap3A_31] {strides = array<i32>} : memref<128xf32, #tpu.memory_space<vmem>>, vector<16xf32>,
    %swap3A_33 = vector.shape_cast %swap3A_32 : vector<16xf32> to vector<16xf32>
    %swap3A_34 = vector.shape_cast %broadcast_in_dim3A_30 : vector<16xf32> to vector<16xf32>
    tpu.vector_store %arg11[%swap3A_31], %swap3A_34 {strides = array<i32>} : memref<128xf32, #tpu.memory_space<vmem>>, vector<16xf32>,
    %broadcast_in_dim3A_35 = arith.constant 1.000000e+00 : f32
    %broadcast_in_dim3A_36 = vector.broadcast %broadcast_in_dim3A_35 : f32 to vector<16xf32>
    %swap3A_37 = arith.constant 96 : index
    %swap3A_38 = tpu.vector_load %arg11[%swap3A_37] {strides = array<i32>} : memref<128xf32, #tpu.memory_space<vmem>>, vector<16xf32>,
    %swap3A_39 = vector.shape_cast %swap3A_38 : vector<16xf32> to vector<16xf32>
    %swap3A_40 = vector.shape_cast %broadcast_in_dim3A_36 : vector<16xf32> to vector<16xf32>
    tpu.vector_store %arg11[%swap3A_37], %swap3A_40 {strides = array<i32>} : memref<128xf32, #tpu.memory_space<vmem>>, vector<16xf32>,
    %broadcast_in_dim3A_41 = arith.constant 1.000000e+00 : f32
    %broadcast_in_dim3A_42 = vector.broadcast %broadcast_in_dim3A_41 : f32 to vector<16xf32>
    %swap3A_43 = arith.constant 112 : index
    %swap3A_44 = tpu.vector_load %arg11[%swap3A_43] {strides = array<i32>} : memref<128xf32, #tpu.memory_space<vmem>>, vector<16xf32>,
    %swap3A_45 = vector.shape_cast %swap3A_44 : vector<16xf32> to vector<16xf32>
    %swap3A_46 = vector.shape_cast %broadcast_in_dim3A_42 : vector<16xf32> to vector<16xf32>
    tpu.vector_store %arg11[%swap3A_43], %swap3A_46 {strides = array<i32>} : memref<128xf32, #tpu.memory_space<vmem>>, vector<16xf32>,
    "tpu.region"() ({
      %run_scoped3A = tpu.sem_alloc : memref<!tpu.dma_semaphore, #tpu.memory_space<semaphore_mem>>
      %dma_start3A = arith.constant 0 : i32
      %dma_start3A_54 = arith.constant 0 : i32
      %dma_start3A_55 = tpu.memref_slice %arg2[%add3A, %dma_start3A, %dma_start3A_54] : memref<32x80x128xi32, #tpu.memory_space<hbm>> -> memref<1x80x128xi32, #tpu.memory_space<hbm>>
      %dma_start3A_56 = tpu.memref_squeeze %dma_start3A_55 : memref<1x80x128xi32, #tpu.memory_space<hbm>> -> memref<80x128xi32, #tpu.memory_space<hbm>>
      %dma_start3A_57 = arith.constant 0 : i32
      %dma_start3A_58 = arith.constant 0 : i32
      %dma_start3A_59 = tpu.memref_slice %arg2[%add3A, %dma_start3A_57, %dma_start3A_58] : memref<32x80x128xi32, #tpu.memory_space<hbm>> -> memref<1x80x128xi32, #tpu.memory_space<hbm>>
      %dma_start3A_60 = tpu.memref_squeeze %dma_start3A_59 : memref<1x80x128xi32, #tpu.memory_space<hbm>> -> memref<80x128xi32, #tpu.memory_space<hbm>>
      tpu.enqueue_dma source(%dma_start3A_60 : memref<80x128xi32, #tpu.memory_space<hbm>>) target(%arg6 : memref<80x128xi32, #tpu.memory_space<vmem>>) target_semaphore(%run_scoped3A : memref<!tpu.dma_semaphore, #tpu.memory_space<semaphore_mem>>)
      %dma_wait3A = arith.constant 0 : i32
      %dma_wait3A_61 = arith.constant 0 : i32
      %dma_wait3A_62 = tpu.memref_slice %arg2[%add3A, %dma_wait3A, %dma_wait3A_61] : memref<32x80x128xi32, #tpu.memory_space<hbm>> -> memref<1x80x128xi32, #tpu.memory_space<hbm>>
      %dma_wait3A_63 = tpu.memref_squeeze %dma_wait3A_62 : memref<1x80x128xi32, #tpu.memory_space<hbm>> -> memref<80x128xi32, #tpu.memory_space<hbm>>
      %dma_wait3A_64 = arith.constant 0 : i32
      %dma_wait3A_65 = arith.constant 0 : i32
      %dma_wait3A_66 = tpu.memref_slice %arg2[%add3A, %dma_wait3A_64, %dma_wait3A_65] : memref<32x80x128xi32, #tpu.memory_space<hbm>> -> memref<1x80x128xi32, #tpu.memory_space<hbm>>
      %dma_wait3A_67 = tpu.memref_squeeze %dma_wait3A_66 : memref<1x80x128xi32, #tpu.memory_space<hbm>> -> memref<80x128xi32, #tpu.memory_space<hbm>>
      tpu.wait_dma2 semaphore(%run_scoped3A : memref<!tpu.dma_semaphore, #tpu.memory_space<semaphore_mem>>) src(%dma_wait3A_67 : memref<80x128xi32, #tpu.memory_space<hbm>>) dst(%arg6 : memref<80x128xi32, #tpu.memory_space<vmem>>)
      tpu.yield
    }) : () -> ()
    %mul3A_47 = arith.constant 640 : i32
    %mul3A_48 = arith.muli %arg1, %mul3A_47 : i32
    "tpu.region"() ({
      %run_scoped3A = tpu.sem_alloc : memref<!tpu.dma_semaphore, #tpu.memory_space<semaphore_mem>>
      %dma_start3A = tpu.memref_slice %arg12[%mul3A_48] : memref<10240xf32, #tpu.memory_space<vmem_shared>> -> memref<640xf32, #tpu.memory_space<vmem_shared>>
      %dma_start3A_54 = tpu.memref_slice %arg3[%mul3A_48] : memref<10240xf32, #tpu.memory_space<hbm>> -> memref<640xf32, #tpu.memory_space<hbm>>
      tpu.enqueue_dma source(%dma_start3A_54 : memref<640xf32, #tpu.memory_space<hbm>>) target(%dma_start3A : memref<640xf32, #tpu.memory_space<vmem_shared>>) target_semaphore(%run_scoped3A : memref<!tpu.dma_semaphore, #tpu.memory_space<semaphore_mem>>)
      %dma_wait3A = tpu.memref_slice %arg12[%mul3A_48] : memref<10240xf32, #tpu.memory_space<vmem_shared>> -> memref<640xf32, #tpu.memory_space<vmem_shared>>
      %dma_wait3A_55 = tpu.memref_slice %arg3[%mul3A_48] : memref<10240xf32, #tpu.memory_space<hbm>> -> memref<640xf32, #tpu.memory_space<hbm>>
      tpu.wait_dma2 semaphore(%run_scoped3A : memref<!tpu.dma_semaphore, #tpu.memory_space<semaphore_mem>>) src(%dma_wait3A_55 : memref<640xf32, #tpu.memory_space<hbm>>) dst(%dma_wait3A : memref<640xf32, #tpu.memory_space<vmem_shared>>)
      tpu.yield
    }) : () -> ()
    "tpu.region"() ({
      %run_scoped3A = tpu.sem_alloc : memref<!tpu.dma_semaphore, #tpu.memory_space<semaphore_mem>>
      %dma_start3A = tpu.memref_slice %arg13[%mul3A_48] : memref<10240xf32, #tpu.memory_space<vmem_shared>> -> memref<640xf32, #tpu.memory_space<vmem_shared>>
      %dma_start3A_54 = tpu.memref_slice %arg3[%mul3A_48] : memref<10240xf32, #tpu.memory_space<hbm>> -> memref<640xf32, #tpu.memory_space<hbm>>
      tpu.enqueue_dma source(%dma_start3A_54 : memref<640xf32, #tpu.memory_space<hbm>>) target(%dma_start3A : memref<640xf32, #tpu.memory_space<vmem_shared>>) target_semaphore(%run_scoped3A : memref<!tpu.dma_semaphore, #tpu.memory_space<semaphore_mem>>)
      %dma_wait3A = tpu.memref_slice %arg13[%mul3A_48] : memref<10240xf32, #tpu.memory_space<vmem_shared>> -> memref<640xf32, #tpu.memory_space<vmem_shared>>
      %dma_wait3A_55 = tpu.memref_slice %arg3[%mul3A_48] : memref<10240xf32, #tpu.memory_space<hbm>> -> memref<640xf32, #tpu.memory_space<hbm>>
      tpu.wait_dma2 semaphore(%run_scoped3A : memref<!tpu.dma_semaphore, #tpu.memory_space<semaphore_mem>>) src(%dma_wait3A_55 : memref<640xf32, #tpu.memory_space<hbm>>) dst(%dma_wait3A : memref<640xf32, #tpu.memory_space<vmem_shared>>)
      tpu.yield
    }) : () -> ()
    %barrier3A = arith.constant 0 : index
    tpu.barrier barrier_id(%barrier3A)
    %scan3A = arith.constant 0 : i32
    %scan3A_49 = arith.constant 40 : i32
    %scan3A_50 = arith.addi %scan3A, %scan3A_49 : i32
    %scan3A_51 = arith.constant 1 : i32
    scf.for %scan3A_54 = %scan3A to %scan3A_50 step %scan3A_51  : i32 {
      %mul3A_55 = arith.constant 2 : i32
      %mul3A_56 = arith.muli %scan3A_54, %mul3A_55 : i32
      %add3A_57 = arith.constant 0 : i32
      %add3A_58 = arith.addi %add3A_57, %mul3A_56 : i32
      %get3A = arith.index_cast %add3A_58 : i32 to index
      %get3A_59 = arith.constant 0 : index
      %get3A_60 = tpu.vector_load %arg6[%get3A, %get3A_59] {strides = array<i32>} : memref<80x128xi32, #tpu.memory_space<vmem>>, vector<1x16xi32>,
      %get3A_61 = vector.shape_cast %get3A_60 : vector<1x16xi32> to vector<16xi32>
      %shift_right_logical3A = arith.constant 14 : i32
      %shift_right_logical3A_62 = vector.broadcast %shift_right_logical3A : i32 to vector<16xi32>
      %shift_right_logical3A_63 = arith.shrui %get3A_61, %shift_right_logical3A_62 : vector<16xi32>
      %swap3A_64 = arith.constant 0 : index
      %swap3A_65 = tpu.vector_load %arg7[%swap3A_64] {strides = array<i32>} : memref<128xi32, #tpu.memory_space<vmem>>, vector<16xi32>,
      %swap3A_66 = vector.shape_cast %swap3A_65 : vector<16xi32> to vector<16xi32>
      %swap3A_67 = vector.shape_cast %shift_right_logical3A_63 : vector<16xi32> to vector<16xi32>
      tpu.vector_store %arg7[%swap3A_64], %swap3A_67 {strides = array<i32>} : memref<128xi32, #tpu.memory_space<vmem>>, vector<16xi32>,
      %and3A = arith.constant 16383 : i32
      %and3A_68 = vector.broadcast %and3A : i32 to vector<16xi32>
      %and3A_69 = arith.andi %get3A_61, %and3A_68 : vector<16xi32>
      %swap3A_70 = arith.constant 0 : index
      %swap3A_71 = tpu.vector_load %arg8[%swap3A_70] {strides = array<i32>} : memref<128xi32, #tpu.memory_space<vmem>>, vector<16xi32>,
      %swap3A_72 = vector.shape_cast %swap3A_71 : vector<16xi32> to vector<16xi32>
      %swap3A_73 = vector.shape_cast %and3A_69 : vector<16xi32> to vector<16xi32>
      tpu.vector_store %arg8[%swap3A_70], %swap3A_73 {strides = array<i32>} : memref<128xi32, #tpu.memory_space<vmem>>, vector<16xi32>,
      %get3A_74 = arith.index_cast %add3A_58 : i32 to index
      %get3A_75 = arith.constant 16 : index
      %get3A_76 = tpu.vector_load %arg6[%get3A_74, %get3A_75] {strides = array<i32>} : memref<80x128xi32, #tpu.memory_space<vmem>>, vector<1x16xi32>,
      %get3A_77 = vector.shape_cast %get3A_76 : vector<1x16xi32> to vector<16xi32>
      %shift_right_logical3A_78 = arith.constant 14 : i32
      %shift_right_logical3A_79 = vector.broadcast %shift_right_logical3A_78 : i32 to vector<16xi32>
      %shift_right_logical3A_80 = arith.shrui %get3A_77, %shift_right_logical3A_79 : vector<16xi32>
      %swap3A_81 = arith.constant 16 : index
      %swap3A_82 = tpu.vector_load %arg7[%swap3A_81] {strides = array<i32>} : memref<128xi32, #tpu.memory_space<vmem>>, vector<16xi32>,
      %swap3A_83 = vector.shape_cast %swap3A_82 : vector<16xi32> to vector<16xi32>
      %swap3A_84 = vector.shape_cast %shift_right_logical3A_80 : vector<16xi32> to vector<16xi32>
      tpu.vector_store %arg7[%swap3A_81], %swap3A_84 {strides = array<i32>} : memref<128xi32, #tpu.memory_space<vmem>>, vector<16xi32>,
      %and3A_85 = arith.constant 16383 : i32
      %and3A_86 = vector.broadcast %and3A_85 : i32 to vector<16xi32>
      %and3A_87 = arith.andi %get3A_77, %and3A_86 : vector<16xi32>
      %swap3A_88 = arith.constant 16 : index
      %swap3A_89 = tpu.vector_load %arg8[%swap3A_88] {strides = array<i32>} : memref<128xi32, #tpu.memory_space<vmem>>, vector<16xi32>,
      %swap3A_90 = vector.shape_cast %swap3A_89 : vector<16xi32> to vector<16xi32>
      %swap3A_91 = vector.shape_cast %and3A_87 : vector<16xi32> to vector<16xi32>
      tpu.vector_store %arg8[%swap3A_88], %swap3A_91 {strides = array<i32>} : memref<128xi32, #tpu.memory_space<vmem>>, vector<16xi32>,
      %get3A_92 = arith.index_cast %add3A_58 : i32 to index
      %get3A_93 = arith.constant 32 : index
      %get3A_94 = tpu.vector_load %arg6[%get3A_92, %get3A_93] {strides = array<i32>} : memref<80x128xi32, #tpu.memory_space<vmem>>, vector<1x16xi32>,
      %get3A_95 = vector.shape_cast %get3A_94 : vector<1x16xi32> to vector<16xi32>
      %shift_right_logical3A_96 = arith.constant 14 : i32
      %shift_right_logical3A_97 = vector.broadcast %shift_right_logical3A_96 : i32 to vector<16xi32>
      %shift_right_logical3A_98 = arith.shrui %get3A_95, %shift_right_logical3A_97 : vector<16xi32>
      %swap3A_99 = arith.constant 32 : index
      %swap3A_100 = tpu.vector_load %arg7[%swap3A_99] {strides = array<i32>} : memref<128xi32, #tpu.memory_space<vmem>>, vector<16xi32>,
      %swap3A_101 = vector.shape_cast %swap3A_100 : vector<16xi32> to vector<16xi32>
      %swap3A_102 = vector.shape_cast %shift_right_logical3A_98 : vector<16xi32> to vector<16xi32>
      tpu.vector_store %arg7[%swap3A_99], %swap3A_102 {strides = array<i32>} : memref<128xi32, #tpu.memory_space<vmem>>, vector<16xi32>,
      %and3A_103 = arith.constant 16383 : i32
      %and3A_104 = vector.broadcast %and3A_103 : i32 to vector<16xi32>
      %and3A_105 = arith.andi %get3A_95, %and3A_104 : vector<16xi32>
      %swap3A_106 = arith.constant 32 : index
      %swap3A_107 = tpu.vector_load %arg8[%swap3A_106] {strides = array<i32>} : memref<128xi32, #tpu.memory_space<vmem>>, vector<16xi32>,
      %swap3A_108 = vector.shape_cast %swap3A_107 : vector<16xi32> to vector<16xi32>
      %swap3A_109 = vector.shape_cast %and3A_105 : vector<16xi32> to vector<16xi32>
      tpu.vector_store %arg8[%swap3A_106], %swap3A_109 {strides = array<i32>} : memref<128xi32, #tpu.memory_space<vmem>>, vector<16xi32>,
      %get3A_110 = arith.index_cast %add3A_58 : i32 to index
      %get3A_111 = arith.constant 48 : index
      %get3A_112 = tpu.vector_load %arg6[%get3A_110, %get3A_111] {strides = array<i32>} : memref<80x128xi32, #tpu.memory_space<vmem>>, vector<1x16xi32>,
      %get3A_113 = vector.shape_cast %get3A_112 : vector<1x16xi32> to vector<16xi32>
      %shift_right_logical3A_114 = arith.constant 14 : i32
      %shift_right_logical3A_115 = vector.broadcast %shift_right_logical3A_114 : i32 to vector<16xi32>
      %shift_right_logical3A_116 = arith.shrui %get3A_113, %shift_right_logical3A_115 : vector<16xi32>
      %swap3A_117 = arith.constant 48 : index
      %swap3A_118 = tpu.vector_load %arg7[%swap3A_117] {strides = array<i32>} : memref<128xi32, #tpu.memory_space<vmem>>, vector<16xi32>,
      %swap3A_119 = vector.shape_cast %swap3A_118 : vector<16xi32> to vector<16xi32>
      %swap3A_120 = vector.shape_cast %shift_right_logical3A_116 : vector<16xi32> to vector<16xi32>
      tpu.vector_store %arg7[%swap3A_117], %swap3A_120 {strides = array<i32>} : memref<128xi32, #tpu.memory_space<vmem>>, vector<16xi32>,
      %and3A_121 = arith.constant 16383 : i32
      %and3A_122 = vector.broadcast %and3A_121 : i32 to vector<16xi32>
      %and3A_123 = arith.andi %get3A_113, %and3A_122 : vector<16xi32>
      %swap3A_124 = arith.constant 48 : index
      %swap3A_125 = tpu.vector_load %arg8[%swap3A_124] {strides = array<i32>} : memref<128xi32, #tpu.memory_space<vmem>>, vector<16xi32>,
      %swap3A_126 = vector.shape_cast %swap3A_125 : vector<16xi32> to vector<16xi32>
      %swap3A_127 = vector.shape_cast %and3A_123 : vector<16xi32> to vector<16xi32>
      tpu.vector_store %arg8[%swap3A_124], %swap3A_127 {strides = array<i32>} : memref<128xi32, #tpu.memory_space<vmem>>, vector<16xi32>,
      %get3A_128 = arith.index_cast %add3A_58 : i32 to index
      %get3A_129 = arith.constant 64 : index
      %get3A_130 = tpu.vector_load %arg6[%get3A_128, %get3A_129] {strides = array<i32>} : memref<80x128xi32, #tpu.memory_space<vmem>>, vector<1x16xi32>,
      %get3A_131 = vector.shape_cast %get3A_130 : vector<1x16xi32> to vector<16xi32>
      %shift_right_logical3A_132 = arith.constant 14 : i32
      %shift_right_logical3A_133 = vector.broadcast %shift_right_logical3A_132 : i32 to vector<16xi32>
      %shift_right_logical3A_134 = arith.shrui %get3A_131, %shift_right_logical3A_133 : vector<16xi32>
      %swap3A_135 = arith.constant 64 : index
      %swap3A_136 = tpu.vector_load %arg7[%swap3A_135] {strides = array<i32>} : memref<128xi32, #tpu.memory_space<vmem>>, vector<16xi32>,
      %swap3A_137 = vector.shape_cast %swap3A_136 : vector<16xi32> to vector<16xi32>
      %swap3A_138 = vector.shape_cast %shift_right_logical3A_134 : vector<16xi32> to vector<16xi32>
      tpu.vector_store %arg7[%swap3A_135], %swap3A_138 {strides = array<i32>} : memref<128xi32, #tpu.memory_space<vmem>>, vector<16xi32>,
      %and3A_139 = arith.constant 16383 : i32
      %and3A_140 = vector.broadcast %and3A_139 : i32 to vector<16xi32>
      %and3A_141 = arith.andi %get3A_131, %and3A_140 : vector<16xi32>
      %swap3A_142 = arith.constant 64 : index
      %swap3A_143 = tpu.vector_load %arg8[%swap3A_142] {strides = array<i32>} : memref<128xi32, #tpu.memory_space<vmem>>, vector<16xi32>,
      %swap3A_144 = vector.shape_cast %swap3A_143 : vector<16xi32> to vector<16xi32>
      %swap3A_145 = vector.shape_cast %and3A_141 : vector<16xi32> to vector<16xi32>
      tpu.vector_store %arg8[%swap3A_142], %swap3A_145 {strides = array<i32>} : memref<128xi32, #tpu.memory_space<vmem>>, vector<16xi32>,
      %get3A_146 = arith.index_cast %add3A_58 : i32 to index
      %get3A_147 = arith.constant 80 : index
      %get3A_148 = tpu.vector_load %arg6[%get3A_146, %get3A_147] {strides = array<i32>} : memref<80x128xi32, #tpu.memory_space<vmem>>, vector<1x16xi32>,
      %get3A_149 = vector.shape_cast %get3A_148 : vector<1x16xi32> to vector<16xi32>
      %shift_right_logical3A_150 = arith.constant 14 : i32
      %shift_right_logical3A_151 = vector.broadcast %shift_right_logical3A_150 : i32 to vector<16xi32>
      %shift_right_logical3A_152 = arith.shrui %get3A_149, %shift_right_logical3A_151 : vector<16xi32>
      %swap3A_153 = arith.constant 80 : index
      %swap3A_154 = tpu.vector_load %arg7[%swap3A_153] {strides = array<i32>} : memref<128xi32, #tpu.memory_space<vmem>>, vector<16xi32>,
      %swap3A_155 = vector.shape_cast %swap3A_154 : vector<16xi32> to vector<16xi32>
      %swap3A_156 = vector.shape_cast %shift_right_logical3A_152 : vector<16xi32> to vector<16xi32>
      tpu.vector_store %arg7[%swap3A_153], %swap3A_156 {strides = array<i32>} : memref<128xi32, #tpu.memory_space<vmem>>, vector<16xi32>,
      %and3A_157 = arith.constant 16383 : i32
      %and3A_158 = vector.broadcast %and3A_157 : i32 to vector<16xi32>
      %and3A_159 = arith.andi %get3A_149, %and3A_158 : vector<16xi32>
      %swap3A_160 = arith.constant 80 : index
      %swap3A_161 = tpu.vector_load %arg8[%swap3A_160] {strides = array<i32>} : memref<128xi32, #tpu.memory_space<vmem>>, vector<16xi32>,
      %swap3A_162 = vector.shape_cast %swap3A_161 : vector<16xi32> to vector<16xi32>
      %swap3A_163 = vector.shape_cast %and3A_159 : vector<16xi32> to vector<16xi32>
      tpu.vector_store %arg8[%swap3A_160], %swap3A_163 {strides = array<i32>} : memref<128xi32, #tpu.memory_space<vmem>>, vector<16xi32>,
      %get3A_164 = arith.index_cast %add3A_58 : i32 to index
      %get3A_165 = arith.constant 96 : index
      %get3A_166 = tpu.vector_load %arg6[%get3A_164, %get3A_165] {strides = array<i32>} : memref<80x128xi32, #tpu.memory_space<vmem>>, vector<1x16xi32>,
      %get3A_167 = vector.shape_cast %get3A_166 : vector<1x16xi32> to vector<16xi32>
      %shift_right_logical3A_168 = arith.constant 14 : i32
      %shift_right_logical3A_169 = vector.broadcast %shift_right_logical3A_168 : i32 to vector<16xi32>
      %shift_right_logical3A_170 = arith.shrui %get3A_167, %shift_right_logical3A_169 : vector<16xi32>
      %swap3A_171 = arith.constant 96 : index
      %swap3A_172 = tpu.vector_load %arg7[%swap3A_171] {strides = array<i32>} : memref<128xi32, #tpu.memory_space<vmem>>, vector<16xi32>,
      %swap3A_173 = vector.shape_cast %swap3A_172 : vector<16xi32> to vector<16xi32>
      %swap3A_174 = vector.shape_cast %shift_right_logical3A_170 : vector<16xi32> to vector<16xi32>
      tpu.vector_store %arg7[%swap3A_171], %swap3A_174 {strides = array<i32>} : memref<128xi32, #tpu.memory_space<vmem>>, vector<16xi32>,
      %and3A_175 = arith.constant 16383 : i32
      %and3A_176 = vector.broadcast %and3A_175 : i32 to vector<16xi32>
      %and3A_177 = arith.andi %get3A_167, %and3A_176 : vector<16xi32>
      %swap3A_178 = arith.constant 96 : index
      %swap3A_179 = tpu.vector_load %arg8[%swap3A_178] {strides = array<i32>} : memref<128xi32, #tpu.memory_space<vmem>>, vector<16xi32>,
      %swap3A_180 = vector.shape_cast %swap3A_179 : vector<16xi32> to vector<16xi32>
      %swap3A_181 = vector.shape_cast %and3A_177 : vector<16xi32> to vector<16xi32>
      tpu.vector_store %arg8[%swap3A_178], %swap3A_181 {strides = array<i32>} : memref<128xi32, #tpu.memory_space<vmem>>, vector<16xi32>,
      %get3A_182 = arith.index_cast %add3A_58 : i32 to index
      %get3A_183 = arith.constant 112 : index
      %get3A_184 = tpu.vector_load %arg6[%get3A_182, %get3A_183] {strides = array<i32>} : memref<80x128xi32, #tpu.memory_space<vmem>>, vector<1x16xi32>,
      %get3A_185 = vector.shape_cast %get3A_184 : vector<1x16xi32> to vector<16xi32>
      %shift_right_logical3A_186 = arith.constant 14 : i32
      %shift_right_logical3A_187 = vector.broadcast %shift_right_logical3A_186 : i32 to vector<16xi32>
      %shift_right_logical3A_188 = arith.shrui %get3A_185, %shift_right_logical3A_187 : vector<16xi32>
      %swap3A_189 = arith.constant 112 : index
      %swap3A_190 = tpu.vector_load %arg7[%swap3A_189] {strides = array<i32>} : memref<128xi32, #tpu.memory_space<vmem>>, vector<16xi32>,
      %swap3A_191 = vector.shape_cast %swap3A_190 : vector<16xi32> to vector<16xi32>
      %swap3A_192 = vector.shape_cast %shift_right_logical3A_188 : vector<16xi32> to vector<16xi32>
      tpu.vector_store %arg7[%swap3A_189], %swap3A_192 {strides = array<i32>} : memref<128xi32, #tpu.memory_space<vmem>>, vector<16xi32>,
      %and3A_193 = arith.constant 16383 : i32
      %and3A_194 = vector.broadcast %and3A_193 : i32 to vector<16xi32>
      %and3A_195 = arith.andi %get3A_185, %and3A_194 : vector<16xi32>
      %swap3A_196 = arith.constant 112 : index
      %swap3A_197 = tpu.vector_load %arg8[%swap3A_196] {strides = array<i32>} : memref<128xi32, #tpu.memory_space<vmem>>, vector<16xi32>,
      %swap3A_198 = vector.shape_cast %swap3A_197 : vector<16xi32> to vector<16xi32>
      %swap3A_199 = vector.shape_cast %and3A_195 : vector<16xi32> to vector<16xi32>
      tpu.vector_store %arg8[%swap3A_196], %swap3A_199 {strides = array<i32>} : memref<128xi32, #tpu.memory_space<vmem>>, vector<16xi32>,
      %dma_start3A = arith.constant 0 : i32
      %dma_start3A_200 = tpu.memref_slice %arg12[%dma_start3A] : memref<10240xf32, #tpu.memory_space<vmem_shared>> -> memref<10240xf32, #tpu.memory_space<vmem_shared>>
      tpu.enqueue_indirect_dma source(%arg11 : memref<128xf32, #tpu.memory_space<vmem>>) target(%dma_start3A_200 : memref<10240xf32, #tpu.memory_space<vmem_shared>>) offsets(%arg7 : memref<128xi32, #tpu.memory_space<vmem>>) semaphore(%arg14 : memref<!tpu.dma_semaphore, #tpu.memory_space<semaphore_mem>>) {add = true}
      %dma_start3A_201 = arith.constant 0 : i32
      %dma_start3A_202 = tpu.memref_slice %arg13[%dma_start3A_201] : memref<10240xf32, #tpu.memory_space<vmem_shared>> -> memref<10240xf32, #tpu.memory_space<vmem_shared>>
      tpu.enqueue_indirect_dma source(%arg11 : memref<128xf32, #tpu.memory_space<vmem>>) target(%dma_start3A_202 : memref<10240xf32, #tpu.memory_space<vmem_shared>>) offsets(%arg8 : memref<128xi32, #tpu.memory_space<vmem>>) semaphore(%arg15 : memref<!tpu.dma_semaphore, #tpu.memory_space<semaphore_mem>>) {add = true}
      %add3A_203 = arith.constant 1 : i32
      %add3A_204 = arith.addi %add3A_58, %add3A_203 : i32
      %get3A_205 = arith.index_cast %add3A_204 : i32 to index
      %get3A_206 = arith.constant 0 : index
      %get3A_207 = tpu.vector_load %arg6[%get3A_205, %get3A_206] {strides = array<i32>} : memref<80x128xi32, #tpu.memory_space<vmem>>, vector<1x16xi32>,
      %get3A_208 = vector.shape_cast %get3A_207 : vector<1x16xi32> to vector<16xi32>
      %shift_right_logical3A_209 = arith.constant 14 : i32
      %shift_right_logical3A_210 = vector.broadcast %shift_right_logical3A_209 : i32 to vector<16xi32>
      %shift_right_logical3A_211 = arith.shrui %get3A_208, %shift_right_logical3A_210 : vector<16xi32>
      %swap3A_212 = arith.constant 0 : index
      %swap3A_213 = tpu.vector_load %arg9[%swap3A_212] {strides = array<i32>} : memref<128xi32, #tpu.memory_space<vmem>>, vector<16xi32>,
      %swap3A_214 = vector.shape_cast %swap3A_213 : vector<16xi32> to vector<16xi32>
      %swap3A_215 = vector.shape_cast %shift_right_logical3A_211 : vector<16xi32> to vector<16xi32>
      tpu.vector_store %arg9[%swap3A_212], %swap3A_215 {strides = array<i32>} : memref<128xi32, #tpu.memory_space<vmem>>, vector<16xi32>,
      %and3A_216 = arith.constant 16383 : i32
      %and3A_217 = vector.broadcast %and3A_216 : i32 to vector<16xi32>
      %and3A_218 = arith.andi %get3A_208, %and3A_217 : vector<16xi32>
      %swap3A_219 = arith.constant 0 : index
      %swap3A_220 = tpu.vector_load %arg10[%swap3A_219] {strides = array<i32>} : memref<128xi32, #tpu.memory_space<vmem>>, vector<16xi32>,
      %swap3A_221 = vector.shape_cast %swap3A_220 : vector<16xi32> to vector<16xi32>
      %swap3A_222 = vector.shape_cast %and3A_218 : vector<16xi32> to vector<16xi32>
      tpu.vector_store %arg10[%swap3A_219], %swap3A_222 {strides = array<i32>} : memref<128xi32, #tpu.memory_space<vmem>>, vector<16xi32>,
      %get3A_223 = arith.index_cast %add3A_204 : i32 to index
      %get3A_224 = arith.constant 16 : index
      %get3A_225 = tpu.vector_load %arg6[%get3A_223, %get3A_224] {strides = array<i32>} : memref<80x128xi32, #tpu.memory_space<vmem>>, vector<1x16xi32>,
      %get3A_226 = vector.shape_cast %get3A_225 : vector<1x16xi32> to vector<16xi32>
      %shift_right_logical3A_227 = arith.constant 14 : i32
      %shift_right_logical3A_228 = vector.broadcast %shift_right_logical3A_227 : i32 to vector<16xi32>
      %shift_right_logical3A_229 = arith.shrui %get3A_226, %shift_right_logical3A_228 : vector<16xi32>
      %swap3A_230 = arith.constant 16 : index
      %swap3A_231 = tpu.vector_load %arg9[%swap3A_230] {strides = array<i32>} : memref<128xi32, #tpu.memory_space<vmem>>, vector<16xi32>,
      %swap3A_232 = vector.shape_cast %swap3A_231 : vector<16xi32> to vector<16xi32>
      %swap3A_233 = vector.shape_cast %shift_right_logical3A_229 : vector<16xi32> to vector<16xi32>
      tpu.vector_store %arg9[%swap3A_230], %swap3A_233 {strides = array<i32>} : memref<128xi32, #tpu.memory_space<vmem>>, vector<16xi32>,
      %and3A_234 = arith.constant 16383 : i32
      %and3A_235 = vector.broadcast %and3A_234 : i32 to vector<16xi32>
      %and3A_236 = arith.andi %get3A_226, %and3A_235 : vector<16xi32>
      %swap3A_237 = arith.constant 16 : index
      %swap3A_238 = tpu.vector_load %arg10[%swap3A_237] {strides = array<i32>} : memref<128xi32, #tpu.memory_space<vmem>>, vector<16xi32>,
      %swap3A_239 = vector.shape_cast %swap3A_238 : vector<16xi32> to vector<16xi32>
      %swap3A_240 = vector.shape_cast %and3A_236 : vector<16xi32> to vector<16xi32>
      tpu.vector_store %arg10[%swap3A_237], %swap3A_240 {strides = array<i32>} : memref<128xi32, #tpu.memory_space<vmem>>, vector<16xi32>,
      %get3A_241 = arith.index_cast %add3A_204 : i32 to index
      %get3A_242 = arith.constant 32 : index
      %get3A_243 = tpu.vector_load %arg6[%get3A_241, %get3A_242] {strides = array<i32>} : memref<80x128xi32, #tpu.memory_space<vmem>>, vector<1x16xi32>,
      %get3A_244 = vector.shape_cast %get3A_243 : vector<1x16xi32> to vector<16xi32>
      %shift_right_logical3A_245 = arith.constant 14 : i32
      %shift_right_logical3A_246 = vector.broadcast %shift_right_logical3A_245 : i32 to vector<16xi32>
      %shift_right_logical3A_247 = arith.shrui %get3A_244, %shift_right_logical3A_246 : vector<16xi32>
      %swap3A_248 = arith.constant 32 : index
      %swap3A_249 = tpu.vector_load %arg9[%swap3A_248] {strides = array<i32>} : memref<128xi32, #tpu.memory_space<vmem>>, vector<16xi32>,
      %swap3A_250 = vector.shape_cast %swap3A_249 : vector<16xi32> to vector<16xi32>
      %swap3A_251 = vector.shape_cast %shift_right_logical3A_247 : vector<16xi32> to vector<16xi32>
      tpu.vector_store %arg9[%swap3A_248], %swap3A_251 {strides = array<i32>} : memref<128xi32, #tpu.memory_space<vmem>>, vector<16xi32>,
      %and3A_252 = arith.constant 16383 : i32
      %and3A_253 = vector.broadcast %and3A_252 : i32 to vector<16xi32>
      %and3A_254 = arith.andi %get3A_244, %and3A_253 : vector<16xi32>
      %swap3A_255 = arith.constant 32 : index
      %swap3A_256 = tpu.vector_load %arg10[%swap3A_255] {strides = array<i32>} : memref<128xi32, #tpu.memory_space<vmem>>, vector<16xi32>,
      %swap3A_257 = vector.shape_cast %swap3A_256 : vector<16xi32> to vector<16xi32>
      %swap3A_258 = vector.shape_cast %and3A_254 : vector<16xi32> to vector<16xi32>
      tpu.vector_store %arg10[%swap3A_255], %swap3A_258 {strides = array<i32>} : memref<128xi32, #tpu.memory_space<vmem>>, vector<16xi32>,
      %get3A_259 = arith.index_cast %add3A_204 : i32 to index
      %get3A_260 = arith.constant 48 : index
      %get3A_261 = tpu.vector_load %arg6[%get3A_259, %get3A_260] {strides = array<i32>} : memref<80x128xi32, #tpu.memory_space<vmem>>, vector<1x16xi32>,
      %get3A_262 = vector.shape_cast %get3A_261 : vector<1x16xi32> to vector<16xi32>
      %shift_right_logical3A_263 = arith.constant 14 : i32
      %shift_right_logical3A_264 = vector.broadcast %shift_right_logical3A_263 : i32 to vector<16xi32>
      %shift_right_logical3A_265 = arith.shrui %get3A_262, %shift_right_logical3A_264 : vector<16xi32>
      %swap3A_266 = arith.constant 48 : index
      %swap3A_267 = tpu.vector_load %arg9[%swap3A_266] {strides = array<i32>} : memref<128xi32, #tpu.memory_space<vmem>>, vector<16xi32>,
      %swap3A_268 = vector.shape_cast %swap3A_267 : vector<16xi32> to vector<16xi32>
      %swap3A_269 = vector.shape_cast %shift_right_logical3A_265 : vector<16xi32> to vector<16xi32>
      tpu.vector_store %arg9[%swap3A_266], %swap3A_269 {strides = array<i32>} : memref<128xi32, #tpu.memory_space<vmem>>, vector<16xi32>,
      %and3A_270 = arith.constant 16383 : i32
      %and3A_271 = vector.broadcast %and3A_270 : i32 to vector<16xi32>
      %and3A_272 = arith.andi %get3A_262, %and3A_271 : vector<16xi32>
      %swap3A_273 = arith.constant 48 : index
      %swap3A_274 = tpu.vector_load %arg10[%swap3A_273] {strides = array<i32>} : memref<128xi32, #tpu.memory_space<vmem>>, vector<16xi32>,
      %swap3A_275 = vector.shape_cast %swap3A_274 : vector<16xi32> to vector<16xi32>
      %swap3A_276 = vector.shape_cast %and3A_272 : vector<16xi32> to vector<16xi32>
      tpu.vector_store %arg10[%swap3A_273], %swap3A_276 {strides = array<i32>} : memref<128xi32, #tpu.memory_space<vmem>>, vector<16xi32>,
      %get3A_277 = arith.index_cast %add3A_204 : i32 to index
      %get3A_278 = arith.constant 64 : index
      %get3A_279 = tpu.vector_load %arg6[%get3A_277, %get3A_278] {strides = array<i32>} : memref<80x128xi32, #tpu.memory_space<vmem>>, vector<1x16xi32>,
      %get3A_280 = vector.shape_cast %get3A_279 : vector<1x16xi32> to vector<16xi32>
      %shift_right_logical3A_281 = arith.constant 14 : i32
      %shift_right_logical3A_282 = vector.broadcast %shift_right_logical3A_281 : i32 to vector<16xi32>
      %shift_right_logical3A_283 = arith.shrui %get3A_280, %shift_right_logical3A_282 : vector<16xi32>
      %swap3A_284 = arith.constant 64 : index
      %swap3A_285 = tpu.vector_load %arg9[%swap3A_284] {strides = array<i32>} : memref<128xi32, #tpu.memory_space<vmem>>, vector<16xi32>,
      %swap3A_286 = vector.shape_cast %swap3A_285 : vector<16xi32> to vector<16xi32>
      %swap3A_287 = vector.shape_cast %shift_right_logical3A_283 : vector<16xi32> to vector<16xi32>
      tpu.vector_store %arg9[%swap3A_284], %swap3A_287 {strides = array<i32>} : memref<128xi32, #tpu.memory_space<vmem>>, vector<16xi32>,
      %and3A_288 = arith.constant 16383 : i32
      %and3A_289 = vector.broadcast %and3A_288 : i32 to vector<16xi32>
      %and3A_290 = arith.andi %get3A_280, %and3A_289 : vector<16xi32>
      %swap3A_291 = arith.constant 64 : index
      %swap3A_292 = tpu.vector_load %arg10[%swap3A_291] {strides = array<i32>} : memref<128xi32, #tpu.memory_space<vmem>>, vector<16xi32>,
      %swap3A_293 = vector.shape_cast %swap3A_292 : vector<16xi32> to vector<16xi32>
      %swap3A_294 = vector.shape_cast %and3A_290 : vector<16xi32> to vector<16xi32>
      tpu.vector_store %arg10[%swap3A_291], %swap3A_294 {strides = array<i32>} : memref<128xi32, #tpu.memory_space<vmem>>, vector<16xi32>,
      %get3A_295 = arith.index_cast %add3A_204 : i32 to index
      %get3A_296 = arith.constant 80 : index
      %get3A_297 = tpu.vector_load %arg6[%get3A_295, %get3A_296] {strides = array<i32>} : memref<80x128xi32, #tpu.memory_space<vmem>>, vector<1x16xi32>,
      %get3A_298 = vector.shape_cast %get3A_297 : vector<1x16xi32> to vector<16xi32>
      %shift_right_logical3A_299 = arith.constant 14 : i32
      %shift_right_logical3A_300 = vector.broadcast %shift_right_logical3A_299 : i32 to vector<16xi32>
      %shift_right_logical3A_301 = arith.shrui %get3A_298, %shift_right_logical3A_300 : vector<16xi32>
      %swap3A_302 = arith.constant 80 : index
      %swap3A_303 = tpu.vector_load %arg9[%swap3A_302] {strides = array<i32>} : memref<128xi32, #tpu.memory_space<vmem>>, vector<16xi32>,
      %swap3A_304 = vector.shape_cast %swap3A_303 : vector<16xi32> to vector<16xi32>
      %swap3A_305 = vector.shape_cast %shift_right_logical3A_301 : vector<16xi32> to vector<16xi32>
      tpu.vector_store %arg9[%swap3A_302], %swap3A_305 {strides = array<i32>} : memref<128xi32, #tpu.memory_space<vmem>>, vector<16xi32>,
      %and3A_306 = arith.constant 16383 : i32
      %and3A_307 = vector.broadcast %and3A_306 : i32 to vector<16xi32>
      %and3A_308 = arith.andi %get3A_298, %and3A_307 : vector<16xi32>
      %swap3A_309 = arith.constant 80 : index
      %swap3A_310 = tpu.vector_load %arg10[%swap3A_309] {strides = array<i32>} : memref<128xi32, #tpu.memory_space<vmem>>, vector<16xi32>,
      %swap3A_311 = vector.shape_cast %swap3A_310 : vector<16xi32> to vector<16xi32>
      %swap3A_312 = vector.shape_cast %and3A_308 : vector<16xi32> to vector<16xi32>
      tpu.vector_store %arg10[%swap3A_309], %swap3A_312 {strides = array<i32>} : memref<128xi32, #tpu.memory_space<vmem>>, vector<16xi32>,
      %get3A_313 = arith.index_cast %add3A_204 : i32 to index
      %get3A_314 = arith.constant 96 : index
      %get3A_315 = tpu.vector_load %arg6[%get3A_313, %get3A_314] {strides = array<i32>} : memref<80x128xi32, #tpu.memory_space<vmem>>, vector<1x16xi32>,
      %get3A_316 = vector.shape_cast %get3A_315 : vector<1x16xi32> to vector<16xi32>
      %shift_right_logical3A_317 = arith.constant 14 : i32
      %shift_right_logical3A_318 = vector.broadcast %shift_right_logical3A_317 : i32 to vector<16xi32>
      %shift_right_logical3A_319 = arith.shrui %get3A_316, %shift_right_logical3A_318 : vector<16xi32>
      %swap3A_320 = arith.constant 96 : index
      %swap3A_321 = tpu.vector_load %arg9[%swap3A_320] {strides = array<i32>} : memref<128xi32, #tpu.memory_space<vmem>>, vector<16xi32>,
      %swap3A_322 = vector.shape_cast %swap3A_321 : vector<16xi32> to vector<16xi32>
      %swap3A_323 = vector.shape_cast %shift_right_logical3A_319 : vector<16xi32> to vector<16xi32>
      tpu.vector_store %arg9[%swap3A_320], %swap3A_323 {strides = array<i32>} : memref<128xi32, #tpu.memory_space<vmem>>, vector<16xi32>,
      %and3A_324 = arith.constant 16383 : i32
      %and3A_325 = vector.broadcast %and3A_324 : i32 to vector<16xi32>
      %and3A_326 = arith.andi %get3A_316, %and3A_325 : vector<16xi32>
      %swap3A_327 = arith.constant 96 : index
      %swap3A_328 = tpu.vector_load %arg10[%swap3A_327] {strides = array<i32>} : memref<128xi32, #tpu.memory_space<vmem>>, vector<16xi32>,
      %swap3A_329 = vector.shape_cast %swap3A_328 : vector<16xi32> to vector<16xi32>
      %swap3A_330 = vector.shape_cast %and3A_326 : vector<16xi32> to vector<16xi32>
      tpu.vector_store %arg10[%swap3A_327], %swap3A_330 {strides = array<i32>} : memref<128xi32, #tpu.memory_space<vmem>>, vector<16xi32>,
      %get3A_331 = arith.index_cast %add3A_204 : i32 to index
      %get3A_332 = arith.constant 112 : index
      %get3A_333 = tpu.vector_load %arg6[%get3A_331, %get3A_332] {strides = array<i32>} : memref<80x128xi32, #tpu.memory_space<vmem>>, vector<1x16xi32>,
      %get3A_334 = vector.shape_cast %get3A_333 : vector<1x16xi32> to vector<16xi32>
      %shift_right_logical3A_335 = arith.constant 14 : i32
      %shift_right_logical3A_336 = vector.broadcast %shift_right_logical3A_335 : i32 to vector<16xi32>
      %shift_right_logical3A_337 = arith.shrui %get3A_334, %shift_right_logical3A_336 : vector<16xi32>
      %swap3A_338 = arith.constant 112 : index
      %swap3A_339 = tpu.vector_load %arg9[%swap3A_338] {strides = array<i32>} : memref<128xi32, #tpu.memory_space<vmem>>, vector<16xi32>,
      %swap3A_340 = vector.shape_cast %swap3A_339 : vector<16xi32> to vector<16xi32>
      %swap3A_341 = vector.shape_cast %shift_right_logical3A_337 : vector<16xi32> to vector<16xi32>
      tpu.vector_store %arg9[%swap3A_338], %swap3A_341 {strides = array<i32>} : memref<128xi32, #tpu.memory_space<vmem>>, vector<16xi32>,
      %and3A_342 = arith.constant 16383 : i32
      %and3A_343 = vector.broadcast %and3A_342 : i32 to vector<16xi32>
      %and3A_344 = arith.andi %get3A_334, %and3A_343 : vector<16xi32>
      %swap3A_345 = arith.constant 112 : index
      %swap3A_346 = tpu.vector_load %arg10[%swap3A_345] {strides = array<i32>} : memref<128xi32, #tpu.memory_space<vmem>>, vector<16xi32>,
      %swap3A_347 = vector.shape_cast %swap3A_346 : vector<16xi32> to vector<16xi32>
      %swap3A_348 = vector.shape_cast %and3A_344 : vector<16xi32> to vector<16xi32>
      tpu.vector_store %arg10[%swap3A_345], %swap3A_348 {strides = array<i32>} : memref<128xi32, #tpu.memory_space<vmem>>, vector<16xi32>,
      %dma_start3A_349 = arith.constant 0 : i32
      %dma_start3A_350 = tpu.memref_slice %arg12[%dma_start3A_349] : memref<10240xf32, #tpu.memory_space<vmem_shared>> -> memref<10240xf32, #tpu.memory_space<vmem_shared>>
      tpu.enqueue_indirect_dma source(%arg11 : memref<128xf32, #tpu.memory_space<vmem>>) target(%dma_start3A_350 : memref<10240xf32, #tpu.memory_space<vmem_shared>>) offsets(%arg9 : memref<128xi32, #tpu.memory_space<vmem>>) semaphore(%arg16 : memref<!tpu.dma_semaphore, #tpu.memory_space<semaphore_mem>>) {add = true}
      %dma_start3A_351 = arith.constant 0 : i32
      %dma_start3A_352 = tpu.memref_slice %arg13[%dma_start3A_351] : memref<10240xf32, #tpu.memory_space<vmem_shared>> -> memref<10240xf32, #tpu.memory_space<vmem_shared>>
      tpu.enqueue_indirect_dma source(%arg11 : memref<128xf32, #tpu.memory_space<vmem>>) target(%dma_start3A_352 : memref<10240xf32, #tpu.memory_space<vmem_shared>>) offsets(%arg10 : memref<128xi32, #tpu.memory_space<vmem>>) semaphore(%arg17 : memref<!tpu.dma_semaphore, #tpu.memory_space<semaphore_mem>>) {add = true}
      %dma_wait3A = arith.constant 0 : i32
      %dma_wait3A_353 = tpu.memref_slice %arg12[%dma_wait3A] : memref<10240xf32, #tpu.memory_space<vmem_shared>> -> memref<10240xf32, #tpu.memory_space<vmem_shared>>
      tpu.wait_indirect_dma semaphore(%arg14 : memref<!tpu.dma_semaphore, #tpu.memory_space<semaphore_mem>>) src(%arg11 : memref<128xf32, #tpu.memory_space<vmem>>) dst(%dma_wait3A_353 : memref<10240xf32, #tpu.memory_space<vmem_shared>>)
      %dma_wait3A_354 = arith.constant 0 : i32
      %dma_wait3A_355 = tpu.memref_slice %arg13[%dma_wait3A_354] : memref<10240xf32, #tpu.memory_space<vmem_shared>> -> memref<10240xf32, #tpu.memory_space<vmem_shared>>
      tpu.wait_indirect_dma semaphore(%arg15 : memref<!tpu.dma_semaphore, #tpu.memory_space<semaphore_mem>>) src(%arg11 : memref<128xf32, #tpu.memory_space<vmem>>) dst(%dma_wait3A_355 : memref<10240xf32, #tpu.memory_space<vmem_shared>>)
      %dma_wait3A_356 = arith.constant 0 : i32
      %dma_wait3A_357 = tpu.memref_slice %arg12[%dma_wait3A_356] : memref<10240xf32, #tpu.memory_space<vmem_shared>> -> memref<10240xf32, #tpu.memory_space<vmem_shared>>
      tpu.wait_indirect_dma semaphore(%arg16 : memref<!tpu.dma_semaphore, #tpu.memory_space<semaphore_mem>>) src(%arg11 : memref<128xf32, #tpu.memory_space<vmem>>) dst(%dma_wait3A_357 : memref<10240xf32, #tpu.memory_space<vmem_shared>>)
      %dma_wait3A_358 = arith.constant 0 : i32
      %dma_wait3A_359 = tpu.memref_slice %arg13[%dma_wait3A_358] : memref<10240xf32, #tpu.memory_space<vmem_shared>> -> memref<10240xf32, #tpu.memory_space<vmem_shared>>
      tpu.wait_indirect_dma semaphore(%arg17 : memref<!tpu.dma_semaphore, #tpu.memory_space<semaphore_mem>>) src(%arg11 : memref<128xf32, #tpu.memory_space<vmem>>) dst(%dma_wait3A_359 : memref<10240xf32, #tpu.memory_space<vmem_shared>>)
    }
    %scan3A_52 = arith.constant 40 : i32
    %barrier3A_53 = arith.constant 0 : index
    tpu.barrier barrier_id(%barrier3A_53)
    "tpu.region"() ({
      %run_scoped3A = tpu.sem_alloc : memref<!tpu.dma_semaphore, #tpu.memory_space<semaphore_mem>>
      %dma_start3A = tpu.memref_slice %arg4[%arg0, %mul3A_48] : memref<2x10240xf32, #tpu.memory_space<hbm>> -> memref<1x640xf32, #tpu.memory_space<hbm>>
      %dma_start3A_54 = tpu.memref_squeeze %dma_start3A : memref<1x640xf32, #tpu.memory_space<hbm>> -> memref<640xf32, #tpu.memory_space<hbm>>
      %dma_start3A_55 = tpu.memref_slice %arg12[%mul3A_48] : memref<10240xf32, #tpu.memory_space<vmem_shared>> -> memref<640xf32, #tpu.memory_space<vmem_shared>>
      tpu.enqueue_dma source(%dma_start3A_55 : memref<640xf32, #tpu.memory_space<vmem_shared>>) target(%dma_start3A_54 : memref<640xf32, #tpu.memory_space<hbm>>) target_semaphore(%run_scoped3A : memref<!tpu.dma_semaphore, #tpu.memory_space<semaphore_mem>>)
      %dma_wait3A = tpu.memref_slice %arg4[%arg0, %mul3A_48] : memref<2x10240xf32, #tpu.memory_space<hbm>> -> memref<1x640xf32, #tpu.memory_space<hbm>>
      %dma_wait3A_56 = tpu.memref_squeeze %dma_wait3A : memref<1x640xf32, #tpu.memory_space<hbm>> -> memref<640xf32, #tpu.memory_space<hbm>>
      %dma_wait3A_57 = tpu.memref_slice %arg12[%mul3A_48] : memref<10240xf32, #tpu.memory_space<vmem_shared>> -> memref<640xf32, #tpu.memory_space<vmem_shared>>
      tpu.wait_dma2 semaphore(%run_scoped3A : memref<!tpu.dma_semaphore, #tpu.memory_space<semaphore_mem>>) src(%dma_wait3A_57 : memref<640xf32, #tpu.memory_space<vmem_shared>>) dst(%dma_wait3A_56 : memref<640xf32, #tpu.memory_space<hbm>>)
      tpu.yield
    }) : () -> ()
    "tpu.region"() ({
      %run_scoped3A = tpu.sem_alloc : memref<!tpu.dma_semaphore, #tpu.memory_space<semaphore_mem>>
      %dma_start3A = tpu.memref_slice %arg5[%arg0, %mul3A_48] : memref<2x10240xf32, #tpu.memory_space<hbm>> -> memref<1x640xf32, #tpu.memory_space<hbm>>
      %dma_start3A_54 = tpu.memref_squeeze %dma_start3A : memref<1x640xf32, #tpu.memory_space<hbm>> -> memref<640xf32, #tpu.memory_space<hbm>>
      %dma_start3A_55 = tpu.memref_slice %arg13[%mul3A_48] : memref<10240xf32, #tpu.memory_space<vmem_shared>> -> memref<640xf32, #tpu.memory_space<vmem_shared>>
      tpu.enqueue_dma source(%dma_start3A_55 : memref<640xf32, #tpu.memory_space<vmem_shared>>) target(%dma_start3A_54 : memref<640xf32, #tpu.memory_space<hbm>>) target_semaphore(%run_scoped3A : memref<!tpu.dma_semaphore, #tpu.memory_space<semaphore_mem>>)
      %dma_wait3A = tpu.memref_slice %arg5[%arg0, %mul3A_48] : memref<2x10240xf32, #tpu.memory_space<hbm>> -> memref<1x640xf32, #tpu.memory_space<hbm>>
      %dma_wait3A_56 = tpu.memref_squeeze %dma_wait3A : memref<1x640xf32, #tpu.memory_space<hbm>> -> memref<640xf32, #tpu.memory_space<hbm>>
      %dma_wait3A_57 = tpu.memref_slice %arg13[%mul3A_48] : memref<10240xf32, #tpu.memory_space<vmem_shared>> -> memref<640xf32, #tpu.memory_space<vmem_shared>>
      tpu.wait_dma2 semaphore(%run_scoped3A : memref<!tpu.dma_semaphore, #tpu.memory_space<semaphore_mem>>) src(%dma_wait3A_57 : memref<640xf32, #tpu.memory_space<vmem_shared>>) dst(%dma_wait3A_56 : memref<640xf32, #tpu.memory_space<hbm>>)
      tpu.yield
    }) : () -> ()
    return
  }
}

#map = affine_map<(d0, d1) -> (0, 0)>
#map1 = affine_map<(d0, d1) -> (0, 0, 0)>
module attributes {stable_mosaic.version = 14 : i64} {
  func.func @_prop128(%arg0: i32, %arg1: i32, %arg2: memref<10240x128xf32, #tpu.memory_space<hbm>>, %arg3: memref<32x80x128xi32, #tpu.memory_space<hbm>>, %arg4: memref<10240x128xf32, #tpu.memory_space<hbm>>, %arg5: memref<2x10240x128xf32, #tpu.memory_space<hbm>>, %arg6: memref<80x128xi32, #tpu.memory_space<vmem>>, %arg7: memref<128xi32, #tpu.memory_space<vmem>>, %arg8: memref<128xi32, #tpu.memory_space<vmem>>, %arg9: memref<128xi32, #tpu.memory_space<vmem>>, %arg10: memref<128xi32, #tpu.memory_space<vmem>>, %arg11: memref<128x128xf32, #tpu.memory_space<vmem>>, %arg12: memref<128x128xf32, #tpu.memory_space<vmem>>, %arg13: memref<10240x128xf32, #tpu.memory_space<vmem_shared>>, %arg14: memref<!tpu.dma_semaphore, #tpu.memory_space<semaphore_mem>>, %arg15: memref<!tpu.dma_semaphore, #tpu.memory_space<semaphore_mem>>) attributes {dimension_semantics = [#tpu.dimension_semantics<core_parallel>, #tpu.dimension_semantics<subcore_parallel>], iteration_bounds = array<i64: 2, 16>, scalar_prefetch = 0 : i64, scratch_operands = 10 : i64, tpu.core_type = #tpu.core_type<sc_vector_subcore>, window_params = [{transform_indices = #map}, {transform_indices = #map1}, {transform_indices = #map}, {transform_indices = #map1}]} {
    %mul3A = arith.constant 2 : i32
    %mul3A_0 = arith.muli %arg1, %mul3A : i32
    %add3A = arith.addi %mul3A_0, %arg0 : i32
    %mul3A_1 = arith.constant 640 : i32
    %mul3A_2 = arith.muli %arg1, %mul3A_1 : i32
    "tpu.region"() ({
      %run_scoped3A = tpu.sem_alloc : memref<!tpu.dma_semaphore, #tpu.memory_space<semaphore_mem>>
      %dma_start3A_158 = arith.constant 0 : i32
      %dma_start3A_159 = arith.constant 0 : i32
      %dma_start3A_160 = tpu.memref_slice %arg3[%add3A, %dma_start3A_158, %dma_start3A_159] : memref<32x80x128xi32, #tpu.memory_space<hbm>> -> memref<1x80x128xi32, #tpu.memory_space<hbm>>
      %dma_start3A_161 = tpu.memref_squeeze %dma_start3A_160 : memref<1x80x128xi32, #tpu.memory_space<hbm>> -> memref<80x128xi32, #tpu.memory_space<hbm>>
      %dma_start3A_162 = arith.constant 0 : i32
      %dma_start3A_163 = arith.constant 0 : i32
      %dma_start3A_164 = tpu.memref_slice %arg3[%add3A, %dma_start3A_162, %dma_start3A_163] : memref<32x80x128xi32, #tpu.memory_space<hbm>> -> memref<1x80x128xi32, #tpu.memory_space<hbm>>
      %dma_start3A_165 = tpu.memref_squeeze %dma_start3A_164 : memref<1x80x128xi32, #tpu.memory_space<hbm>> -> memref<80x128xi32, #tpu.memory_space<hbm>>
      tpu.enqueue_dma source(%dma_start3A_165 : memref<80x128xi32, #tpu.memory_space<hbm>>) target(%arg6 : memref<80x128xi32, #tpu.memory_space<vmem>>) target_semaphore(%run_scoped3A : memref<!tpu.dma_semaphore, #tpu.memory_space<semaphore_mem>>)
      %dma_wait3A = arith.constant 0 : i32
      %dma_wait3A_166 = arith.constant 0 : i32
      %dma_wait3A_167 = tpu.memref_slice %arg3[%add3A, %dma_wait3A, %dma_wait3A_166] : memref<32x80x128xi32, #tpu.memory_space<hbm>> -> memref<1x80x128xi32, #tpu.memory_space<hbm>>
      %dma_wait3A_168 = tpu.memref_squeeze %dma_wait3A_167 : memref<1x80x128xi32, #tpu.memory_space<hbm>> -> memref<80x128xi32, #tpu.memory_space<hbm>>
      %dma_wait3A_169 = arith.constant 0 : i32
      %dma_wait3A_170 = arith.constant 0 : i32
      %dma_wait3A_171 = tpu.memref_slice %arg3[%add3A, %dma_wait3A_169, %dma_wait3A_170] : memref<32x80x128xi32, #tpu.memory_space<hbm>> -> memref<1x80x128xi32, #tpu.memory_space<hbm>>
      %dma_wait3A_172 = tpu.memref_squeeze %dma_wait3A_171 : memref<1x80x128xi32, #tpu.memory_space<hbm>> -> memref<80x128xi32, #tpu.memory_space<hbm>>
      tpu.wait_dma2 semaphore(%run_scoped3A : memref<!tpu.dma_semaphore, #tpu.memory_space<semaphore_mem>>) src(%dma_wait3A_172 : memref<80x128xi32, #tpu.memory_space<hbm>>) dst(%arg6 : memref<80x128xi32, #tpu.memory_space<vmem>>)
      tpu.yield
    }) : () -> ()
    "tpu.region"() ({
      %run_scoped3A = tpu.sem_alloc : memref<!tpu.dma_semaphore, #tpu.memory_space<semaphore_mem>>
      %dma_start3A_158 = arith.constant 0 : i32
      %dma_start3A_159 = tpu.memref_slice %arg13[%mul3A_2, %dma_start3A_158] : memref<10240x128xf32, #tpu.memory_space<vmem_shared>> -> memref<640x128xf32, #tpu.memory_space<vmem_shared>>
      %dma_start3A_160 = arith.constant 0 : i32
      %dma_start3A_161 = tpu.memref_slice %arg4[%mul3A_2, %dma_start3A_160] : memref<10240x128xf32, #tpu.memory_space<hbm>> -> memref<640x128xf32, #tpu.memory_space<hbm>>
      tpu.enqueue_dma source(%dma_start3A_161 : memref<640x128xf32, #tpu.memory_space<hbm>>) target(%dma_start3A_159 : memref<640x128xf32, #tpu.memory_space<vmem_shared>>) target_semaphore(%run_scoped3A : memref<!tpu.dma_semaphore, #tpu.memory_space<semaphore_mem>>)
      %dma_wait3A = arith.constant 0 : i32
      %dma_wait3A_162 = tpu.memref_slice %arg13[%mul3A_2, %dma_wait3A] : memref<10240x128xf32, #tpu.memory_space<vmem_shared>> -> memref<640x128xf32, #tpu.memory_space<vmem_shared>>
      %dma_wait3A_163 = arith.constant 0 : i32
      %dma_wait3A_164 = tpu.memref_slice %arg4[%mul3A_2, %dma_wait3A_163] : memref<10240x128xf32, #tpu.memory_space<hbm>> -> memref<640x128xf32, #tpu.memory_space<hbm>>
      tpu.wait_dma2 semaphore(%run_scoped3A : memref<!tpu.dma_semaphore, #tpu.memory_space<semaphore_mem>>) src(%dma_wait3A_164 : memref<640x128xf32, #tpu.memory_space<hbm>>) dst(%dma_wait3A_162 : memref<640x128xf32, #tpu.memory_space<vmem_shared>>)
      tpu.yield
    }) : () -> ()
    %barrier3A = arith.constant 0 : index
    tpu.barrier barrier_id(%barrier3A)
    %get3A = arith.constant 0 : i32
    %get3A_3 = arith.index_cast %get3A : i32 to index
    %get3A_4 = arith.constant 0 : index
    %get3A_5 = tpu.vector_load %arg6[%get3A_3, %get3A_4] {strides = array<i32>} : memref<80x128xi32, #tpu.memory_space<vmem>>, vector<1x16xi32>,
    %get3A_6 = vector.shape_cast %get3A_5 : vector<1x16xi32> to vector<16xi32>
    %shift_right_logical3A = arith.constant 14 : i32
    %shift_right_logical3A_7 = vector.broadcast %shift_right_logical3A : i32 to vector<16xi32>
    %shift_right_logical3A_8 = arith.shrui %get3A_6, %shift_right_logical3A_7 : vector<16xi32>
    %swap3A = arith.constant 0 : index
    %swap3A_9 = tpu.vector_load %arg7[%swap3A] {strides = array<i32>} : memref<128xi32, #tpu.memory_space<vmem>>, vector<16xi32>,
    %swap3A_10 = vector.shape_cast %swap3A_9 : vector<16xi32> to vector<16xi32>
    %swap3A_11 = vector.shape_cast %shift_right_logical3A_8 : vector<16xi32> to vector<16xi32>
    tpu.vector_store %arg7[%swap3A], %swap3A_11 {strides = array<i32>} : memref<128xi32, #tpu.memory_space<vmem>>, vector<16xi32>,
    %and3A = arith.constant 16383 : i32
    %and3A_12 = vector.broadcast %and3A : i32 to vector<16xi32>
    %and3A_13 = arith.andi %get3A_6, %and3A_12 : vector<16xi32>
    %swap3A_14 = arith.constant 0 : index
    %swap3A_15 = tpu.vector_load %arg8[%swap3A_14] {strides = array<i32>} : memref<128xi32, #tpu.memory_space<vmem>>, vector<16xi32>,
    %swap3A_16 = vector.shape_cast %swap3A_15 : vector<16xi32> to vector<16xi32>
    %swap3A_17 = vector.shape_cast %and3A_13 : vector<16xi32> to vector<16xi32>
    tpu.vector_store %arg8[%swap3A_14], %swap3A_17 {strides = array<i32>} : memref<128xi32, #tpu.memory_space<vmem>>, vector<16xi32>,
    %get3A_18 = arith.constant 0 : i32
    %get3A_19 = arith.index_cast %get3A_18 : i32 to index
    %get3A_20 = arith.constant 16 : index
    %get3A_21 = tpu.vector_load %arg6[%get3A_19, %get3A_20] {strides = array<i32>} : memref<80x128xi32, #tpu.memory_space<vmem>>, vector<1x16xi32>,
    %get3A_22 = vector.shape_cast %get3A_21 : vector<1x16xi32> to vector<16xi32>
    %shift_right_logical3A_23 = arith.constant 14 : i32
    %shift_right_logical3A_24 = vector.broadcast %shift_right_logical3A_23 : i32 to vector<16xi32>
    %shift_right_logical3A_25 = arith.shrui %get3A_22, %shift_right_logical3A_24 : vector<16xi32>
    %swap3A_26 = arith.constant 16 : index
    %swap3A_27 = tpu.vector_load %arg7[%swap3A_26] {strides = array<i32>} : memref<128xi32, #tpu.memory_space<vmem>>, vector<16xi32>,
    %swap3A_28 = vector.shape_cast %swap3A_27 : vector<16xi32> to vector<16xi32>
    %swap3A_29 = vector.shape_cast %shift_right_logical3A_25 : vector<16xi32> to vector<16xi32>
    tpu.vector_store %arg7[%swap3A_26], %swap3A_29 {strides = array<i32>} : memref<128xi32, #tpu.memory_space<vmem>>, vector<16xi32>,
    %and3A_30 = arith.constant 16383 : i32
    %and3A_31 = vector.broadcast %and3A_30 : i32 to vector<16xi32>
    %and3A_32 = arith.andi %get3A_22, %and3A_31 : vector<16xi32>
    %swap3A_33 = arith.constant 16 : index
    %swap3A_34 = tpu.vector_load %arg8[%swap3A_33] {strides = array<i32>} : memref<128xi32, #tpu.memory_space<vmem>>, vector<16xi32>,
    %swap3A_35 = vector.shape_cast %swap3A_34 : vector<16xi32> to vector<16xi32>
    %swap3A_36 = vector.shape_cast %and3A_32 : vector<16xi32> to vector<16xi32>
    tpu.vector_store %arg8[%swap3A_33], %swap3A_36 {strides = array<i32>} : memref<128xi32, #tpu.memory_space<vmem>>, vector<16xi32>,
    %get3A_37 = arith.constant 0 : i32
    %get3A_38 = arith.index_cast %get3A_37 : i32 to index
    %get3A_39 = arith.constant 32 : index
    %get3A_40 = tpu.vector_load %arg6[%get3A_38, %get3A_39] {strides = array<i32>} : memref<80x128xi32, #tpu.memory_space<vmem>>, vector<1x16xi32>,
    %get3A_41 = vector.shape_cast %get3A_40 : vector<1x16xi32> to vector<16xi32>
    %shift_right_logical3A_42 = arith.constant 14 : i32
    %shift_right_logical3A_43 = vector.broadcast %shift_right_logical3A_42 : i32 to vector<16xi32>
    %shift_right_logical3A_44 = arith.shrui %get3A_41, %shift_right_logical3A_43 : vector<16xi32>
    %swap3A_45 = arith.constant 32 : index
    %swap3A_46 = tpu.vector_load %arg7[%swap3A_45] {strides = array<i32>} : memref<128xi32, #tpu.memory_space<vmem>>, vector<16xi32>,
    %swap3A_47 = vector.shape_cast %swap3A_46 : vector<16xi32> to vector<16xi32>
    %swap3A_48 = vector.shape_cast %shift_right_logical3A_44 : vector<16xi32> to vector<16xi32>
    tpu.vector_store %arg7[%swap3A_45], %swap3A_48 {strides = array<i32>} : memref<128xi32, #tpu.memory_space<vmem>>, vector<16xi32>,
    %and3A_49 = arith.constant 16383 : i32
    %and3A_50 = vector.broadcast %and3A_49 : i32 to vector<16xi32>
    %and3A_51 = arith.andi %get3A_41, %and3A_50 : vector<16xi32>
    %swap3A_52 = arith.constant 32 : index
    %swap3A_53 = tpu.vector_load %arg8[%swap3A_52] {strides = array<i32>} : memref<128xi32, #tpu.memory_space<vmem>>, vector<16xi32>,
    %swap3A_54 = vector.shape_cast %swap3A_53 : vector<16xi32> to vector<16xi32>
    %swap3A_55 = vector.shape_cast %and3A_51 : vector<16xi32> to vector<16xi32>
    tpu.vector_store %arg8[%swap3A_52], %swap3A_55 {strides = array<i32>} : memref<128xi32, #tpu.memory_space<vmem>>, vector<16xi32>,
    %get3A_56 = arith.constant 0 : i32
    %get3A_57 = arith.index_cast %get3A_56 : i32 to index
    %get3A_58 = arith.constant 48 : index
    %get3A_59 = tpu.vector_load %arg6[%get3A_57, %get3A_58] {strides = array<i32>} : memref<80x128xi32, #tpu.memory_space<vmem>>, vector<1x16xi32>,
    %get3A_60 = vector.shape_cast %get3A_59 : vector<1x16xi32> to vector<16xi32>
    %shift_right_logical3A_61 = arith.constant 14 : i32
    %shift_right_logical3A_62 = vector.broadcast %shift_right_logical3A_61 : i32 to vector<16xi32>
    %shift_right_logical3A_63 = arith.shrui %get3A_60, %shift_right_logical3A_62 : vector<16xi32>
    %swap3A_64 = arith.constant 48 : index
    %swap3A_65 = tpu.vector_load %arg7[%swap3A_64] {strides = array<i32>} : memref<128xi32, #tpu.memory_space<vmem>>, vector<16xi32>,
    %swap3A_66 = vector.shape_cast %swap3A_65 : vector<16xi32> to vector<16xi32>
    %swap3A_67 = vector.shape_cast %shift_right_logical3A_63 : vector<16xi32> to vector<16xi32>
    tpu.vector_store %arg7[%swap3A_64], %swap3A_67 {strides = array<i32>} : memref<128xi32, #tpu.memory_space<vmem>>, vector<16xi32>,
    %and3A_68 = arith.constant 16383 : i32
    %and3A_69 = vector.broadcast %and3A_68 : i32 to vector<16xi32>
    %and3A_70 = arith.andi %get3A_60, %and3A_69 : vector<16xi32>
    %swap3A_71 = arith.constant 48 : index
    %swap3A_72 = tpu.vector_load %arg8[%swap3A_71] {strides = array<i32>} : memref<128xi32, #tpu.memory_space<vmem>>, vector<16xi32>,
    %swap3A_73 = vector.shape_cast %swap3A_72 : vector<16xi32> to vector<16xi32>
    %swap3A_74 = vector.shape_cast %and3A_70 : vector<16xi32> to vector<16xi32>
    tpu.vector_store %arg8[%swap3A_71], %swap3A_74 {strides = array<i32>} : memref<128xi32, #tpu.memory_space<vmem>>, vector<16xi32>,
    %get3A_75 = arith.constant 0 : i32
    %get3A_76 = arith.index_cast %get3A_75 : i32 to index
    %get3A_77 = arith.constant 64 : index
    %get3A_78 = tpu.vector_load %arg6[%get3A_76, %get3A_77] {strides = array<i32>} : memref<80x128xi32, #tpu.memory_space<vmem>>, vector<1x16xi32>,
    %get3A_79 = vector.shape_cast %get3A_78 : vector<1x16xi32> to vector<16xi32>
    %shift_right_logical3A_80 = arith.constant 14 : i32
    %shift_right_logical3A_81 = vector.broadcast %shift_right_logical3A_80 : i32 to vector<16xi32>
    %shift_right_logical3A_82 = arith.shrui %get3A_79, %shift_right_logical3A_81 : vector<16xi32>
    %swap3A_83 = arith.constant 64 : index
    %swap3A_84 = tpu.vector_load %arg7[%swap3A_83] {strides = array<i32>} : memref<128xi32, #tpu.memory_space<vmem>>, vector<16xi32>,
    %swap3A_85 = vector.shape_cast %swap3A_84 : vector<16xi32> to vector<16xi32>
    %swap3A_86 = vector.shape_cast %shift_right_logical3A_82 : vector<16xi32> to vector<16xi32>
    tpu.vector_store %arg7[%swap3A_83], %swap3A_86 {strides = array<i32>} : memref<128xi32, #tpu.memory_space<vmem>>, vector<16xi32>,
    %and3A_87 = arith.constant 16383 : i32
    %and3A_88 = vector.broadcast %and3A_87 : i32 to vector<16xi32>
    %and3A_89 = arith.andi %get3A_79, %and3A_88 : vector<16xi32>
    %swap3A_90 = arith.constant 64 : index
    %swap3A_91 = tpu.vector_load %arg8[%swap3A_90] {strides = array<i32>} : memref<128xi32, #tpu.memory_space<vmem>>, vector<16xi32>,
    %swap3A_92 = vector.shape_cast %swap3A_91 : vector<16xi32> to vector<16xi32>
    %swap3A_93 = vector.shape_cast %and3A_89 : vector<16xi32> to vector<16xi32>
    tpu.vector_store %arg8[%swap3A_90], %swap3A_93 {strides = array<i32>} : memref<128xi32, #tpu.memory_space<vmem>>, vector<16xi32>,
    %get3A_94 = arith.constant 0 : i32
    %get3A_95 = arith.index_cast %get3A_94 : i32 to index
    %get3A_96 = arith.constant 80 : index
    %get3A_97 = tpu.vector_load %arg6[%get3A_95, %get3A_96] {strides = array<i32>} : memref<80x128xi32, #tpu.memory_space<vmem>>, vector<1x16xi32>,
    %get3A_98 = vector.shape_cast %get3A_97 : vector<1x16xi32> to vector<16xi32>
    %shift_right_logical3A_99 = arith.constant 14 : i32
    %shift_right_logical3A_100 = vector.broadcast %shift_right_logical3A_99 : i32 to vector<16xi32>
    %shift_right_logical3A_101 = arith.shrui %get3A_98, %shift_right_logical3A_100 : vector<16xi32>
    %swap3A_102 = arith.constant 80 : index
    %swap3A_103 = tpu.vector_load %arg7[%swap3A_102] {strides = array<i32>} : memref<128xi32, #tpu.memory_space<vmem>>, vector<16xi32>,
    %swap3A_104 = vector.shape_cast %swap3A_103 : vector<16xi32> to vector<16xi32>
    %swap3A_105 = vector.shape_cast %shift_right_logical3A_101 : vector<16xi32> to vector<16xi32>
    tpu.vector_store %arg7[%swap3A_102], %swap3A_105 {strides = array<i32>} : memref<128xi32, #tpu.memory_space<vmem>>, vector<16xi32>,
    %and3A_106 = arith.constant 16383 : i32
    %and3A_107 = vector.broadcast %and3A_106 : i32 to vector<16xi32>
    %and3A_108 = arith.andi %get3A_98, %and3A_107 : vector<16xi32>
    %swap3A_109 = arith.constant 80 : index
    %swap3A_110 = tpu.vector_load %arg8[%swap3A_109] {strides = array<i32>} : memref<128xi32, #tpu.memory_space<vmem>>, vector<16xi32>,
    %swap3A_111 = vector.shape_cast %swap3A_110 : vector<16xi32> to vector<16xi32>
    %swap3A_112 = vector.shape_cast %and3A_108 : vector<16xi32> to vector<16xi32>
    tpu.vector_store %arg8[%swap3A_109], %swap3A_112 {strides = array<i32>} : memref<128xi32, #tpu.memory_space<vmem>>, vector<16xi32>,
    %get3A_113 = arith.constant 0 : i32
    %get3A_114 = arith.index_cast %get3A_113 : i32 to index
    %get3A_115 = arith.constant 96 : index
    %get3A_116 = tpu.vector_load %arg6[%get3A_114, %get3A_115] {strides = array<i32>} : memref<80x128xi32, #tpu.memory_space<vmem>>, vector<1x16xi32>,
    %get3A_117 = vector.shape_cast %get3A_116 : vector<1x16xi32> to vector<16xi32>
    %shift_right_logical3A_118 = arith.constant 14 : i32
    %shift_right_logical3A_119 = vector.broadcast %shift_right_logical3A_118 : i32 to vector<16xi32>
    %shift_right_logical3A_120 = arith.shrui %get3A_117, %shift_right_logical3A_119 : vector<16xi32>
    %swap3A_121 = arith.constant 96 : index
    %swap3A_122 = tpu.vector_load %arg7[%swap3A_121] {strides = array<i32>} : memref<128xi32, #tpu.memory_space<vmem>>, vector<16xi32>,
    %swap3A_123 = vector.shape_cast %swap3A_122 : vector<16xi32> to vector<16xi32>
    %swap3A_124 = vector.shape_cast %shift_right_logical3A_120 : vector<16xi32> to vector<16xi32>
    tpu.vector_store %arg7[%swap3A_121], %swap3A_124 {strides = array<i32>} : memref<128xi32, #tpu.memory_space<vmem>>, vector<16xi32>,
    %and3A_125 = arith.constant 16383 : i32
    %and3A_126 = vector.broadcast %and3A_125 : i32 to vector<16xi32>
    %and3A_127 = arith.andi %get3A_117, %and3A_126 : vector<16xi32>
    %swap3A_128 = arith.constant 96 : index
    %swap3A_129 = tpu.vector_load %arg8[%swap3A_128] {strides = array<i32>} : memref<128xi32, #tpu.memory_space<vmem>>, vector<16xi32>,
    %swap3A_130 = vector.shape_cast %swap3A_129 : vector<16xi32> to vector<16xi32>
    %swap3A_131 = vector.shape_cast %and3A_127 : vector<16xi32> to vector<16xi32>
    tpu.vector_store %arg8[%swap3A_128], %swap3A_131 {strides = array<i32>} : memref<128xi32, #tpu.memory_space<vmem>>, vector<16xi32>,
    %get3A_132 = arith.constant 0 : i32
    %get3A_133 = arith.index_cast %get3A_132 : i32 to index
    %get3A_134 = arith.constant 112 : index
    %get3A_135 = tpu.vector_load %arg6[%get3A_133, %get3A_134] {strides = array<i32>} : memref<80x128xi32, #tpu.memory_space<vmem>>, vector<1x16xi32>,
    %get3A_136 = vector.shape_cast %get3A_135 : vector<1x16xi32> to vector<16xi32>
    %shift_right_logical3A_137 = arith.constant 14 : i32
    %shift_right_logical3A_138 = vector.broadcast %shift_right_logical3A_137 : i32 to vector<16xi32>
    %shift_right_logical3A_139 = arith.shrui %get3A_136, %shift_right_logical3A_138 : vector<16xi32>
    %swap3A_140 = arith.constant 112 : index
    %swap3A_141 = tpu.vector_load %arg7[%swap3A_140] {strides = array<i32>} : memref<128xi32, #tpu.memory_space<vmem>>, vector<16xi32>,
    %swap3A_142 = vector.shape_cast %swap3A_141 : vector<16xi32> to vector<16xi32>
    %swap3A_143 = vector.shape_cast %shift_right_logical3A_139 : vector<16xi32> to vector<16xi32>
    tpu.vector_store %arg7[%swap3A_140], %swap3A_143 {strides = array<i32>} : memref<128xi32, #tpu.memory_space<vmem>>, vector<16xi32>,
    %and3A_144 = arith.constant 16383 : i32
    %and3A_145 = vector.broadcast %and3A_144 : i32 to vector<16xi32>
    %and3A_146 = arith.andi %get3A_136, %and3A_145 : vector<16xi32>
    %swap3A_147 = arith.constant 112 : index
    %swap3A_148 = tpu.vector_load %arg8[%swap3A_147] {strides = array<i32>} : memref<128xi32, #tpu.memory_space<vmem>>, vector<16xi32>,
    %swap3A_149 = vector.shape_cast %swap3A_148 : vector<16xi32> to vector<16xi32>
    %swap3A_150 = vector.shape_cast %and3A_146 : vector<16xi32> to vector<16xi32>
    tpu.vector_store %arg8[%swap3A_147], %swap3A_150 {strides = array<i32>} : memref<128xi32, #tpu.memory_space<vmem>>, vector<16xi32>,
    %dma_start3A = arith.constant 0 : i32
    %dma_start3A_151 = arith.constant 0 : i32
    %dma_start3A_152 = tpu.memref_slice %arg2[%dma_start3A, %dma_start3A_151] : memref<10240x128xf32, #tpu.memory_space<hbm>> -> memref<10240x128xf32, #tpu.memory_space<hbm>>
    tpu.enqueue_indirect_dma source(%dma_start3A_152 : memref<10240x128xf32, #tpu.memory_space<hbm>>) target(%arg11 : memref<128x128xf32, #tpu.memory_space<vmem>>) offsets(%arg7 : memref<128xi32, #tpu.memory_space<vmem>>) semaphore(%arg14 : memref<!tpu.dma_semaphore, #tpu.memory_space<semaphore_mem>>)
    %scan3A = arith.constant 0 : i32
    %scan3A_153 = arith.constant 40 : i32
    %scan3A_154 = arith.addi %scan3A, %scan3A_153 : i32
    %scan3A_155 = arith.constant 1 : i32
    scf.for %scan3A_158 = %scan3A to %scan3A_154 step %scan3A_155  : i32 {
      %mul3A_159 = arith.constant 2 : i32
      %mul3A_160 = arith.muli %scan3A_158, %mul3A_159 : i32
      %add3A_161 = arith.constant 0 : i32
      %add3A_162 = arith.addi %add3A_161, %mul3A_160 : i32
      %add3A_163 = arith.constant 1 : i32
      %add3A_164 = arith.addi %add3A_162, %add3A_163 : i32
      %get3A_165 = arith.index_cast %add3A_164 : i32 to index
      %get3A_166 = arith.constant 0 : index
      %get3A_167 = tpu.vector_load %arg6[%get3A_165, %get3A_166] {strides = array<i32>} : memref<80x128xi32, #tpu.memory_space<vmem>>, vector<1x16xi32>,
      %get3A_168 = vector.shape_cast %get3A_167 : vector<1x16xi32> to vector<16xi32>
      %shift_right_logical3A_169 = arith.constant 14 : i32
      %shift_right_logical3A_170 = vector.broadcast %shift_right_logical3A_169 : i32 to vector<16xi32>
      %shift_right_logical3A_171 = arith.shrui %get3A_168, %shift_right_logical3A_170 : vector<16xi32>
      %swap3A_172 = arith.constant 0 : index
      %swap3A_173 = tpu.vector_load %arg9[%swap3A_172] {strides = array<i32>} : memref<128xi32, #tpu.memory_space<vmem>>, vector<16xi32>,
      %swap3A_174 = vector.shape_cast %swap3A_173 : vector<16xi32> to vector<16xi32>
      %swap3A_175 = vector.shape_cast %shift_right_logical3A_171 : vector<16xi32> to vector<16xi32>
      tpu.vector_store %arg9[%swap3A_172], %swap3A_175 {strides = array<i32>} : memref<128xi32, #tpu.memory_space<vmem>>, vector<16xi32>,
      %and3A_176 = arith.constant 16383 : i32
      %and3A_177 = vector.broadcast %and3A_176 : i32 to vector<16xi32>
      %and3A_178 = arith.andi %get3A_168, %and3A_177 : vector<16xi32>
      %swap3A_179 = arith.constant 0 : index
      %swap3A_180 = tpu.vector_load %arg10[%swap3A_179] {strides = array<i32>} : memref<128xi32, #tpu.memory_space<vmem>>, vector<16xi32>,
      %swap3A_181 = vector.shape_cast %swap3A_180 : vector<16xi32> to vector<16xi32>
      %swap3A_182 = vector.shape_cast %and3A_178 : vector<16xi32> to vector<16xi32>
      tpu.vector_store %arg10[%swap3A_179], %swap3A_182 {strides = array<i32>} : memref<128xi32, #tpu.memory_space<vmem>>, vector<16xi32>,
      %get3A_183 = arith.index_cast %add3A_164 : i32 to index
      %get3A_184 = arith.constant 16 : index
      %get3A_185 = tpu.vector_load %arg6[%get3A_183, %get3A_184] {strides = array<i32>} : memref<80x128xi32, #tpu.memory_space<vmem>>, vector<1x16xi32>,
      %get3A_186 = vector.shape_cast %get3A_185 : vector<1x16xi32> to vector<16xi32>
      %shift_right_logical3A_187 = arith.constant 14 : i32
      %shift_right_logical3A_188 = vector.broadcast %shift_right_logical3A_187 : i32 to vector<16xi32>
      %shift_right_logical3A_189 = arith.shrui %get3A_186, %shift_right_logical3A_188 : vector<16xi32>
      %swap3A_190 = arith.constant 16 : index
      %swap3A_191 = tpu.vector_load %arg9[%swap3A_190] {strides = array<i32>} : memref<128xi32, #tpu.memory_space<vmem>>, vector<16xi32>,
      %swap3A_192 = vector.shape_cast %swap3A_191 : vector<16xi32> to vector<16xi32>
      %swap3A_193 = vector.shape_cast %shift_right_logical3A_189 : vector<16xi32> to vector<16xi32>
      tpu.vector_store %arg9[%swap3A_190], %swap3A_193 {strides = array<i32>} : memref<128xi32, #tpu.memory_space<vmem>>, vector<16xi32>,
      %and3A_194 = arith.constant 16383 : i32
      %and3A_195 = vector.broadcast %and3A_194 : i32 to vector<16xi32>
      %and3A_196 = arith.andi %get3A_186, %and3A_195 : vector<16xi32>
      %swap3A_197 = arith.constant 16 : index
      %swap3A_198 = tpu.vector_load %arg10[%swap3A_197] {strides = array<i32>} : memref<128xi32, #tpu.memory_space<vmem>>, vector<16xi32>,
      %swap3A_199 = vector.shape_cast %swap3A_198 : vector<16xi32> to vector<16xi32>
      %swap3A_200 = vector.shape_cast %and3A_196 : vector<16xi32> to vector<16xi32>
      tpu.vector_store %arg10[%swap3A_197], %swap3A_200 {strides = array<i32>} : memref<128xi32, #tpu.memory_space<vmem>>, vector<16xi32>,
      %get3A_201 = arith.index_cast %add3A_164 : i32 to index
      %get3A_202 = arith.constant 32 : index
      %get3A_203 = tpu.vector_load %arg6[%get3A_201, %get3A_202] {strides = array<i32>} : memref<80x128xi32, #tpu.memory_space<vmem>>, vector<1x16xi32>,
      %get3A_204 = vector.shape_cast %get3A_203 : vector<1x16xi32> to vector<16xi32>
      %shift_right_logical3A_205 = arith.constant 14 : i32
      %shift_right_logical3A_206 = vector.broadcast %shift_right_logical3A_205 : i32 to vector<16xi32>
      %shift_right_logical3A_207 = arith.shrui %get3A_204, %shift_right_logical3A_206 : vector<16xi32>
      %swap3A_208 = arith.constant 32 : index
      %swap3A_209 = tpu.vector_load %arg9[%swap3A_208] {strides = array<i32>} : memref<128xi32, #tpu.memory_space<vmem>>, vector<16xi32>,
      %swap3A_210 = vector.shape_cast %swap3A_209 : vector<16xi32> to vector<16xi32>
      %swap3A_211 = vector.shape_cast %shift_right_logical3A_207 : vector<16xi32> to vector<16xi32>
      tpu.vector_store %arg9[%swap3A_208], %swap3A_211 {strides = array<i32>} : memref<128xi32, #tpu.memory_space<vmem>>, vector<16xi32>,
      %and3A_212 = arith.constant 16383 : i32
      %and3A_213 = vector.broadcast %and3A_212 : i32 to vector<16xi32>
      %and3A_214 = arith.andi %get3A_204, %and3A_213 : vector<16xi32>
      %swap3A_215 = arith.constant 32 : index
      %swap3A_216 = tpu.vector_load %arg10[%swap3A_215] {strides = array<i32>} : memref<128xi32, #tpu.memory_space<vmem>>, vector<16xi32>,
      %swap3A_217 = vector.shape_cast %swap3A_216 : vector<16xi32> to vector<16xi32>
      %swap3A_218 = vector.shape_cast %and3A_214 : vector<16xi32> to vector<16xi32>
      tpu.vector_store %arg10[%swap3A_215], %swap3A_218 {strides = array<i32>} : memref<128xi32, #tpu.memory_space<vmem>>, vector<16xi32>,
      %get3A_219 = arith.index_cast %add3A_164 : i32 to index
      %get3A_220 = arith.constant 48 : index
      %get3A_221 = tpu.vector_load %arg6[%get3A_219, %get3A_220] {strides = array<i32>} : memref<80x128xi32, #tpu.memory_space<vmem>>, vector<1x16xi32>,
      %get3A_222 = vector.shape_cast %get3A_221 : vector<1x16xi32> to vector<16xi32>
      %shift_right_logical3A_223 = arith.constant 14 : i32
      %shift_right_logical3A_224 = vector.broadcast %shift_right_logical3A_223 : i32 to vector<16xi32>
      %shift_right_logical3A_225 = arith.shrui %get3A_222, %shift_right_logical3A_224 : vector<16xi32>
      %swap3A_226 = arith.constant 48 : index
      %swap3A_227 = tpu.vector_load %arg9[%swap3A_226] {strides = array<i32>} : memref<128xi32, #tpu.memory_space<vmem>>, vector<16xi32>,
      %swap3A_228 = vector.shape_cast %swap3A_227 : vector<16xi32> to vector<16xi32>
      %swap3A_229 = vector.shape_cast %shift_right_logical3A_225 : vector<16xi32> to vector<16xi32>
      tpu.vector_store %arg9[%swap3A_226], %swap3A_229 {strides = array<i32>} : memref<128xi32, #tpu.memory_space<vmem>>, vector<16xi32>,
      %and3A_230 = arith.constant 16383 : i32
      %and3A_231 = vector.broadcast %and3A_230 : i32 to vector<16xi32>
      %and3A_232 = arith.andi %get3A_222, %and3A_231 : vector<16xi32>
      %swap3A_233 = arith.constant 48 : index
      %swap3A_234 = tpu.vector_load %arg10[%swap3A_233] {strides = array<i32>} : memref<128xi32, #tpu.memory_space<vmem>>, vector<16xi32>,
      %swap3A_235 = vector.shape_cast %swap3A_234 : vector<16xi32> to vector<16xi32>
      %swap3A_236 = vector.shape_cast %and3A_232 : vector<16xi32> to vector<16xi32>
      tpu.vector_store %arg10[%swap3A_233], %swap3A_236 {strides = array<i32>} : memref<128xi32, #tpu.memory_space<vmem>>, vector<16xi32>,
      %get3A_237 = arith.index_cast %add3A_164 : i32 to index
      %get3A_238 = arith.constant 64 : index
      %get3A_239 = tpu.vector_load %arg6[%get3A_237, %get3A_238] {strides = array<i32>} : memref<80x128xi32, #tpu.memory_space<vmem>>, vector<1x16xi32>,
      %get3A_240 = vector.shape_cast %get3A_239 : vector<1x16xi32> to vector<16xi32>
      %shift_right_logical3A_241 = arith.constant 14 : i32
      %shift_right_logical3A_242 = vector.broadcast %shift_right_logical3A_241 : i32 to vector<16xi32>
      %shift_right_logical3A_243 = arith.shrui %get3A_240, %shift_right_logical3A_242 : vector<16xi32>
      %swap3A_244 = arith.constant 64 : index
      %swap3A_245 = tpu.vector_load %arg9[%swap3A_244] {strides = array<i32>} : memref<128xi32, #tpu.memory_space<vmem>>, vector<16xi32>,
      %swap3A_246 = vector.shape_cast %swap3A_245 : vector<16xi32> to vector<16xi32>
      %swap3A_247 = vector.shape_cast %shift_right_logical3A_243 : vector<16xi32> to vector<16xi32>
      tpu.vector_store %arg9[%swap3A_244], %swap3A_247 {strides = array<i32>} : memref<128xi32, #tpu.memory_space<vmem>>, vector<16xi32>,
      %and3A_248 = arith.constant 16383 : i32
      %and3A_249 = vector.broadcast %and3A_248 : i32 to vector<16xi32>
      %and3A_250 = arith.andi %get3A_240, %and3A_249 : vector<16xi32>
      %swap3A_251 = arith.constant 64 : index
      %swap3A_252 = tpu.vector_load %arg10[%swap3A_251] {strides = array<i32>} : memref<128xi32, #tpu.memory_space<vmem>>, vector<16xi32>,
      %swap3A_253 = vector.shape_cast %swap3A_252 : vector<16xi32> to vector<16xi32>
      %swap3A_254 = vector.shape_cast %and3A_250 : vector<16xi32> to vector<16xi32>
      tpu.vector_store %arg10[%swap3A_251], %swap3A_254 {strides = array<i32>} : memref<128xi32, #tpu.memory_space<vmem>>, vector<16xi32>,
      %get3A_255 = arith.index_cast %add3A_164 : i32 to index
      %get3A_256 = arith.constant 80 : index
      %get3A_257 = tpu.vector_load %arg6[%get3A_255, %get3A_256] {strides = array<i32>} : memref<80x128xi32, #tpu.memory_space<vmem>>, vector<1x16xi32>,
      %get3A_258 = vector.shape_cast %get3A_257 : vector<1x16xi32> to vector<16xi32>
      %shift_right_logical3A_259 = arith.constant 14 : i32
      %shift_right_logical3A_260 = vector.broadcast %shift_right_logical3A_259 : i32 to vector<16xi32>
      %shift_right_logical3A_261 = arith.shrui %get3A_258, %shift_right_logical3A_260 : vector<16xi32>
      %swap3A_262 = arith.constant 80 : index
      %swap3A_263 = tpu.vector_load %arg9[%swap3A_262] {strides = array<i32>} : memref<128xi32, #tpu.memory_space<vmem>>, vector<16xi32>,
      %swap3A_264 = vector.shape_cast %swap3A_263 : vector<16xi32> to vector<16xi32>
      %swap3A_265 = vector.shape_cast %shift_right_logical3A_261 : vector<16xi32> to vector<16xi32>
      tpu.vector_store %arg9[%swap3A_262], %swap3A_265 {strides = array<i32>} : memref<128xi32, #tpu.memory_space<vmem>>, vector<16xi32>,
      %and3A_266 = arith.constant 16383 : i32
      %and3A_267 = vector.broadcast %and3A_266 : i32 to vector<16xi32>
      %and3A_268 = arith.andi %get3A_258, %and3A_267 : vector<16xi32>
      %swap3A_269 = arith.constant 80 : index
      %swap3A_270 = tpu.vector_load %arg10[%swap3A_269] {strides = array<i32>} : memref<128xi32, #tpu.memory_space<vmem>>, vector<16xi32>,
      %swap3A_271 = vector.shape_cast %swap3A_270 : vector<16xi32> to vector<16xi32>
      %swap3A_272 = vector.shape_cast %and3A_268 : vector<16xi32> to vector<16xi32>
      tpu.vector_store %arg10[%swap3A_269], %swap3A_272 {strides = array<i32>} : memref<128xi32, #tpu.memory_space<vmem>>, vector<16xi32>,
      %get3A_273 = arith.index_cast %add3A_164 : i32 to index
      %get3A_274 = arith.constant 96 : index
      %get3A_275 = tpu.vector_load %arg6[%get3A_273, %get3A_274] {strides = array<i32>} : memref<80x128xi32, #tpu.memory_space<vmem>>, vector<1x16xi32>,
      %get3A_276 = vector.shape_cast %get3A_275 : vector<1x16xi32> to vector<16xi32>
      %shift_right_logical3A_277 = arith.constant 14 : i32
      %shift_right_logical3A_278 = vector.broadcast %shift_right_logical3A_277 : i32 to vector<16xi32>
      %shift_right_logical3A_279 = arith.shrui %get3A_276, %shift_right_logical3A_278 : vector<16xi32>
      %swap3A_280 = arith.constant 96 : index
      %swap3A_281 = tpu.vector_load %arg9[%swap3A_280] {strides = array<i32>} : memref<128xi32, #tpu.memory_space<vmem>>, vector<16xi32>,
      %swap3A_282 = vector.shape_cast %swap3A_281 : vector<16xi32> to vector<16xi32>
      %swap3A_283 = vector.shape_cast %shift_right_logical3A_279 : vector<16xi32> to vector<16xi32>
      tpu.vector_store %arg9[%swap3A_280], %swap3A_283 {strides = array<i32>} : memref<128xi32, #tpu.memory_space<vmem>>, vector<16xi32>,
      %and3A_284 = arith.constant 16383 : i32
      %and3A_285 = vector.broadcast %and3A_284 : i32 to vector<16xi32>
      %and3A_286 = arith.andi %get3A_276, %and3A_285 : vector<16xi32>
      %swap3A_287 = arith.constant 96 : index
      %swap3A_288 = tpu.vector_load %arg10[%swap3A_287] {strides = array<i32>} : memref<128xi32, #tpu.memory_space<vmem>>, vector<16xi32>,
      %swap3A_289 = vector.shape_cast %swap3A_288 : vector<16xi32> to vector<16xi32>
      %swap3A_290 = vector.shape_cast %and3A_286 : vector<16xi32> to vector<16xi32>
      tpu.vector_store %arg10[%swap3A_287], %swap3A_290 {strides = array<i32>} : memref<128xi32, #tpu.memory_space<vmem>>, vector<16xi32>,
      %get3A_291 = arith.index_cast %add3A_164 : i32 to index
      %get3A_292 = arith.constant 112 : index
      %get3A_293 = tpu.vector_load %arg6[%get3A_291, %get3A_292] {strides = array<i32>} : memref<80x128xi32, #tpu.memory_space<vmem>>, vector<1x16xi32>,
      %get3A_294 = vector.shape_cast %get3A_293 : vector<1x16xi32> to vector<16xi32>
      %shift_right_logical3A_295 = arith.constant 14 : i32
      %shift_right_logical3A_296 = vector.broadcast %shift_right_logical3A_295 : i32 to vector<16xi32>
      %shift_right_logical3A_297 = arith.shrui %get3A_294, %shift_right_logical3A_296 : vector<16xi32>
      %swap3A_298 = arith.constant 112 : index
      %swap3A_299 = tpu.vector_load %arg9[%swap3A_298] {strides = array<i32>} : memref<128xi32, #tpu.memory_space<vmem>>, vector<16xi32>,
      %swap3A_300 = vector.shape_cast %swap3A_299 : vector<16xi32> to vector<16xi32>
      %swap3A_301 = vector.shape_cast %shift_right_logical3A_297 : vector<16xi32> to vector<16xi32>
      tpu.vector_store %arg9[%swap3A_298], %swap3A_301 {strides = array<i32>} : memref<128xi32, #tpu.memory_space<vmem>>, vector<16xi32>,
      %and3A_302 = arith.constant 16383 : i32
      %and3A_303 = vector.broadcast %and3A_302 : i32 to vector<16xi32>
      %and3A_304 = arith.andi %get3A_294, %and3A_303 : vector<16xi32>
      %swap3A_305 = arith.constant 112 : index
      %swap3A_306 = tpu.vector_load %arg10[%swap3A_305] {strides = array<i32>} : memref<128xi32, #tpu.memory_space<vmem>>, vector<16xi32>,
      %swap3A_307 = vector.shape_cast %swap3A_306 : vector<16xi32> to vector<16xi32>
      %swap3A_308 = vector.shape_cast %and3A_304 : vector<16xi32> to vector<16xi32>
      tpu.vector_store %arg10[%swap3A_305], %swap3A_308 {strides = array<i32>} : memref<128xi32, #tpu.memory_space<vmem>>, vector<16xi32>,
      %dma_start3A_309 = arith.constant 0 : i32
      %dma_start3A_310 = arith.constant 0 : i32
      %dma_start3A_311 = tpu.memref_slice %arg2[%dma_start3A_309, %dma_start3A_310] : memref<10240x128xf32, #tpu.memory_space<hbm>> -> memref<10240x128xf32, #tpu.memory_space<hbm>>
      tpu.enqueue_indirect_dma source(%dma_start3A_311 : memref<10240x128xf32, #tpu.memory_space<hbm>>) target(%arg12 : memref<128x128xf32, #tpu.memory_space<vmem>>) offsets(%arg9 : memref<128xi32, #tpu.memory_space<vmem>>) semaphore(%arg15 : memref<!tpu.dma_semaphore, #tpu.memory_space<semaphore_mem>>)
      %dma_wait3A = arith.constant 0 : i32
      %dma_wait3A_312 = arith.constant 0 : i32
      %dma_wait3A_313 = tpu.memref_slice %arg2[%dma_wait3A, %dma_wait3A_312] : memref<10240x128xf32, #tpu.memory_space<hbm>> -> memref<10240x128xf32, #tpu.memory_space<hbm>>
      tpu.wait_indirect_dma semaphore(%arg14 : memref<!tpu.dma_semaphore, #tpu.memory_space<semaphore_mem>>) src(%dma_wait3A_313 : memref<10240x128xf32, #tpu.memory_space<hbm>>) dst(%arg11 : memref<128x128xf32, #tpu.memory_space<vmem>>)
      "tpu.region"() ({
        %run_scoped3A = tpu.sem_alloc : memref<!tpu.dma_semaphore, #tpu.memory_space<semaphore_mem>>
        %dma_start3A_321 = arith.constant 0 : i32
        %dma_start3A_322 = arith.constant 0 : i32
        %dma_start3A_323 = tpu.memref_slice %arg13[%dma_start3A_321, %dma_start3A_322] : memref<10240x128xf32, #tpu.memory_space<vmem_shared>> -> memref<10240x128xf32, #tpu.memory_space<vmem_shared>>
        tpu.enqueue_indirect_dma source(%arg11 : memref<128x128xf32, #tpu.memory_space<vmem>>) target(%dma_start3A_323 : memref<10240x128xf32, #tpu.memory_space<vmem_shared>>) offsets(%arg8 : memref<128xi32, #tpu.memory_space<vmem>>) semaphore(%run_scoped3A : memref<!tpu.dma_semaphore, #tpu.memory_space<semaphore_mem>>) {add = true}
        %dma_wait3A_324 = arith.constant 0 : i32
        %dma_wait3A_325 = arith.constant 0 : i32
        %dma_wait3A_326 = tpu.memref_slice %arg13[%dma_wait3A_324, %dma_wait3A_325] : memref<10240x128xf32, #tpu.memory_space<vmem_shared>> -> memref<10240x128xf32, #tpu.memory_space<vmem_shared>>
        tpu.wait_indirect_dma semaphore(%run_scoped3A : memref<!tpu.dma_semaphore, #tpu.memory_space<semaphore_mem>>) src(%arg11 : memref<128x128xf32, #tpu.memory_space<vmem>>) dst(%dma_wait3A_326 : memref<10240x128xf32, #tpu.memory_space<vmem_shared>>)
        tpu.yield
      }) : () -> ()
      %add3A_314 = arith.constant 2 : i32
      %add3A_315 = arith.addi %add3A_162, %add3A_314 : i32
      %lt3A = arith.constant 80 : i32
      %lt3A_316 = arith.cmpi slt, %add3A_315, %lt3A : i32
      %convert_element_type3A = arith.extui %lt3A_316 : i1 to i32
      %cond3A = arith.constant 0 : i32
      %cond3A_317 = arith.cmpi ne, %convert_element_type3A, %cond3A : i32
      scf.if %cond3A_317 {
        %add3A_321 = arith.constant 2 : i32
        %add3A_322 = arith.addi %add3A_162, %add3A_321 : i32
        %get3A_323 = arith.index_cast %add3A_322 : i32 to index
        %get3A_324 = arith.constant 0 : index
        %get3A_325 = tpu.vector_load %arg6[%get3A_323, %get3A_324] {strides = array<i32>} : memref<80x128xi32, #tpu.memory_space<vmem>>, vector<1x16xi32>,
        %get3A_326 = vector.shape_cast %get3A_325 : vector<1x16xi32> to vector<16xi32>
        %shift_right_logical3A_327 = arith.constant 14 : i32
        %shift_right_logical3A_328 = vector.broadcast %shift_right_logical3A_327 : i32 to vector<16xi32>
        %shift_right_logical3A_329 = arith.shrui %get3A_326, %shift_right_logical3A_328 : vector<16xi32>
        %swap3A_330 = arith.constant 0 : index
        %swap3A_331 = tpu.vector_load %arg7[%swap3A_330] {strides = array<i32>} : memref<128xi32, #tpu.memory_space<vmem>>, vector<16xi32>,
        %swap3A_332 = vector.shape_cast %swap3A_331 : vector<16xi32> to vector<16xi32>
        %swap3A_333 = vector.shape_cast %shift_right_logical3A_329 : vector<16xi32> to vector<16xi32>
        tpu.vector_store %arg7[%swap3A_330], %swap3A_333 {strides = array<i32>} : memref<128xi32, #tpu.memory_space<vmem>>, vector<16xi32>,
        %and3A_334 = arith.constant 16383 : i32
        %and3A_335 = vector.broadcast %and3A_334 : i32 to vector<16xi32>
        %and3A_336 = arith.andi %get3A_326, %and3A_335 : vector<16xi32>
        %swap3A_337 = arith.constant 0 : index
        %swap3A_338 = tpu.vector_load %arg8[%swap3A_337] {strides = array<i32>} : memref<128xi32, #tpu.memory_space<vmem>>, vector<16xi32>,
        %swap3A_339 = vector.shape_cast %swap3A_338 : vector<16xi32> to vector<16xi32>
        %swap3A_340 = vector.shape_cast %and3A_336 : vector<16xi32> to vector<16xi32>
        tpu.vector_store %arg8[%swap3A_337], %swap3A_340 {strides = array<i32>} : memref<128xi32, #tpu.memory_space<vmem>>, vector<16xi32>,
        %get3A_341 = arith.index_cast %add3A_322 : i32 to index
        %get3A_342 = arith.constant 16 : index
        %get3A_343 = tpu.vector_load %arg6[%get3A_341, %get3A_342] {strides = array<i32>} : memref<80x128xi32, #tpu.memory_space<vmem>>, vector<1x16xi32>,
        %get3A_344 = vector.shape_cast %get3A_343 : vector<1x16xi32> to vector<16xi32>
        %shift_right_logical3A_345 = arith.constant 14 : i32
        %shift_right_logical3A_346 = vector.broadcast %shift_right_logical3A_345 : i32 to vector<16xi32>
        %shift_right_logical3A_347 = arith.shrui %get3A_344, %shift_right_logical3A_346 : vector<16xi32>
        %swap3A_348 = arith.constant 16 : index
        %swap3A_349 = tpu.vector_load %arg7[%swap3A_348] {strides = array<i32>} : memref<128xi32, #tpu.memory_space<vmem>>, vector<16xi32>,
        %swap3A_350 = vector.shape_cast %swap3A_349 : vector<16xi32> to vector<16xi32>
        %swap3A_351 = vector.shape_cast %shift_right_logical3A_347 : vector<16xi32> to vector<16xi32>
        tpu.vector_store %arg7[%swap3A_348], %swap3A_351 {strides = array<i32>} : memref<128xi32, #tpu.memory_space<vmem>>, vector<16xi32>,
        %and3A_352 = arith.constant 16383 : i32
        %and3A_353 = vector.broadcast %and3A_352 : i32 to vector<16xi32>
        %and3A_354 = arith.andi %get3A_344, %and3A_353 : vector<16xi32>
        %swap3A_355 = arith.constant 16 : index
        %swap3A_356 = tpu.vector_load %arg8[%swap3A_355] {strides = array<i32>} : memref<128xi32, #tpu.memory_space<vmem>>, vector<16xi32>,
        %swap3A_357 = vector.shape_cast %swap3A_356 : vector<16xi32> to vector<16xi32>
        %swap3A_358 = vector.shape_cast %and3A_354 : vector<16xi32> to vector<16xi32>
        tpu.vector_store %arg8[%swap3A_355], %swap3A_358 {strides = array<i32>} : memref<128xi32, #tpu.memory_space<vmem>>, vector<16xi32>,
        %get3A_359 = arith.index_cast %add3A_322 : i32 to index
        %get3A_360 = arith.constant 32 : index
        %get3A_361 = tpu.vector_load %arg6[%get3A_359, %get3A_360] {strides = array<i32>} : memref<80x128xi32, #tpu.memory_space<vmem>>, vector<1x16xi32>,
        %get3A_362 = vector.shape_cast %get3A_361 : vector<1x16xi32> to vector<16xi32>
        %shift_right_logical3A_363 = arith.constant 14 : i32
        %shift_right_logical3A_364 = vector.broadcast %shift_right_logical3A_363 : i32 to vector<16xi32>
        %shift_right_logical3A_365 = arith.shrui %get3A_362, %shift_right_logical3A_364 : vector<16xi32>
        %swap3A_366 = arith.constant 32 : index
        %swap3A_367 = tpu.vector_load %arg7[%swap3A_366] {strides = array<i32>} : memref<128xi32, #tpu.memory_space<vmem>>, vector<16xi32>,
        %swap3A_368 = vector.shape_cast %swap3A_367 : vector<16xi32> to vector<16xi32>
        %swap3A_369 = vector.shape_cast %shift_right_logical3A_365 : vector<16xi32> to vector<16xi32>
        tpu.vector_store %arg7[%swap3A_366], %swap3A_369 {strides = array<i32>} : memref<128xi32, #tpu.memory_space<vmem>>, vector<16xi32>,
        %and3A_370 = arith.constant 16383 : i32
        %and3A_371 = vector.broadcast %and3A_370 : i32 to vector<16xi32>
        %and3A_372 = arith.andi %get3A_362, %and3A_371 : vector<16xi32>
        %swap3A_373 = arith.constant 32 : index
        %swap3A_374 = tpu.vector_load %arg8[%swap3A_373] {strides = array<i32>} : memref<128xi32, #tpu.memory_space<vmem>>, vector<16xi32>,
        %swap3A_375 = vector.shape_cast %swap3A_374 : vector<16xi32> to vector<16xi32>
        %swap3A_376 = vector.shape_cast %and3A_372 : vector<16xi32> to vector<16xi32>
        tpu.vector_store %arg8[%swap3A_373], %swap3A_376 {strides = array<i32>} : memref<128xi32, #tpu.memory_space<vmem>>, vector<16xi32>,
        %get3A_377 = arith.index_cast %add3A_322 : i32 to index
        %get3A_378 = arith.constant 48 : index
        %get3A_379 = tpu.vector_load %arg6[%get3A_377, %get3A_378] {strides = array<i32>} : memref<80x128xi32, #tpu.memory_space<vmem>>, vector<1x16xi32>,
        %get3A_380 = vector.shape_cast %get3A_379 : vector<1x16xi32> to vector<16xi32>
        %shift_right_logical3A_381 = arith.constant 14 : i32
        %shift_right_logical3A_382 = vector.broadcast %shift_right_logical3A_381 : i32 to vector<16xi32>
        %shift_right_logical3A_383 = arith.shrui %get3A_380, %shift_right_logical3A_382 : vector<16xi32>
        %swap3A_384 = arith.constant 48 : index
        %swap3A_385 = tpu.vector_load %arg7[%swap3A_384] {strides = array<i32>} : memref<128xi32, #tpu.memory_space<vmem>>, vector<16xi32>,
        %swap3A_386 = vector.shape_cast %swap3A_385 : vector<16xi32> to vector<16xi32>
        %swap3A_387 = vector.shape_cast %shift_right_logical3A_383 : vector<16xi32> to vector<16xi32>
        tpu.vector_store %arg7[%swap3A_384], %swap3A_387 {strides = array<i32>} : memref<128xi32, #tpu.memory_space<vmem>>, vector<16xi32>,
        %and3A_388 = arith.constant 16383 : i32
        %and3A_389 = vector.broadcast %and3A_388 : i32 to vector<16xi32>
        %and3A_390 = arith.andi %get3A_380, %and3A_389 : vector<16xi32>
        %swap3A_391 = arith.constant 48 : index
        %swap3A_392 = tpu.vector_load %arg8[%swap3A_391] {strides = array<i32>} : memref<128xi32, #tpu.memory_space<vmem>>, vector<16xi32>,
        %swap3A_393 = vector.shape_cast %swap3A_392 : vector<16xi32> to vector<16xi32>
        %swap3A_394 = vector.shape_cast %and3A_390 : vector<16xi32> to vector<16xi32>
        tpu.vector_store %arg8[%swap3A_391], %swap3A_394 {strides = array<i32>} : memref<128xi32, #tpu.memory_space<vmem>>, vector<16xi32>,
        %get3A_395 = arith.index_cast %add3A_322 : i32 to index
        %get3A_396 = arith.constant 64 : index
        %get3A_397 = tpu.vector_load %arg6[%get3A_395, %get3A_396] {strides = array<i32>} : memref<80x128xi32, #tpu.memory_space<vmem>>, vector<1x16xi32>,
        %get3A_398 = vector.shape_cast %get3A_397 : vector<1x16xi32> to vector<16xi32>
        %shift_right_logical3A_399 = arith.constant 14 : i32
        %shift_right_logical3A_400 = vector.broadcast %shift_right_logical3A_399 : i32 to vector<16xi32>
        %shift_right_logical3A_401 = arith.shrui %get3A_398, %shift_right_logical3A_400 : vector<16xi32>
        %swap3A_402 = arith.constant 64 : index
        %swap3A_403 = tpu.vector_load %arg7[%swap3A_402] {strides = array<i32>} : memref<128xi32, #tpu.memory_space<vmem>>, vector<16xi32>,
        %swap3A_404 = vector.shape_cast %swap3A_403 : vector<16xi32> to vector<16xi32>
        %swap3A_405 = vector.shape_cast %shift_right_logical3A_401 : vector<16xi32> to vector<16xi32>
        tpu.vector_store %arg7[%swap3A_402], %swap3A_405 {strides = array<i32>} : memref<128xi32, #tpu.memory_space<vmem>>, vector<16xi32>,
        %and3A_406 = arith.constant 16383 : i32
        %and3A_407 = vector.broadcast %and3A_406 : i32 to vector<16xi32>
        %and3A_408 = arith.andi %get3A_398, %and3A_407 : vector<16xi32>
        %swap3A_409 = arith.constant 64 : index
        %swap3A_410 = tpu.vector_load %arg8[%swap3A_409] {strides = array<i32>} : memref<128xi32, #tpu.memory_space<vmem>>, vector<16xi32>,
        %swap3A_411 = vector.shape_cast %swap3A_410 : vector<16xi32> to vector<16xi32>
        %swap3A_412 = vector.shape_cast %and3A_408 : vector<16xi32> to vector<16xi32>
        tpu.vector_store %arg8[%swap3A_409], %swap3A_412 {strides = array<i32>} : memref<128xi32, #tpu.memory_space<vmem>>, vector<16xi32>,
        %get3A_413 = arith.index_cast %add3A_322 : i32 to index
        %get3A_414 = arith.constant 80 : index
        %get3A_415 = tpu.vector_load %arg6[%get3A_413, %get3A_414] {strides = array<i32>} : memref<80x128xi32, #tpu.memory_space<vmem>>, vector<1x16xi32>,
        %get3A_416 = vector.shape_cast %get3A_415 : vector<1x16xi32> to vector<16xi32>
        %shift_right_logical3A_417 = arith.constant 14 : i32
        %shift_right_logical3A_418 = vector.broadcast %shift_right_logical3A_417 : i32 to vector<16xi32>
        %shift_right_logical3A_419 = arith.shrui %get3A_416, %shift_right_logical3A_418 : vector<16xi32>
        %swap3A_420 = arith.constant 80 : index
        %swap3A_421 = tpu.vector_load %arg7[%swap3A_420] {strides = array<i32>} : memref<128xi32, #tpu.memory_space<vmem>>, vector<16xi32>,
        %swap3A_422 = vector.shape_cast %swap3A_421 : vector<16xi32> to vector<16xi32>
        %swap3A_423 = vector.shape_cast %shift_right_logical3A_419 : vector<16xi32> to vector<16xi32>
        tpu.vector_store %arg7[%swap3A_420], %swap3A_423 {strides = array<i32>} : memref<128xi32, #tpu.memory_space<vmem>>, vector<16xi32>,
        %and3A_424 = arith.constant 16383 : i32
        %and3A_425 = vector.broadcast %and3A_424 : i32 to vector<16xi32>
        %and3A_426 = arith.andi %get3A_416, %and3A_425 : vector<16xi32>
        %swap3A_427 = arith.constant 80 : index
        %swap3A_428 = tpu.vector_load %arg8[%swap3A_427] {strides = array<i32>} : memref<128xi32, #tpu.memory_space<vmem>>, vector<16xi32>,
        %swap3A_429 = vector.shape_cast %swap3A_428 : vector<16xi32> to vector<16xi32>
        %swap3A_430 = vector.shape_cast %and3A_426 : vector<16xi32> to vector<16xi32>
        tpu.vector_store %arg8[%swap3A_427], %swap3A_430 {strides = array<i32>} : memref<128xi32, #tpu.memory_space<vmem>>, vector<16xi32>,
        %get3A_431 = arith.index_cast %add3A_322 : i32 to index
        %get3A_432 = arith.constant 96 : index
        %get3A_433 = tpu.vector_load %arg6[%get3A_431, %get3A_432] {strides = array<i32>} : memref<80x128xi32, #tpu.memory_space<vmem>>, vector<1x16xi32>,
        %get3A_434 = vector.shape_cast %get3A_433 : vector<1x16xi32> to vector<16xi32>
        %shift_right_logical3A_435 = arith.constant 14 : i32
        %shift_right_logical3A_436 = vector.broadcast %shift_right_logical3A_435 : i32 to vector<16xi32>
        %shift_right_logical3A_437 = arith.shrui %get3A_434, %shift_right_logical3A_436 : vector<16xi32>
        %swap3A_438 = arith.constant 96 : index
        %swap3A_439 = tpu.vector_load %arg7[%swap3A_438] {strides = array<i32>} : memref<128xi32, #tpu.memory_space<vmem>>, vector<16xi32>,
        %swap3A_440 = vector.shape_cast %swap3A_439 : vector<16xi32> to vector<16xi32>
        %swap3A_441 = vector.shape_cast %shift_right_logical3A_437 : vector<16xi32> to vector<16xi32>
        tpu.vector_store %arg7[%swap3A_438], %swap3A_441 {strides = array<i32>} : memref<128xi32, #tpu.memory_space<vmem>>, vector<16xi32>,
        %and3A_442 = arith.constant 16383 : i32
        %and3A_443 = vector.broadcast %and3A_442 : i32 to vector<16xi32>
        %and3A_444 = arith.andi %get3A_434, %and3A_443 : vector<16xi32>
        %swap3A_445 = arith.constant 96 : index
        %swap3A_446 = tpu.vector_load %arg8[%swap3A_445] {strides = array<i32>} : memref<128xi32, #tpu.memory_space<vmem>>, vector<16xi32>,
        %swap3A_447 = vector.shape_cast %swap3A_446 : vector<16xi32> to vector<16xi32>
        %swap3A_448 = vector.shape_cast %and3A_444 : vector<16xi32> to vector<16xi32>
        tpu.vector_store %arg8[%swap3A_445], %swap3A_448 {strides = array<i32>} : memref<128xi32, #tpu.memory_space<vmem>>, vector<16xi32>,
        %get3A_449 = arith.index_cast %add3A_322 : i32 to index
        %get3A_450 = arith.constant 112 : index
        %get3A_451 = tpu.vector_load %arg6[%get3A_449, %get3A_450] {strides = array<i32>} : memref<80x128xi32, #tpu.memory_space<vmem>>, vector<1x16xi32>,
        %get3A_452 = vector.shape_cast %get3A_451 : vector<1x16xi32> to vector<16xi32>
        %shift_right_logical3A_453 = arith.constant 14 : i32
        %shift_right_logical3A_454 = vector.broadcast %shift_right_logical3A_453 : i32 to vector<16xi32>
        %shift_right_logical3A_455 = arith.shrui %get3A_452, %shift_right_logical3A_454 : vector<16xi32>
        %swap3A_456 = arith.constant 112 : index
        %swap3A_457 = tpu.vector_load %arg7[%swap3A_456] {strides = array<i32>} : memref<128xi32, #tpu.memory_space<vmem>>, vector<16xi32>,
        %swap3A_458 = vector.shape_cast %swap3A_457 : vector<16xi32> to vector<16xi32>
        %swap3A_459 = vector.shape_cast %shift_right_logical3A_455 : vector<16xi32> to vector<16xi32>
        tpu.vector_store %arg7[%swap3A_456], %swap3A_459 {strides = array<i32>} : memref<128xi32, #tpu.memory_space<vmem>>, vector<16xi32>,
        %and3A_460 = arith.constant 16383 : i32
        %and3A_461 = vector.broadcast %and3A_460 : i32 to vector<16xi32>
        %and3A_462 = arith.andi %get3A_452, %and3A_461 : vector<16xi32>
        %swap3A_463 = arith.constant 112 : index
        %swap3A_464 = tpu.vector_load %arg8[%swap3A_463] {strides = array<i32>} : memref<128xi32, #tpu.memory_space<vmem>>, vector<16xi32>,
        %swap3A_465 = vector.shape_cast %swap3A_464 : vector<16xi32> to vector<16xi32>
        %swap3A_466 = vector.shape_cast %and3A_462 : vector<16xi32> to vector<16xi32>
        tpu.vector_store %arg8[%swap3A_463], %swap3A_466 {strides = array<i32>} : memref<128xi32, #tpu.memory_space<vmem>>, vector<16xi32>,
        %dma_start3A_467 = arith.constant 0 : i32
        %dma_start3A_468 = arith.constant 0 : i32
        %dma_start3A_469 = tpu.memref_slice %arg2[%dma_start3A_467, %dma_start3A_468] : memref<10240x128xf32, #tpu.memory_space<hbm>> -> memref<10240x128xf32, #tpu.memory_space<hbm>>
        tpu.enqueue_indirect_dma source(%dma_start3A_469 : memref<10240x128xf32, #tpu.memory_space<hbm>>) target(%arg11 : memref<128x128xf32, #tpu.memory_space<vmem>>) offsets(%arg7 : memref<128xi32, #tpu.memory_space<vmem>>) semaphore(%arg14 : memref<!tpu.dma_semaphore, #tpu.memory_space<semaphore_mem>>)
      } else {
      }
      %dma_wait3A_318 = arith.constant 0 : i32
      %dma_wait3A_319 = arith.constant 0 : i32
      %dma_wait3A_320 = tpu.memref_slice %arg2[%dma_wait3A_318, %dma_wait3A_319] : memref<10240x128xf32, #tpu.memory_space<hbm>> -> memref<10240x128xf32, #tpu.memory_space<hbm>>
      tpu.wait_indirect_dma semaphore(%arg15 : memref<!tpu.dma_semaphore, #tpu.memory_space<semaphore_mem>>) src(%dma_wait3A_320 : memref<10240x128xf32, #tpu.memory_space<hbm>>) dst(%arg12 : memref<128x128xf32, #tpu.memory_space<vmem>>)
      "tpu.region"() ({
        %run_scoped3A = tpu.sem_alloc : memref<!tpu.dma_semaphore, #tpu.memory_space<semaphore_mem>>
        %dma_start3A_321 = arith.constant 0 : i32
        %dma_start3A_322 = arith.constant 0 : i32
        %dma_start3A_323 = tpu.memref_slice %arg13[%dma_start3A_321, %dma_start3A_322] : memref<10240x128xf32, #tpu.memory_space<vmem_shared>> -> memref<10240x128xf32, #tpu.memory_space<vmem_shared>>
        tpu.enqueue_indirect_dma source(%arg12 : memref<128x128xf32, #tpu.memory_space<vmem>>) target(%dma_start3A_323 : memref<10240x128xf32, #tpu.memory_space<vmem_shared>>) offsets(%arg10 : memref<128xi32, #tpu.memory_space<vmem>>) semaphore(%run_scoped3A : memref<!tpu.dma_semaphore, #tpu.memory_space<semaphore_mem>>) {add = true}
        %dma_wait3A_324 = arith.constant 0 : i32
        %dma_wait3A_325 = arith.constant 0 : i32
        %dma_wait3A_326 = tpu.memref_slice %arg13[%dma_wait3A_324, %dma_wait3A_325] : memref<10240x128xf32, #tpu.memory_space<vmem_shared>> -> memref<10240x128xf32, #tpu.memory_space<vmem_shared>>
        tpu.wait_indirect_dma semaphore(%run_scoped3A : memref<!tpu.dma_semaphore, #tpu.memory_space<semaphore_mem>>) src(%arg12 : memref<128x128xf32, #tpu.memory_space<vmem>>) dst(%dma_wait3A_326 : memref<10240x128xf32, #tpu.memory_space<vmem_shared>>)
        tpu.yield
      }) : () -> ()
    }
    %scan3A_156 = arith.constant 40 : i32
    %barrier3A_157 = arith.constant 0 : index
    tpu.barrier barrier_id(%barrier3A_157)
    "tpu.region"() ({
      %run_scoped3A = tpu.sem_alloc : memref<!tpu.dma_semaphore, #tpu.memory_space<semaphore_mem>>
      %dma_start3A_158 = arith.constant 0 : i32
      %dma_start3A_159 = tpu.memref_slice %arg5[%arg0, %mul3A_2, %dma_start3A_158] : memref<2x10240x128xf32, #tpu.memory_space<hbm>> -> memref<1x640x128xf32, #tpu.memory_space<hbm>>
      %dma_start3A_160 = tpu.memref_squeeze %dma_start3A_159 : memref<1x640x128xf32, #tpu.memory_space<hbm>> -> memref<640x128xf32, #tpu.memory_space<hbm>>
      %dma_start3A_161 = arith.constant 0 : i32
      %dma_start3A_162 = tpu.memref_slice %arg13[%mul3A_2, %dma_start3A_161] : memref<10240x128xf32, #tpu.memory_space<vmem_shared>> -> memref<640x128xf32, #tpu.memory_space<vmem_shared>>
      tpu.enqueue_dma source(%dma_start3A_162 : memref<640x128xf32, #tpu.memory_space<vmem_shared>>) target(%dma_start3A_160 : memref<640x128xf32, #tpu.memory_space<hbm>>) target_semaphore(%run_scoped3A : memref<!tpu.dma_semaphore, #tpu.memory_space<semaphore_mem>>)
      %dma_wait3A = arith.constant 0 : i32
      %dma_wait3A_163 = tpu.memref_slice %arg5[%arg0, %mul3A_2, %dma_wait3A] : memref<2x10240x128xf32, #tpu.memory_space<hbm>> -> memref<1x640x128xf32, #tpu.memory_space<hbm>>
      %dma_wait3A_164 = tpu.memref_squeeze %dma_wait3A_163 : memref<1x640x128xf32, #tpu.memory_space<hbm>> -> memref<640x128xf32, #tpu.memory_space<hbm>>
      %dma_wait3A_165 = arith.constant 0 : i32
      %dma_wait3A_166 = tpu.memref_slice %arg13[%mul3A_2, %dma_wait3A_165] : memref<10240x128xf32, #tpu.memory_space<vmem_shared>> -> memref<640x128xf32, #tpu.memory_space<vmem_shared>>
      tpu.wait_dma2 semaphore(%run_scoped3A : memref<!tpu.dma_semaphore, #tpu.memory_space<semaphore_mem>>) src(%dma_wait3A_166 : memref<640x128xf32, #tpu.memory_space<vmem_shared>>) dst(%dma_wait3A_164 : memref<640x128xf32, #tpu.memory_space<hbm>>)
      tpu.yield
    }) : () -> ()
    return
  }
}

#map = affine_map<(d0, d1) -> (0, 0)>
#map1 = affine_map<(d0, d1) -> (0, 0, 0)>
module attributes {stable_mosaic.version = 14 : i64} {
  func.func @_prop128(%arg0: i32, %arg1: i32, %arg2: memref<10240x128xf32, #tpu.memory_space<hbm>>, %arg3: memref<32x80x128xi32, #tpu.memory_space<hbm>>, %arg4: memref<10240x128xf32, #tpu.memory_space<hbm>>, %arg5: memref<2x10240x128xf32, #tpu.memory_space<hbm>>, %arg6: memref<80x128xi32, #tpu.memory_space<vmem>>, %arg7: memref<128xi32, #tpu.memory_space<vmem>>, %arg8: memref<128xi32, #tpu.memory_space<vmem>>, %arg9: memref<128xi32, #tpu.memory_space<vmem>>, %arg10: memref<128xi32, #tpu.memory_space<vmem>>, %arg11: memref<128x128xf32, #tpu.memory_space<vmem>>, %arg12: memref<128x128xf32, #tpu.memory_space<vmem>>, %arg13: memref<10240x128xf32, #tpu.memory_space<vmem_shared>>, %arg14: memref<!tpu.dma_semaphore, #tpu.memory_space<semaphore_mem>>, %arg15: memref<!tpu.dma_semaphore, #tpu.memory_space<semaphore_mem>>) attributes {dimension_semantics = [#tpu.dimension_semantics<core_parallel>, #tpu.dimension_semantics<subcore_parallel>], iteration_bounds = array<i64: 2, 16>, scalar_prefetch = 0 : i64, scratch_operands = 10 : i64, tpu.core_type = #tpu.core_type<sc_vector_subcore>, window_params = [{transform_indices = #map}, {transform_indices = #map1}, {transform_indices = #map}, {transform_indices = #map1}]} {
    %mul3A = arith.constant 2 : i32
    %mul3A_0 = arith.muli %arg1, %mul3A : i32
    %add3A = arith.addi %mul3A_0, %arg0 : i32
    %mul3A_1 = arith.constant 640 : i32
    %mul3A_2 = arith.muli %arg1, %mul3A_1 : i32
    "tpu.region"() ({
      %run_scoped3A = tpu.sem_alloc : memref<!tpu.dma_semaphore, #tpu.memory_space<semaphore_mem>>
      %dma_start3A_158 = arith.constant 0 : i32
      %dma_start3A_159 = arith.constant 0 : i32
      %dma_start3A_160 = tpu.memref_slice %arg3[%add3A, %dma_start3A_158, %dma_start3A_159] : memref<32x80x128xi32, #tpu.memory_space<hbm>> -> memref<1x80x128xi32, #tpu.memory_space<hbm>>
      %dma_start3A_161 = tpu.memref_squeeze %dma_start3A_160 : memref<1x80x128xi32, #tpu.memory_space<hbm>> -> memref<80x128xi32, #tpu.memory_space<hbm>>
      %dma_start3A_162 = arith.constant 0 : i32
      %dma_start3A_163 = arith.constant 0 : i32
      %dma_start3A_164 = tpu.memref_slice %arg3[%add3A, %dma_start3A_162, %dma_start3A_163] : memref<32x80x128xi32, #tpu.memory_space<hbm>> -> memref<1x80x128xi32, #tpu.memory_space<hbm>>
      %dma_start3A_165 = tpu.memref_squeeze %dma_start3A_164 : memref<1x80x128xi32, #tpu.memory_space<hbm>> -> memref<80x128xi32, #tpu.memory_space<hbm>>
      tpu.enqueue_dma source(%dma_start3A_165 : memref<80x128xi32, #tpu.memory_space<hbm>>) target(%arg6 : memref<80x128xi32, #tpu.memory_space<vmem>>) target_semaphore(%run_scoped3A : memref<!tpu.dma_semaphore, #tpu.memory_space<semaphore_mem>>)
      %dma_wait3A = arith.constant 0 : i32
      %dma_wait3A_166 = arith.constant 0 : i32
      %dma_wait3A_167 = tpu.memref_slice %arg3[%add3A, %dma_wait3A, %dma_wait3A_166] : memref<32x80x128xi32, #tpu.memory_space<hbm>> -> memref<1x80x128xi32, #tpu.memory_space<hbm>>
      %dma_wait3A_168 = tpu.memref_squeeze %dma_wait3A_167 : memref<1x80x128xi32, #tpu.memory_space<hbm>> -> memref<80x128xi32, #tpu.memory_space<hbm>>
      %dma_wait3A_169 = arith.constant 0 : i32
      %dma_wait3A_170 = arith.constant 0 : i32
      %dma_wait3A_171 = tpu.memref_slice %arg3[%add3A, %dma_wait3A_169, %dma_wait3A_170] : memref<32x80x128xi32, #tpu.memory_space<hbm>> -> memref<1x80x128xi32, #tpu.memory_space<hbm>>
      %dma_wait3A_172 = tpu.memref_squeeze %dma_wait3A_171 : memref<1x80x128xi32, #tpu.memory_space<hbm>> -> memref<80x128xi32, #tpu.memory_space<hbm>>
      tpu.wait_dma2 semaphore(%run_scoped3A : memref<!tpu.dma_semaphore, #tpu.memory_space<semaphore_mem>>) src(%dma_wait3A_172 : memref<80x128xi32, #tpu.memory_space<hbm>>) dst(%arg6 : memref<80x128xi32, #tpu.memory_space<vmem>>)
      tpu.yield
    }) : () -> ()
    "tpu.region"() ({
      %run_scoped3A = tpu.sem_alloc : memref<!tpu.dma_semaphore, #tpu.memory_space<semaphore_mem>>
      %dma_start3A_158 = arith.constant 0 : i32
      %dma_start3A_159 = tpu.memref_slice %arg13[%mul3A_2, %dma_start3A_158] : memref<10240x128xf32, #tpu.memory_space<vmem_shared>> -> memref<640x128xf32, #tpu.memory_space<vmem_shared>>
      %dma_start3A_160 = arith.constant 0 : i32
      %dma_start3A_161 = tpu.memref_slice %arg4[%mul3A_2, %dma_start3A_160] : memref<10240x128xf32, #tpu.memory_space<hbm>> -> memref<640x128xf32, #tpu.memory_space<hbm>>
      tpu.enqueue_dma source(%dma_start3A_161 : memref<640x128xf32, #tpu.memory_space<hbm>>) target(%dma_start3A_159 : memref<640x128xf32, #tpu.memory_space<vmem_shared>>) target_semaphore(%run_scoped3A : memref<!tpu.dma_semaphore, #tpu.memory_space<semaphore_mem>>)
      %dma_wait3A = arith.constant 0 : i32
      %dma_wait3A_162 = tpu.memref_slice %arg13[%mul3A_2, %dma_wait3A] : memref<10240x128xf32, #tpu.memory_space<vmem_shared>> -> memref<640x128xf32, #tpu.memory_space<vmem_shared>>
      %dma_wait3A_163 = arith.constant 0 : i32
      %dma_wait3A_164 = tpu.memref_slice %arg4[%mul3A_2, %dma_wait3A_163] : memref<10240x128xf32, #tpu.memory_space<hbm>> -> memref<640x128xf32, #tpu.memory_space<hbm>>
      tpu.wait_dma2 semaphore(%run_scoped3A : memref<!tpu.dma_semaphore, #tpu.memory_space<semaphore_mem>>) src(%dma_wait3A_164 : memref<640x128xf32, #tpu.memory_space<hbm>>) dst(%dma_wait3A_162 : memref<640x128xf32, #tpu.memory_space<vmem_shared>>)
      tpu.yield
    }) : () -> ()
    %barrier3A = arith.constant 0 : index
    tpu.barrier barrier_id(%barrier3A)
    %get3A = arith.constant 0 : i32
    %get3A_3 = arith.index_cast %get3A : i32 to index
    %get3A_4 = arith.constant 0 : index
    %get3A_5 = tpu.vector_load %arg6[%get3A_3, %get3A_4] {strides = array<i32>} : memref<80x128xi32, #tpu.memory_space<vmem>>, vector<1x16xi32>,
    %get3A_6 = vector.shape_cast %get3A_5 : vector<1x16xi32> to vector<16xi32>
    %shift_right_logical3A = arith.constant 14 : i32
    %shift_right_logical3A_7 = vector.broadcast %shift_right_logical3A : i32 to vector<16xi32>
    %shift_right_logical3A_8 = arith.shrui %get3A_6, %shift_right_logical3A_7 : vector<16xi32>
    %swap3A = arith.constant 0 : index
    %swap3A_9 = tpu.vector_load %arg7[%swap3A] {strides = array<i32>} : memref<128xi32, #tpu.memory_space<vmem>>, vector<16xi32>,
    %swap3A_10 = vector.shape_cast %swap3A_9 : vector<16xi32> to vector<16xi32>
    %swap3A_11 = vector.shape_cast %shift_right_logical3A_8 : vector<16xi32> to vector<16xi32>
    tpu.vector_store %arg7[%swap3A], %swap3A_11 {strides = array<i32>} : memref<128xi32, #tpu.memory_space<vmem>>, vector<16xi32>,
    %and3A = arith.constant 16383 : i32
    %and3A_12 = vector.broadcast %and3A : i32 to vector<16xi32>
    %and3A_13 = arith.andi %get3A_6, %and3A_12 : vector<16xi32>
    %swap3A_14 = arith.constant 0 : index
    %swap3A_15 = tpu.vector_load %arg8[%swap3A_14] {strides = array<i32>} : memref<128xi32, #tpu.memory_space<vmem>>, vector<16xi32>,
    %swap3A_16 = vector.shape_cast %swap3A_15 : vector<16xi32> to vector<16xi32>
    %swap3A_17 = vector.shape_cast %and3A_13 : vector<16xi32> to vector<16xi32>
    tpu.vector_store %arg8[%swap3A_14], %swap3A_17 {strides = array<i32>} : memref<128xi32, #tpu.memory_space<vmem>>, vector<16xi32>,
    %get3A_18 = arith.constant 0 : i32
    %get3A_19 = arith.index_cast %get3A_18 : i32 to index
    %get3A_20 = arith.constant 16 : index
    %get3A_21 = tpu.vector_load %arg6[%get3A_19, %get3A_20] {strides = array<i32>} : memref<80x128xi32, #tpu.memory_space<vmem>>, vector<1x16xi32>,
    %get3A_22 = vector.shape_cast %get3A_21 : vector<1x16xi32> to vector<16xi32>
    %shift_right_logical3A_23 = arith.constant 14 : i32
    %shift_right_logical3A_24 = vector.broadcast %shift_right_logical3A_23 : i32 to vector<16xi32>
    %shift_right_logical3A_25 = arith.shrui %get3A_22, %shift_right_logical3A_24 : vector<16xi32>
    %swap3A_26 = arith.constant 16 : index
    %swap3A_27 = tpu.vector_load %arg7[%swap3A_26] {strides = array<i32>} : memref<128xi32, #tpu.memory_space<vmem>>, vector<16xi32>,
    %swap3A_28 = vector.shape_cast %swap3A_27 : vector<16xi32> to vector<16xi32>
    %swap3A_29 = vector.shape_cast %shift_right_logical3A_25 : vector<16xi32> to vector<16xi32>
    tpu.vector_store %arg7[%swap3A_26], %swap3A_29 {strides = array<i32>} : memref<128xi32, #tpu.memory_space<vmem>>, vector<16xi32>,
    %and3A_30 = arith.constant 16383 : i32
    %and3A_31 = vector.broadcast %and3A_30 : i32 to vector<16xi32>
    %and3A_32 = arith.andi %get3A_22, %and3A_31 : vector<16xi32>
    %swap3A_33 = arith.constant 16 : index
    %swap3A_34 = tpu.vector_load %arg8[%swap3A_33] {strides = array<i32>} : memref<128xi32, #tpu.memory_space<vmem>>, vector<16xi32>,
    %swap3A_35 = vector.shape_cast %swap3A_34 : vector<16xi32> to vector<16xi32>
    %swap3A_36 = vector.shape_cast %and3A_32 : vector<16xi32> to vector<16xi32>
    tpu.vector_store %arg8[%swap3A_33], %swap3A_36 {strides = array<i32>} : memref<128xi32, #tpu.memory_space<vmem>>, vector<16xi32>,
    %get3A_37 = arith.constant 0 : i32
    %get3A_38 = arith.index_cast %get3A_37 : i32 to index
    %get3A_39 = arith.constant 32 : index
    %get3A_40 = tpu.vector_load %arg6[%get3A_38, %get3A_39] {strides = array<i32>} : memref<80x128xi32, #tpu.memory_space<vmem>>, vector<1x16xi32>,
    %get3A_41 = vector.shape_cast %get3A_40 : vector<1x16xi32> to vector<16xi32>
    %shift_right_logical3A_42 = arith.constant 14 : i32
    %shift_right_logical3A_43 = vector.broadcast %shift_right_logical3A_42 : i32 to vector<16xi32>
    %shift_right_logical3A_44 = arith.shrui %get3A_41, %shift_right_logical3A_43 : vector<16xi32>
    %swap3A_45 = arith.constant 32 : index
    %swap3A_46 = tpu.vector_load %arg7[%swap3A_45] {strides = array<i32>} : memref<128xi32, #tpu.memory_space<vmem>>, vector<16xi32>,
    %swap3A_47 = vector.shape_cast %swap3A_46 : vector<16xi32> to vector<16xi32>
    %swap3A_48 = vector.shape_cast %shift_right_logical3A_44 : vector<16xi32> to vector<16xi32>
    tpu.vector_store %arg7[%swap3A_45], %swap3A_48 {strides = array<i32>} : memref<128xi32, #tpu.memory_space<vmem>>, vector<16xi32>,
    %and3A_49 = arith.constant 16383 : i32
    %and3A_50 = vector.broadcast %and3A_49 : i32 to vector<16xi32>
    %and3A_51 = arith.andi %get3A_41, %and3A_50 : vector<16xi32>
    %swap3A_52 = arith.constant 32 : index
    %swap3A_53 = tpu.vector_load %arg8[%swap3A_52] {strides = array<i32>} : memref<128xi32, #tpu.memory_space<vmem>>, vector<16xi32>,
    %swap3A_54 = vector.shape_cast %swap3A_53 : vector<16xi32> to vector<16xi32>
    %swap3A_55 = vector.shape_cast %and3A_51 : vector<16xi32> to vector<16xi32>
    tpu.vector_store %arg8[%swap3A_52], %swap3A_55 {strides = array<i32>} : memref<128xi32, #tpu.memory_space<vmem>>, vector<16xi32>,
    %get3A_56 = arith.constant 0 : i32
    %get3A_57 = arith.index_cast %get3A_56 : i32 to index
    %get3A_58 = arith.constant 48 : index
    %get3A_59 = tpu.vector_load %arg6[%get3A_57, %get3A_58] {strides = array<i32>} : memref<80x128xi32, #tpu.memory_space<vmem>>, vector<1x16xi32>,
    %get3A_60 = vector.shape_cast %get3A_59 : vector<1x16xi32> to vector<16xi32>
    %shift_right_logical3A_61 = arith.constant 14 : i32
    %shift_right_logical3A_62 = vector.broadcast %shift_right_logical3A_61 : i32 to vector<16xi32>
    %shift_right_logical3A_63 = arith.shrui %get3A_60, %shift_right_logical3A_62 : vector<16xi32>
    %swap3A_64 = arith.constant 48 : index
    %swap3A_65 = tpu.vector_load %arg7[%swap3A_64] {strides = array<i32>} : memref<128xi32, #tpu.memory_space<vmem>>, vector<16xi32>,
    %swap3A_66 = vector.shape_cast %swap3A_65 : vector<16xi32> to vector<16xi32>
    %swap3A_67 = vector.shape_cast %shift_right_logical3A_63 : vector<16xi32> to vector<16xi32>
    tpu.vector_store %arg7[%swap3A_64], %swap3A_67 {strides = array<i32>} : memref<128xi32, #tpu.memory_space<vmem>>, vector<16xi32>,
    %and3A_68 = arith.constant 16383 : i32
    %and3A_69 = vector.broadcast %and3A_68 : i32 to vector<16xi32>
    %and3A_70 = arith.andi %get3A_60, %and3A_69 : vector<16xi32>
    %swap3A_71 = arith.constant 48 : index
    %swap3A_72 = tpu.vector_load %arg8[%swap3A_71] {strides = array<i32>} : memref<128xi32, #tpu.memory_space<vmem>>, vector<16xi32>,
    %swap3A_73 = vector.shape_cast %swap3A_72 : vector<16xi32> to vector<16xi32>
    %swap3A_74 = vector.shape_cast %and3A_70 : vector<16xi32> to vector<16xi32>
    tpu.vector_store %arg8[%swap3A_71], %swap3A_74 {strides = array<i32>} : memref<128xi32, #tpu.memory_space<vmem>>, vector<16xi32>,
    %get3A_75 = arith.constant 0 : i32
    %get3A_76 = arith.index_cast %get3A_75 : i32 to index
    %get3A_77 = arith.constant 64 : index
    %get3A_78 = tpu.vector_load %arg6[%get3A_76, %get3A_77] {strides = array<i32>} : memref<80x128xi32, #tpu.memory_space<vmem>>, vector<1x16xi32>,
    %get3A_79 = vector.shape_cast %get3A_78 : vector<1x16xi32> to vector<16xi32>
    %shift_right_logical3A_80 = arith.constant 14 : i32
    %shift_right_logical3A_81 = vector.broadcast %shift_right_logical3A_80 : i32 to vector<16xi32>
    %shift_right_logical3A_82 = arith.shrui %get3A_79, %shift_right_logical3A_81 : vector<16xi32>
    %swap3A_83 = arith.constant 64 : index
    %swap3A_84 = tpu.vector_load %arg7[%swap3A_83] {strides = array<i32>} : memref<128xi32, #tpu.memory_space<vmem>>, vector<16xi32>,
    %swap3A_85 = vector.shape_cast %swap3A_84 : vector<16xi32> to vector<16xi32>
    %swap3A_86 = vector.shape_cast %shift_right_logical3A_82 : vector<16xi32> to vector<16xi32>
    tpu.vector_store %arg7[%swap3A_83], %swap3A_86 {strides = array<i32>} : memref<128xi32, #tpu.memory_space<vmem>>, vector<16xi32>,
    %and3A_87 = arith.constant 16383 : i32
    %and3A_88 = vector.broadcast %and3A_87 : i32 to vector<16xi32>
    %and3A_89 = arith.andi %get3A_79, %and3A_88 : vector<16xi32>
    %swap3A_90 = arith.constant 64 : index
    %swap3A_91 = tpu.vector_load %arg8[%swap3A_90] {strides = array<i32>} : memref<128xi32, #tpu.memory_space<vmem>>, vector<16xi32>,
    %swap3A_92 = vector.shape_cast %swap3A_91 : vector<16xi32> to vector<16xi32>
    %swap3A_93 = vector.shape_cast %and3A_89 : vector<16xi32> to vector<16xi32>
    tpu.vector_store %arg8[%swap3A_90], %swap3A_93 {strides = array<i32>} : memref<128xi32, #tpu.memory_space<vmem>>, vector<16xi32>,
    %get3A_94 = arith.constant 0 : i32
    %get3A_95 = arith.index_cast %get3A_94 : i32 to index
    %get3A_96 = arith.constant 80 : index
    %get3A_97 = tpu.vector_load %arg6[%get3A_95, %get3A_96] {strides = array<i32>} : memref<80x128xi32, #tpu.memory_space<vmem>>, vector<1x16xi32>,
    %get3A_98 = vector.shape_cast %get3A_97 : vector<1x16xi32> to vector<16xi32>
    %shift_right_logical3A_99 = arith.constant 14 : i32
    %shift_right_logical3A_100 = vector.broadcast %shift_right_logical3A_99 : i32 to vector<16xi32>
    %shift_right_logical3A_101 = arith.shrui %get3A_98, %shift_right_logical3A_100 : vector<16xi32>
    %swap3A_102 = arith.constant 80 : index
    %swap3A_103 = tpu.vector_load %arg7[%swap3A_102] {strides = array<i32>} : memref<128xi32, #tpu.memory_space<vmem>>, vector<16xi32>,
    %swap3A_104 = vector.shape_cast %swap3A_103 : vector<16xi32> to vector<16xi32>
    %swap3A_105 = vector.shape_cast %shift_right_logical3A_101 : vector<16xi32> to vector<16xi32>
    tpu.vector_store %arg7[%swap3A_102], %swap3A_105 {strides = array<i32>} : memref<128xi32, #tpu.memory_space<vmem>>, vector<16xi32>,
    %and3A_106 = arith.constant 16383 : i32
    %and3A_107 = vector.broadcast %and3A_106 : i32 to vector<16xi32>
    %and3A_108 = arith.andi %get3A_98, %and3A_107 : vector<16xi32>
    %swap3A_109 = arith.constant 80 : index
    %swap3A_110 = tpu.vector_load %arg8[%swap3A_109] {strides = array<i32>} : memref<128xi32, #tpu.memory_space<vmem>>, vector<16xi32>,
    %swap3A_111 = vector.shape_cast %swap3A_110 : vector<16xi32> to vector<16xi32>
    %swap3A_112 = vector.shape_cast %and3A_108 : vector<16xi32> to vector<16xi32>
    tpu.vector_store %arg8[%swap3A_109], %swap3A_112 {strides = array<i32>} : memref<128xi32, #tpu.memory_space<vmem>>, vector<16xi32>,
    %get3A_113 = arith.constant 0 : i32
    %get3A_114 = arith.index_cast %get3A_113 : i32 to index
    %get3A_115 = arith.constant 96 : index
    %get3A_116 = tpu.vector_load %arg6[%get3A_114, %get3A_115] {strides = array<i32>} : memref<80x128xi32, #tpu.memory_space<vmem>>, vector<1x16xi32>,
    %get3A_117 = vector.shape_cast %get3A_116 : vector<1x16xi32> to vector<16xi32>
    %shift_right_logical3A_118 = arith.constant 14 : i32
    %shift_right_logical3A_119 = vector.broadcast %shift_right_logical3A_118 : i32 to vector<16xi32>
    %shift_right_logical3A_120 = arith.shrui %get3A_117, %shift_right_logical3A_119 : vector<16xi32>
    %swap3A_121 = arith.constant 96 : index
    %swap3A_122 = tpu.vector_load %arg7[%swap3A_121] {strides = array<i32>} : memref<128xi32, #tpu.memory_space<vmem>>, vector<16xi32>,
    %swap3A_123 = vector.shape_cast %swap3A_122 : vector<16xi32> to vector<16xi32>
    %swap3A_124 = vector.shape_cast %shift_right_logical3A_120 : vector<16xi32> to vector<16xi32>
    tpu.vector_store %arg7[%swap3A_121], %swap3A_124 {strides = array<i32>} : memref<128xi32, #tpu.memory_space<vmem>>, vector<16xi32>,
    %and3A_125 = arith.constant 16383 : i32
    %and3A_126 = vector.broadcast %and3A_125 : i32 to vector<16xi32>
    %and3A_127 = arith.andi %get3A_117, %and3A_126 : vector<16xi32>
    %swap3A_128 = arith.constant 96 : index
    %swap3A_129 = tpu.vector_load %arg8[%swap3A_128] {strides = array<i32>} : memref<128xi32, #tpu.memory_space<vmem>>, vector<16xi32>,
    %swap3A_130 = vector.shape_cast %swap3A_129 : vector<16xi32> to vector<16xi32>
    %swap3A_131 = vector.shape_cast %and3A_127 : vector<16xi32> to vector<16xi32>
    tpu.vector_store %arg8[%swap3A_128], %swap3A_131 {strides = array<i32>} : memref<128xi32, #tpu.memory_space<vmem>>, vector<16xi32>,
    %get3A_132 = arith.constant 0 : i32
    %get3A_133 = arith.index_cast %get3A_132 : i32 to index
    %get3A_134 = arith.constant 112 : index
    %get3A_135 = tpu.vector_load %arg6[%get3A_133, %get3A_134] {strides = array<i32>} : memref<80x128xi32, #tpu.memory_space<vmem>>, vector<1x16xi32>,
    %get3A_136 = vector.shape_cast %get3A_135 : vector<1x16xi32> to vector<16xi32>
    %shift_right_logical3A_137 = arith.constant 14 : i32
    %shift_right_logical3A_138 = vector.broadcast %shift_right_logical3A_137 : i32 to vector<16xi32>
    %shift_right_logical3A_139 = arith.shrui %get3A_136, %shift_right_logical3A_138 : vector<16xi32>
    %swap3A_140 = arith.constant 112 : index
    %swap3A_141 = tpu.vector_load %arg7[%swap3A_140] {strides = array<i32>} : memref<128xi32, #tpu.memory_space<vmem>>, vector<16xi32>,
    %swap3A_142 = vector.shape_cast %swap3A_141 : vector<16xi32> to vector<16xi32>
    %swap3A_143 = vector.shape_cast %shift_right_logical3A_139 : vector<16xi32> to vector<16xi32>
    tpu.vector_store %arg7[%swap3A_140], %swap3A_143 {strides = array<i32>} : memref<128xi32, #tpu.memory_space<vmem>>, vector<16xi32>,
    %and3A_144 = arith.constant 16383 : i32
    %and3A_145 = vector.broadcast %and3A_144 : i32 to vector<16xi32>
    %and3A_146 = arith.andi %get3A_136, %and3A_145 : vector<16xi32>
    %swap3A_147 = arith.constant 112 : index
    %swap3A_148 = tpu.vector_load %arg8[%swap3A_147] {strides = array<i32>} : memref<128xi32, #tpu.memory_space<vmem>>, vector<16xi32>,
    %swap3A_149 = vector.shape_cast %swap3A_148 : vector<16xi32> to vector<16xi32>
    %swap3A_150 = vector.shape_cast %and3A_146 : vector<16xi32> to vector<16xi32>
    tpu.vector_store %arg8[%swap3A_147], %swap3A_150 {strides = array<i32>} : memref<128xi32, #tpu.memory_space<vmem>>, vector<16xi32>,
    %dma_start3A = arith.constant 0 : i32
    %dma_start3A_151 = arith.constant 0 : i32
    %dma_start3A_152 = tpu.memref_slice %arg2[%dma_start3A, %dma_start3A_151] : memref<10240x128xf32, #tpu.memory_space<hbm>> -> memref<10240x128xf32, #tpu.memory_space<hbm>>
    tpu.enqueue_indirect_dma source(%dma_start3A_152 : memref<10240x128xf32, #tpu.memory_space<hbm>>) target(%arg11 : memref<128x128xf32, #tpu.memory_space<vmem>>) offsets(%arg7 : memref<128xi32, #tpu.memory_space<vmem>>) semaphore(%arg14 : memref<!tpu.dma_semaphore, #tpu.memory_space<semaphore_mem>>)
    %scan3A = arith.constant 0 : i32
    %scan3A_153 = arith.constant 40 : i32
    %scan3A_154 = arith.addi %scan3A, %scan3A_153 : i32
    %scan3A_155 = arith.constant 1 : i32
    scf.for %scan3A_158 = %scan3A to %scan3A_154 step %scan3A_155  : i32 {
      %mul3A_159 = arith.constant 2 : i32
      %mul3A_160 = arith.muli %scan3A_158, %mul3A_159 : i32
      %add3A_161 = arith.constant 0 : i32
      %add3A_162 = arith.addi %add3A_161, %mul3A_160 : i32
      %add3A_163 = arith.constant 1 : i32
      %add3A_164 = arith.addi %add3A_162, %add3A_163 : i32
      %get3A_165 = arith.index_cast %add3A_164 : i32 to index
      %get3A_166 = arith.constant 0 : index
      %get3A_167 = tpu.vector_load %arg6[%get3A_165, %get3A_166] {strides = array<i32>} : memref<80x128xi32, #tpu.memory_space<vmem>>, vector<1x16xi32>,
      %get3A_168 = vector.shape_cast %get3A_167 : vector<1x16xi32> to vector<16xi32>
      %shift_right_logical3A_169 = arith.constant 14 : i32
      %shift_right_logical3A_170 = vector.broadcast %shift_right_logical3A_169 : i32 to vector<16xi32>
      %shift_right_logical3A_171 = arith.shrui %get3A_168, %shift_right_logical3A_170 : vector<16xi32>
      %swap3A_172 = arith.constant 0 : index
      %swap3A_173 = tpu.vector_load %arg9[%swap3A_172] {strides = array<i32>} : memref<128xi32, #tpu.memory_space<vmem>>, vector<16xi32>,
      %swap3A_174 = vector.shape_cast %swap3A_173 : vector<16xi32> to vector<16xi32>
      %swap3A_175 = vector.shape_cast %shift_right_logical3A_171 : vector<16xi32> to vector<16xi32>
      tpu.vector_store %arg9[%swap3A_172], %swap3A_175 {strides = array<i32>} : memref<128xi32, #tpu.memory_space<vmem>>, vector<16xi32>,
      %and3A_176 = arith.constant 16383 : i32
      %and3A_177 = vector.broadcast %and3A_176 : i32 to vector<16xi32>
      %and3A_178 = arith.andi %get3A_168, %and3A_177 : vector<16xi32>
      %swap3A_179 = arith.constant 0 : index
      %swap3A_180 = tpu.vector_load %arg10[%swap3A_179] {strides = array<i32>} : memref<128xi32, #tpu.memory_space<vmem>>, vector<16xi32>,
      %swap3A_181 = vector.shape_cast %swap3A_180 : vector<16xi32> to vector<16xi32>
      %swap3A_182 = vector.shape_cast %and3A_178 : vector<16xi32> to vector<16xi32>
      tpu.vector_store %arg10[%swap3A_179], %swap3A_182 {strides = array<i32>} : memref<128xi32, #tpu.memory_space<vmem>>, vector<16xi32>,
      %get3A_183 = arith.index_cast %add3A_164 : i32 to index
      %get3A_184 = arith.constant 16 : index
      %get3A_185 = tpu.vector_load %arg6[%get3A_183, %get3A_184] {strides = array<i32>} : memref<80x128xi32, #tpu.memory_space<vmem>>, vector<1x16xi32>,
      %get3A_186 = vector.shape_cast %get3A_185 : vector<1x16xi32> to vector<16xi32>
      %shift_right_logical3A_187 = arith.constant 14 : i32
      %shift_right_logical3A_188 = vector.broadcast %shift_right_logical3A_187 : i32 to vector<16xi32>
      %shift_right_logical3A_189 = arith.shrui %get3A_186, %shift_right_logical3A_188 : vector<16xi32>
      %swap3A_190 = arith.constant 16 : index
      %swap3A_191 = tpu.vector_load %arg9[%swap3A_190] {strides = array<i32>} : memref<128xi32, #tpu.memory_space<vmem>>, vector<16xi32>,
      %swap3A_192 = vector.shape_cast %swap3A_191 : vector<16xi32> to vector<16xi32>
      %swap3A_193 = vector.shape_cast %shift_right_logical3A_189 : vector<16xi32> to vector<16xi32>
      tpu.vector_store %arg9[%swap3A_190], %swap3A_193 {strides = array<i32>} : memref<128xi32, #tpu.memory_space<vmem>>, vector<16xi32>,
      %and3A_194 = arith.constant 16383 : i32
      %and3A_195 = vector.broadcast %and3A_194 : i32 to vector<16xi32>
      %and3A_196 = arith.andi %get3A_186, %and3A_195 : vector<16xi32>
      %swap3A_197 = arith.constant 16 : index
      %swap3A_198 = tpu.vector_load %arg10[%swap3A_197] {strides = array<i32>} : memref<128xi32, #tpu.memory_space<vmem>>, vector<16xi32>,
      %swap3A_199 = vector.shape_cast %swap3A_198 : vector<16xi32> to vector<16xi32>
      %swap3A_200 = vector.shape_cast %and3A_196 : vector<16xi32> to vector<16xi32>
      tpu.vector_store %arg10[%swap3A_197], %swap3A_200 {strides = array<i32>} : memref<128xi32, #tpu.memory_space<vmem>>, vector<16xi32>,
      %get3A_201 = arith.index_cast %add3A_164 : i32 to index
      %get3A_202 = arith.constant 32 : index
      %get3A_203 = tpu.vector_load %arg6[%get3A_201, %get3A_202] {strides = array<i32>} : memref<80x128xi32, #tpu.memory_space<vmem>>, vector<1x16xi32>,
      %get3A_204 = vector.shape_cast %get3A_203 : vector<1x16xi32> to vector<16xi32>
      %shift_right_logical3A_205 = arith.constant 14 : i32
      %shift_right_logical3A_206 = vector.broadcast %shift_right_logical3A_205 : i32 to vector<16xi32>
      %shift_right_logical3A_207 = arith.shrui %get3A_204, %shift_right_logical3A_206 : vector<16xi32>
      %swap3A_208 = arith.constant 32 : index
      %swap3A_209 = tpu.vector_load %arg9[%swap3A_208] {strides = array<i32>} : memref<128xi32, #tpu.memory_space<vmem>>, vector<16xi32>,
      %swap3A_210 = vector.shape_cast %swap3A_209 : vector<16xi32> to vector<16xi32>
      %swap3A_211 = vector.shape_cast %shift_right_logical3A_207 : vector<16xi32> to vector<16xi32>
      tpu.vector_store %arg9[%swap3A_208], %swap3A_211 {strides = array<i32>} : memref<128xi32, #tpu.memory_space<vmem>>, vector<16xi32>,
      %and3A_212 = arith.constant 16383 : i32
      %and3A_213 = vector.broadcast %and3A_212 : i32 to vector<16xi32>
      %and3A_214 = arith.andi %get3A_204, %and3A_213 : vector<16xi32>
      %swap3A_215 = arith.constant 32 : index
      %swap3A_216 = tpu.vector_load %arg10[%swap3A_215] {strides = array<i32>} : memref<128xi32, #tpu.memory_space<vmem>>, vector<16xi32>,
      %swap3A_217 = vector.shape_cast %swap3A_216 : vector<16xi32> to vector<16xi32>
      %swap3A_218 = vector.shape_cast %and3A_214 : vector<16xi32> to vector<16xi32>
      tpu.vector_store %arg10[%swap3A_215], %swap3A_218 {strides = array<i32>} : memref<128xi32, #tpu.memory_space<vmem>>, vector<16xi32>,
      %get3A_219 = arith.index_cast %add3A_164 : i32 to index
      %get3A_220 = arith.constant 48 : index
      %get3A_221 = tpu.vector_load %arg6[%get3A_219, %get3A_220] {strides = array<i32>} : memref<80x128xi32, #tpu.memory_space<vmem>>, vector<1x16xi32>,
      %get3A_222 = vector.shape_cast %get3A_221 : vector<1x16xi32> to vector<16xi32>
      %shift_right_logical3A_223 = arith.constant 14 : i32
      %shift_right_logical3A_224 = vector.broadcast %shift_right_logical3A_223 : i32 to vector<16xi32>
      %shift_right_logical3A_225 = arith.shrui %get3A_222, %shift_right_logical3A_224 : vector<16xi32>
      %swap3A_226 = arith.constant 48 : index
      %swap3A_227 = tpu.vector_load %arg9[%swap3A_226] {strides = array<i32>} : memref<128xi32, #tpu.memory_space<vmem>>, vector<16xi32>,
      %swap3A_228 = vector.shape_cast %swap3A_227 : vector<16xi32> to vector<16xi32>
      %swap3A_229 = vector.shape_cast %shift_right_logical3A_225 : vector<16xi32> to vector<16xi32>
      tpu.vector_store %arg9[%swap3A_226], %swap3A_229 {strides = array<i32>} : memref<128xi32, #tpu.memory_space<vmem>>, vector<16xi32>,
      %and3A_230 = arith.constant 16383 : i32
      %and3A_231 = vector.broadcast %and3A_230 : i32 to vector<16xi32>
      %and3A_232 = arith.andi %get3A_222, %and3A_231 : vector<16xi32>
      %swap3A_233 = arith.constant 48 : index
      %swap3A_234 = tpu.vector_load %arg10[%swap3A_233] {strides = array<i32>} : memref<128xi32, #tpu.memory_space<vmem>>, vector<16xi32>,
      %swap3A_235 = vector.shape_cast %swap3A_234 : vector<16xi32> to vector<16xi32>
      %swap3A_236 = vector.shape_cast %and3A_232 : vector<16xi32> to vector<16xi32>
      tpu.vector_store %arg10[%swap3A_233], %swap3A_236 {strides = array<i32>} : memref<128xi32, #tpu.memory_space<vmem>>, vector<16xi32>,
      %get3A_237 = arith.index_cast %add3A_164 : i32 to index
      %get3A_238 = arith.constant 64 : index
      %get3A_239 = tpu.vector_load %arg6[%get3A_237, %get3A_238] {strides = array<i32>} : memref<80x128xi32, #tpu.memory_space<vmem>>, vector<1x16xi32>,
      %get3A_240 = vector.shape_cast %get3A_239 : vector<1x16xi32> to vector<16xi32>
      %shift_right_logical3A_241 = arith.constant 14 : i32
      %shift_right_logical3A_242 = vector.broadcast %shift_right_logical3A_241 : i32 to vector<16xi32>
      %shift_right_logical3A_243 = arith.shrui %get3A_240, %shift_right_logical3A_242 : vector<16xi32>
      %swap3A_244 = arith.constant 64 : index
      %swap3A_245 = tpu.vector_load %arg9[%swap3A_244] {strides = array<i32>} : memref<128xi32, #tpu.memory_space<vmem>>, vector<16xi32>,
      %swap3A_246 = vector.shape_cast %swap3A_245 : vector<16xi32> to vector<16xi32>
      %swap3A_247 = vector.shape_cast %shift_right_logical3A_243 : vector<16xi32> to vector<16xi32>
      tpu.vector_store %arg9[%swap3A_244], %swap3A_247 {strides = array<i32>} : memref<128xi32, #tpu.memory_space<vmem>>, vector<16xi32>,
      %and3A_248 = arith.constant 16383 : i32
      %and3A_249 = vector.broadcast %and3A_248 : i32 to vector<16xi32>
      %and3A_250 = arith.andi %get3A_240, %and3A_249 : vector<16xi32>
      %swap3A_251 = arith.constant 64 : index
      %swap3A_252 = tpu.vector_load %arg10[%swap3A_251] {strides = array<i32>} : memref<128xi32, #tpu.memory_space<vmem>>, vector<16xi32>,
      %swap3A_253 = vector.shape_cast %swap3A_252 : vector<16xi32> to vector<16xi32>
      %swap3A_254 = vector.shape_cast %and3A_250 : vector<16xi32> to vector<16xi32>
      tpu.vector_store %arg10[%swap3A_251], %swap3A_254 {strides = array<i32>} : memref<128xi32, #tpu.memory_space<vmem>>, vector<16xi32>,
      %get3A_255 = arith.index_cast %add3A_164 : i32 to index
      %get3A_256 = arith.constant 80 : index
      %get3A_257 = tpu.vector_load %arg6[%get3A_255, %get3A_256] {strides = array<i32>} : memref<80x128xi32, #tpu.memory_space<vmem>>, vector<1x16xi32>,
      %get3A_258 = vector.shape_cast %get3A_257 : vector<1x16xi32> to vector<16xi32>
      %shift_right_logical3A_259 = arith.constant 14 : i32
      %shift_right_logical3A_260 = vector.broadcast %shift_right_logical3A_259 : i32 to vector<16xi32>
      %shift_right_logical3A_261 = arith.shrui %get3A_258, %shift_right_logical3A_260 : vector<16xi32>
      %swap3A_262 = arith.constant 80 : index
      %swap3A_263 = tpu.vector_load %arg9[%swap3A_262] {strides = array<i32>} : memref<128xi32, #tpu.memory_space<vmem>>, vector<16xi32>,
      %swap3A_264 = vector.shape_cast %swap3A_263 : vector<16xi32> to vector<16xi32>
      %swap3A_265 = vector.shape_cast %shift_right_logical3A_261 : vector<16xi32> to vector<16xi32>
      tpu.vector_store %arg9[%swap3A_262], %swap3A_265 {strides = array<i32>} : memref<128xi32, #tpu.memory_space<vmem>>, vector<16xi32>,
      %and3A_266 = arith.constant 16383 : i32
      %and3A_267 = vector.broadcast %and3A_266 : i32 to vector<16xi32>
      %and3A_268 = arith.andi %get3A_258, %and3A_267 : vector<16xi32>
      %swap3A_269 = arith.constant 80 : index
      %swap3A_270 = tpu.vector_load %arg10[%swap3A_269] {strides = array<i32>} : memref<128xi32, #tpu.memory_space<vmem>>, vector<16xi32>,
      %swap3A_271 = vector.shape_cast %swap3A_270 : vector<16xi32> to vector<16xi32>
      %swap3A_272 = vector.shape_cast %and3A_268 : vector<16xi32> to vector<16xi32>
      tpu.vector_store %arg10[%swap3A_269], %swap3A_272 {strides = array<i32>} : memref<128xi32, #tpu.memory_space<vmem>>, vector<16xi32>,
      %get3A_273 = arith.index_cast %add3A_164 : i32 to index
      %get3A_274 = arith.constant 96 : index
      %get3A_275 = tpu.vector_load %arg6[%get3A_273, %get3A_274] {strides = array<i32>} : memref<80x128xi32, #tpu.memory_space<vmem>>, vector<1x16xi32>,
      %get3A_276 = vector.shape_cast %get3A_275 : vector<1x16xi32> to vector<16xi32>
      %shift_right_logical3A_277 = arith.constant 14 : i32
      %shift_right_logical3A_278 = vector.broadcast %shift_right_logical3A_277 : i32 to vector<16xi32>
      %shift_right_logical3A_279 = arith.shrui %get3A_276, %shift_right_logical3A_278 : vector<16xi32>
      %swap3A_280 = arith.constant 96 : index
      %swap3A_281 = tpu.vector_load %arg9[%swap3A_280] {strides = array<i32>} : memref<128xi32, #tpu.memory_space<vmem>>, vector<16xi32>,
      %swap3A_282 = vector.shape_cast %swap3A_281 : vector<16xi32> to vector<16xi32>
      %swap3A_283 = vector.shape_cast %shift_right_logical3A_279 : vector<16xi32> to vector<16xi32>
      tpu.vector_store %arg9[%swap3A_280], %swap3A_283 {strides = array<i32>} : memref<128xi32, #tpu.memory_space<vmem>>, vector<16xi32>,
      %and3A_284 = arith.constant 16383 : i32
      %and3A_285 = vector.broadcast %and3A_284 : i32 to vector<16xi32>
      %and3A_286 = arith.andi %get3A_276, %and3A_285 : vector<16xi32>
      %swap3A_287 = arith.constant 96 : index
      %swap3A_288 = tpu.vector_load %arg10[%swap3A_287] {strides = array<i32>} : memref<128xi32, #tpu.memory_space<vmem>>, vector<16xi32>,
      %swap3A_289 = vector.shape_cast %swap3A_288 : vector<16xi32> to vector<16xi32>
      %swap3A_290 = vector.shape_cast %and3A_286 : vector<16xi32> to vector<16xi32>
      tpu.vector_store %arg10[%swap3A_287], %swap3A_290 {strides = array<i32>} : memref<128xi32, #tpu.memory_space<vmem>>, vector<16xi32>,
      %get3A_291 = arith.index_cast %add3A_164 : i32 to index
      %get3A_292 = arith.constant 112 : index
      %get3A_293 = tpu.vector_load %arg6[%get3A_291, %get3A_292] {strides = array<i32>} : memref<80x128xi32, #tpu.memory_space<vmem>>, vector<1x16xi32>,
      %get3A_294 = vector.shape_cast %get3A_293 : vector<1x16xi32> to vector<16xi32>
      %shift_right_logical3A_295 = arith.constant 14 : i32
      %shift_right_logical3A_296 = vector.broadcast %shift_right_logical3A_295 : i32 to vector<16xi32>
      %shift_right_logical3A_297 = arith.shrui %get3A_294, %shift_right_logical3A_296 : vector<16xi32>
      %swap3A_298 = arith.constant 112 : index
      %swap3A_299 = tpu.vector_load %arg9[%swap3A_298] {strides = array<i32>} : memref<128xi32, #tpu.memory_space<vmem>>, vector<16xi32>,
      %swap3A_300 = vector.shape_cast %swap3A_299 : vector<16xi32> to vector<16xi32>
      %swap3A_301 = vector.shape_cast %shift_right_logical3A_297 : vector<16xi32> to vector<16xi32>
      tpu.vector_store %arg9[%swap3A_298], %swap3A_301 {strides = array<i32>} : memref<128xi32, #tpu.memory_space<vmem>>, vector<16xi32>,
      %and3A_302 = arith.constant 16383 : i32
      %and3A_303 = vector.broadcast %and3A_302 : i32 to vector<16xi32>
      %and3A_304 = arith.andi %get3A_294, %and3A_303 : vector<16xi32>
      %swap3A_305 = arith.constant 112 : index
      %swap3A_306 = tpu.vector_load %arg10[%swap3A_305] {strides = array<i32>} : memref<128xi32, #tpu.memory_space<vmem>>, vector<16xi32>,
      %swap3A_307 = vector.shape_cast %swap3A_306 : vector<16xi32> to vector<16xi32>
      %swap3A_308 = vector.shape_cast %and3A_304 : vector<16xi32> to vector<16xi32>
      tpu.vector_store %arg10[%swap3A_305], %swap3A_308 {strides = array<i32>} : memref<128xi32, #tpu.memory_space<vmem>>, vector<16xi32>,
      %dma_start3A_309 = arith.constant 0 : i32
      %dma_start3A_310 = arith.constant 0 : i32
      %dma_start3A_311 = tpu.memref_slice %arg2[%dma_start3A_309, %dma_start3A_310] : memref<10240x128xf32, #tpu.memory_space<hbm>> -> memref<10240x128xf32, #tpu.memory_space<hbm>>
      tpu.enqueue_indirect_dma source(%dma_start3A_311 : memref<10240x128xf32, #tpu.memory_space<hbm>>) target(%arg12 : memref<128x128xf32, #tpu.memory_space<vmem>>) offsets(%arg9 : memref<128xi32, #tpu.memory_space<vmem>>) semaphore(%arg15 : memref<!tpu.dma_semaphore, #tpu.memory_space<semaphore_mem>>)
      %dma_wait3A = arith.constant 0 : i32
      %dma_wait3A_312 = arith.constant 0 : i32
      %dma_wait3A_313 = tpu.memref_slice %arg2[%dma_wait3A, %dma_wait3A_312] : memref<10240x128xf32, #tpu.memory_space<hbm>> -> memref<10240x128xf32, #tpu.memory_space<hbm>>
      tpu.wait_indirect_dma semaphore(%arg14 : memref<!tpu.dma_semaphore, #tpu.memory_space<semaphore_mem>>) src(%dma_wait3A_313 : memref<10240x128xf32, #tpu.memory_space<hbm>>) dst(%arg11 : memref<128x128xf32, #tpu.memory_space<vmem>>)
      "tpu.region"() ({
        %run_scoped3A = tpu.sem_alloc : memref<!tpu.dma_semaphore, #tpu.memory_space<semaphore_mem>>
        %dma_start3A_321 = arith.constant 0 : i32
        %dma_start3A_322 = arith.constant 0 : i32
        %dma_start3A_323 = tpu.memref_slice %arg13[%dma_start3A_321, %dma_start3A_322] : memref<10240x128xf32, #tpu.memory_space<vmem_shared>> -> memref<10240x128xf32, #tpu.memory_space<vmem_shared>>
        tpu.enqueue_indirect_dma source(%arg11 : memref<128x128xf32, #tpu.memory_space<vmem>>) target(%dma_start3A_323 : memref<10240x128xf32, #tpu.memory_space<vmem_shared>>) offsets(%arg8 : memref<128xi32, #tpu.memory_space<vmem>>) semaphore(%run_scoped3A : memref<!tpu.dma_semaphore, #tpu.memory_space<semaphore_mem>>) {add = true}
        %dma_wait3A_324 = arith.constant 0 : i32
        %dma_wait3A_325 = arith.constant 0 : i32
        %dma_wait3A_326 = tpu.memref_slice %arg13[%dma_wait3A_324, %dma_wait3A_325] : memref<10240x128xf32, #tpu.memory_space<vmem_shared>> -> memref<10240x128xf32, #tpu.memory_space<vmem_shared>>
        tpu.wait_indirect_dma semaphore(%run_scoped3A : memref<!tpu.dma_semaphore, #tpu.memory_space<semaphore_mem>>) src(%arg11 : memref<128x128xf32, #tpu.memory_space<vmem>>) dst(%dma_wait3A_326 : memref<10240x128xf32, #tpu.memory_space<vmem_shared>>)
        tpu.yield
      }) : () -> ()
      %add3A_314 = arith.constant 2 : i32
      %add3A_315 = arith.addi %add3A_162, %add3A_314 : i32
      %lt3A = arith.constant 80 : i32
      %lt3A_316 = arith.cmpi slt, %add3A_315, %lt3A : i32
      %convert_element_type3A = arith.extui %lt3A_316 : i1 to i32
      %cond3A = arith.constant 0 : i32
      %cond3A_317 = arith.cmpi ne, %convert_element_type3A, %cond3A : i32
      scf.if %cond3A_317 {
        %add3A_321 = arith.constant 2 : i32
        %add3A_322 = arith.addi %add3A_162, %add3A_321 : i32
        %get3A_323 = arith.index_cast %add3A_322 : i32 to index
        %get3A_324 = arith.constant 0 : index
        %get3A_325 = tpu.vector_load %arg6[%get3A_323, %get3A_324] {strides = array<i32>} : memref<80x128xi32, #tpu.memory_space<vmem>>, vector<1x16xi32>,
        %get3A_326 = vector.shape_cast %get3A_325 : vector<1x16xi32> to vector<16xi32>
        %shift_right_logical3A_327 = arith.constant 14 : i32
        %shift_right_logical3A_328 = vector.broadcast %shift_right_logical3A_327 : i32 to vector<16xi32>
        %shift_right_logical3A_329 = arith.shrui %get3A_326, %shift_right_logical3A_328 : vector<16xi32>
        %swap3A_330 = arith.constant 0 : index
        %swap3A_331 = tpu.vector_load %arg7[%swap3A_330] {strides = array<i32>} : memref<128xi32, #tpu.memory_space<vmem>>, vector<16xi32>,
        %swap3A_332 = vector.shape_cast %swap3A_331 : vector<16xi32> to vector<16xi32>
        %swap3A_333 = vector.shape_cast %shift_right_logical3A_329 : vector<16xi32> to vector<16xi32>
        tpu.vector_store %arg7[%swap3A_330], %swap3A_333 {strides = array<i32>} : memref<128xi32, #tpu.memory_space<vmem>>, vector<16xi32>,
        %and3A_334 = arith.constant 16383 : i32
        %and3A_335 = vector.broadcast %and3A_334 : i32 to vector<16xi32>
        %and3A_336 = arith.andi %get3A_326, %and3A_335 : vector<16xi32>
        %swap3A_337 = arith.constant 0 : index
        %swap3A_338 = tpu.vector_load %arg8[%swap3A_337] {strides = array<i32>} : memref<128xi32, #tpu.memory_space<vmem>>, vector<16xi32>,
        %swap3A_339 = vector.shape_cast %swap3A_338 : vector<16xi32> to vector<16xi32>
        %swap3A_340 = vector.shape_cast %and3A_336 : vector<16xi32> to vector<16xi32>
        tpu.vector_store %arg8[%swap3A_337], %swap3A_340 {strides = array<i32>} : memref<128xi32, #tpu.memory_space<vmem>>, vector<16xi32>,
        %get3A_341 = arith.index_cast %add3A_322 : i32 to index
        %get3A_342 = arith.constant 16 : index
        %get3A_343 = tpu.vector_load %arg6[%get3A_341, %get3A_342] {strides = array<i32>} : memref<80x128xi32, #tpu.memory_space<vmem>>, vector<1x16xi32>,
        %get3A_344 = vector.shape_cast %get3A_343 : vector<1x16xi32> to vector<16xi32>
        %shift_right_logical3A_345 = arith.constant 14 : i32
        %shift_right_logical3A_346 = vector.broadcast %shift_right_logical3A_345 : i32 to vector<16xi32>
        %shift_right_logical3A_347 = arith.shrui %get3A_344, %shift_right_logical3A_346 : vector<16xi32>
        %swap3A_348 = arith.constant 16 : index
        %swap3A_349 = tpu.vector_load %arg7[%swap3A_348] {strides = array<i32>} : memref<128xi32, #tpu.memory_space<vmem>>, vector<16xi32>,
        %swap3A_350 = vector.shape_cast %swap3A_349 : vector<16xi32> to vector<16xi32>
        %swap3A_351 = vector.shape_cast %shift_right_logical3A_347 : vector<16xi32> to vector<16xi32>
        tpu.vector_store %arg7[%swap3A_348], %swap3A_351 {strides = array<i32>} : memref<128xi32, #tpu.memory_space<vmem>>, vector<16xi32>,
        %and3A_352 = arith.constant 16383 : i32
        %and3A_353 = vector.broadcast %and3A_352 : i32 to vector<16xi32>
        %and3A_354 = arith.andi %get3A_344, %and3A_353 : vector<16xi32>
        %swap3A_355 = arith.constant 16 : index
        %swap3A_356 = tpu.vector_load %arg8[%swap3A_355] {strides = array<i32>} : memref<128xi32, #tpu.memory_space<vmem>>, vector<16xi32>,
        %swap3A_357 = vector.shape_cast %swap3A_356 : vector<16xi32> to vector<16xi32>
        %swap3A_358 = vector.shape_cast %and3A_354 : vector<16xi32> to vector<16xi32>
        tpu.vector_store %arg8[%swap3A_355], %swap3A_358 {strides = array<i32>} : memref<128xi32, #tpu.memory_space<vmem>>, vector<16xi32>,
        %get3A_359 = arith.index_cast %add3A_322 : i32 to index
        %get3A_360 = arith.constant 32 : index
        %get3A_361 = tpu.vector_load %arg6[%get3A_359, %get3A_360] {strides = array<i32>} : memref<80x128xi32, #tpu.memory_space<vmem>>, vector<1x16xi32>,
        %get3A_362 = vector.shape_cast %get3A_361 : vector<1x16xi32> to vector<16xi32>
        %shift_right_logical3A_363 = arith.constant 14 : i32
        %shift_right_logical3A_364 = vector.broadcast %shift_right_logical3A_363 : i32 to vector<16xi32>
        %shift_right_logical3A_365 = arith.shrui %get3A_362, %shift_right_logical3A_364 : vector<16xi32>
        %swap3A_366 = arith.constant 32 : index
        %swap3A_367 = tpu.vector_load %arg7[%swap3A_366] {strides = array<i32>} : memref<128xi32, #tpu.memory_space<vmem>>, vector<16xi32>,
        %swap3A_368 = vector.shape_cast %swap3A_367 : vector<16xi32> to vector<16xi32>
        %swap3A_369 = vector.shape_cast %shift_right_logical3A_365 : vector<16xi32> to vector<16xi32>
        tpu.vector_store %arg7[%swap3A_366], %swap3A_369 {strides = array<i32>} : memref<128xi32, #tpu.memory_space<vmem>>, vector<16xi32>,
        %and3A_370 = arith.constant 16383 : i32
        %and3A_371 = vector.broadcast %and3A_370 : i32 to vector<16xi32>
        %and3A_372 = arith.andi %get3A_362, %and3A_371 : vector<16xi32>
        %swap3A_373 = arith.constant 32 : index
        %swap3A_374 = tpu.vector_load %arg8[%swap3A_373] {strides = array<i32>} : memref<128xi32, #tpu.memory_space<vmem>>, vector<16xi32>,
        %swap3A_375 = vector.shape_cast %swap3A_374 : vector<16xi32> to vector<16xi32>
        %swap3A_376 = vector.shape_cast %and3A_372 : vector<16xi32> to vector<16xi32>
        tpu.vector_store %arg8[%swap3A_373], %swap3A_376 {strides = array<i32>} : memref<128xi32, #tpu.memory_space<vmem>>, vector<16xi32>,
        %get3A_377 = arith.index_cast %add3A_322 : i32 to index
        %get3A_378 = arith.constant 48 : index
        %get3A_379 = tpu.vector_load %arg6[%get3A_377, %get3A_378] {strides = array<i32>} : memref<80x128xi32, #tpu.memory_space<vmem>>, vector<1x16xi32>,
        %get3A_380 = vector.shape_cast %get3A_379 : vector<1x16xi32> to vector<16xi32>
        %shift_right_logical3A_381 = arith.constant 14 : i32
        %shift_right_logical3A_382 = vector.broadcast %shift_right_logical3A_381 : i32 to vector<16xi32>
        %shift_right_logical3A_383 = arith.shrui %get3A_380, %shift_right_logical3A_382 : vector<16xi32>
        %swap3A_384 = arith.constant 48 : index
        %swap3A_385 = tpu.vector_load %arg7[%swap3A_384] {strides = array<i32>} : memref<128xi32, #tpu.memory_space<vmem>>, vector<16xi32>,
        %swap3A_386 = vector.shape_cast %swap3A_385 : vector<16xi32> to vector<16xi32>
        %swap3A_387 = vector.shape_cast %shift_right_logical3A_383 : vector<16xi32> to vector<16xi32>
        tpu.vector_store %arg7[%swap3A_384], %swap3A_387 {strides = array<i32>} : memref<128xi32, #tpu.memory_space<vmem>>, vector<16xi32>,
        %and3A_388 = arith.constant 16383 : i32
        %and3A_389 = vector.broadcast %and3A_388 : i32 to vector<16xi32>
        %and3A_390 = arith.andi %get3A_380, %and3A_389 : vector<16xi32>
        %swap3A_391 = arith.constant 48 : index
        %swap3A_392 = tpu.vector_load %arg8[%swap3A_391] {strides = array<i32>} : memref<128xi32, #tpu.memory_space<vmem>>, vector<16xi32>,
        %swap3A_393 = vector.shape_cast %swap3A_392 : vector<16xi32> to vector<16xi32>
        %swap3A_394 = vector.shape_cast %and3A_390 : vector<16xi32> to vector<16xi32>
        tpu.vector_store %arg8[%swap3A_391], %swap3A_394 {strides = array<i32>} : memref<128xi32, #tpu.memory_space<vmem>>, vector<16xi32>,
        %get3A_395 = arith.index_cast %add3A_322 : i32 to index
        %get3A_396 = arith.constant 64 : index
        %get3A_397 = tpu.vector_load %arg6[%get3A_395, %get3A_396] {strides = array<i32>} : memref<80x128xi32, #tpu.memory_space<vmem>>, vector<1x16xi32>,
        %get3A_398 = vector.shape_cast %get3A_397 : vector<1x16xi32> to vector<16xi32>
        %shift_right_logical3A_399 = arith.constant 14 : i32
        %shift_right_logical3A_400 = vector.broadcast %shift_right_logical3A_399 : i32 to vector<16xi32>
        %shift_right_logical3A_401 = arith.shrui %get3A_398, %shift_right_logical3A_400 : vector<16xi32>
        %swap3A_402 = arith.constant 64 : index
        %swap3A_403 = tpu.vector_load %arg7[%swap3A_402] {strides = array<i32>} : memref<128xi32, #tpu.memory_space<vmem>>, vector<16xi32>,
        %swap3A_404 = vector.shape_cast %swap3A_403 : vector<16xi32> to vector<16xi32>
        %swap3A_405 = vector.shape_cast %shift_right_logical3A_401 : vector<16xi32> to vector<16xi32>
        tpu.vector_store %arg7[%swap3A_402], %swap3A_405 {strides = array<i32>} : memref<128xi32, #tpu.memory_space<vmem>>, vector<16xi32>,
        %and3A_406 = arith.constant 16383 : i32
        %and3A_407 = vector.broadcast %and3A_406 : i32 to vector<16xi32>
        %and3A_408 = arith.andi %get3A_398, %and3A_407 : vector<16xi32>
        %swap3A_409 = arith.constant 64 : index
        %swap3A_410 = tpu.vector_load %arg8[%swap3A_409] {strides = array<i32>} : memref<128xi32, #tpu.memory_space<vmem>>, vector<16xi32>,
        %swap3A_411 = vector.shape_cast %swap3A_410 : vector<16xi32> to vector<16xi32>
        %swap3A_412 = vector.shape_cast %and3A_408 : vector<16xi32> to vector<16xi32>
        tpu.vector_store %arg8[%swap3A_409], %swap3A_412 {strides = array<i32>} : memref<128xi32, #tpu.memory_space<vmem>>, vector<16xi32>,
        %get3A_413 = arith.index_cast %add3A_322 : i32 to index
        %get3A_414 = arith.constant 80 : index
        %get3A_415 = tpu.vector_load %arg6[%get3A_413, %get3A_414] {strides = array<i32>} : memref<80x128xi32, #tpu.memory_space<vmem>>, vector<1x16xi32>,
        %get3A_416 = vector.shape_cast %get3A_415 : vector<1x16xi32> to vector<16xi32>
        %shift_right_logical3A_417 = arith.constant 14 : i32
        %shift_right_logical3A_418 = vector.broadcast %shift_right_logical3A_417 : i32 to vector<16xi32>
        %shift_right_logical3A_419 = arith.shrui %get3A_416, %shift_right_logical3A_418 : vector<16xi32>
        %swap3A_420 = arith.constant 80 : index
        %swap3A_421 = tpu.vector_load %arg7[%swap3A_420] {strides = array<i32>} : memref<128xi32, #tpu.memory_space<vmem>>, vector<16xi32>,
        %swap3A_422 = vector.shape_cast %swap3A_421 : vector<16xi32> to vector<16xi32>
        %swap3A_423 = vector.shape_cast %shift_right_logical3A_419 : vector<16xi32> to vector<16xi32>
        tpu.vector_store %arg7[%swap3A_420], %swap3A_423 {strides = array<i32>} : memref<128xi32, #tpu.memory_space<vmem>>, vector<16xi32>,
        %and3A_424 = arith.constant 16383 : i32
        %and3A_425 = vector.broadcast %and3A_424 : i32 to vector<16xi32>
        %and3A_426 = arith.andi %get3A_416, %and3A_425 : vector<16xi32>
        %swap3A_427 = arith.constant 80 : index
        %swap3A_428 = tpu.vector_load %arg8[%swap3A_427] {strides = array<i32>} : memref<128xi32, #tpu.memory_space<vmem>>, vector<16xi32>,
        %swap3A_429 = vector.shape_cast %swap3A_428 : vector<16xi32> to vector<16xi32>
        %swap3A_430 = vector.shape_cast %and3A_426 : vector<16xi32> to vector<16xi32>
        tpu.vector_store %arg8[%swap3A_427], %swap3A_430 {strides = array<i32>} : memref<128xi32, #tpu.memory_space<vmem>>, vector<16xi32>,
        %get3A_431 = arith.index_cast %add3A_322 : i32 to index
        %get3A_432 = arith.constant 96 : index
        %get3A_433 = tpu.vector_load %arg6[%get3A_431, %get3A_432] {strides = array<i32>} : memref<80x128xi32, #tpu.memory_space<vmem>>, vector<1x16xi32>,
        %get3A_434 = vector.shape_cast %get3A_433 : vector<1x16xi32> to vector<16xi32>
        %shift_right_logical3A_435 = arith.constant 14 : i32
        %shift_right_logical3A_436 = vector.broadcast %shift_right_logical3A_435 : i32 to vector<16xi32>
        %shift_right_logical3A_437 = arith.shrui %get3A_434, %shift_right_logical3A_436 : vector<16xi32>
        %swap3A_438 = arith.constant 96 : index
        %swap3A_439 = tpu.vector_load %arg7[%swap3A_438] {strides = array<i32>} : memref<128xi32, #tpu.memory_space<vmem>>, vector<16xi32>,
        %swap3A_440 = vector.shape_cast %swap3A_439 : vector<16xi32> to vector<16xi32>
        %swap3A_441 = vector.shape_cast %shift_right_logical3A_437 : vector<16xi32> to vector<16xi32>
        tpu.vector_store %arg7[%swap3A_438], %swap3A_441 {strides = array<i32>} : memref<128xi32, #tpu.memory_space<vmem>>, vector<16xi32>,
        %and3A_442 = arith.constant 16383 : i32
        %and3A_443 = vector.broadcast %and3A_442 : i32 to vector<16xi32>
        %and3A_444 = arith.andi %get3A_434, %and3A_443 : vector<16xi32>
        %swap3A_445 = arith.constant 96 : index
        %swap3A_446 = tpu.vector_load %arg8[%swap3A_445] {strides = array<i32>} : memref<128xi32, #tpu.memory_space<vmem>>, vector<16xi32>,
        %swap3A_447 = vector.shape_cast %swap3A_446 : vector<16xi32> to vector<16xi32>
        %swap3A_448 = vector.shape_cast %and3A_444 : vector<16xi32> to vector<16xi32>
        tpu.vector_store %arg8[%swap3A_445], %swap3A_448 {strides = array<i32>} : memref<128xi32, #tpu.memory_space<vmem>>, vector<16xi32>,
        %get3A_449 = arith.index_cast %add3A_322 : i32 to index
        %get3A_450 = arith.constant 112 : index
        %get3A_451 = tpu.vector_load %arg6[%get3A_449, %get3A_450] {strides = array<i32>} : memref<80x128xi32, #tpu.memory_space<vmem>>, vector<1x16xi32>,
        %get3A_452 = vector.shape_cast %get3A_451 : vector<1x16xi32> to vector<16xi32>
        %shift_right_logical3A_453 = arith.constant 14 : i32
        %shift_right_logical3A_454 = vector.broadcast %shift_right_logical3A_453 : i32 to vector<16xi32>
        %shift_right_logical3A_455 = arith.shrui %get3A_452, %shift_right_logical3A_454 : vector<16xi32>
        %swap3A_456 = arith.constant 112 : index
        %swap3A_457 = tpu.vector_load %arg7[%swap3A_456] {strides = array<i32>} : memref<128xi32, #tpu.memory_space<vmem>>, vector<16xi32>,
        %swap3A_458 = vector.shape_cast %swap3A_457 : vector<16xi32> to vector<16xi32>
        %swap3A_459 = vector.shape_cast %shift_right_logical3A_455 : vector<16xi32> to vector<16xi32>
        tpu.vector_store %arg7[%swap3A_456], %swap3A_459 {strides = array<i32>} : memref<128xi32, #tpu.memory_space<vmem>>, vector<16xi32>,
        %and3A_460 = arith.constant 16383 : i32
        %and3A_461 = vector.broadcast %and3A_460 : i32 to vector<16xi32>
        %and3A_462 = arith.andi %get3A_452, %and3A_461 : vector<16xi32>
        %swap3A_463 = arith.constant 112 : index
        %swap3A_464 = tpu.vector_load %arg8[%swap3A_463] {strides = array<i32>} : memref<128xi32, #tpu.memory_space<vmem>>, vector<16xi32>,
        %swap3A_465 = vector.shape_cast %swap3A_464 : vector<16xi32> to vector<16xi32>
        %swap3A_466 = vector.shape_cast %and3A_462 : vector<16xi32> to vector<16xi32>
        tpu.vector_store %arg8[%swap3A_463], %swap3A_466 {strides = array<i32>} : memref<128xi32, #tpu.memory_space<vmem>>, vector<16xi32>,
        %dma_start3A_467 = arith.constant 0 : i32
        %dma_start3A_468 = arith.constant 0 : i32
        %dma_start3A_469 = tpu.memref_slice %arg2[%dma_start3A_467, %dma_start3A_468] : memref<10240x128xf32, #tpu.memory_space<hbm>> -> memref<10240x128xf32, #tpu.memory_space<hbm>>
        tpu.enqueue_indirect_dma source(%dma_start3A_469 : memref<10240x128xf32, #tpu.memory_space<hbm>>) target(%arg11 : memref<128x128xf32, #tpu.memory_space<vmem>>) offsets(%arg7 : memref<128xi32, #tpu.memory_space<vmem>>) semaphore(%arg14 : memref<!tpu.dma_semaphore, #tpu.memory_space<semaphore_mem>>)
      } else {
      }
      %dma_wait3A_318 = arith.constant 0 : i32
      %dma_wait3A_319 = arith.constant 0 : i32
      %dma_wait3A_320 = tpu.memref_slice %arg2[%dma_wait3A_318, %dma_wait3A_319] : memref<10240x128xf32, #tpu.memory_space<hbm>> -> memref<10240x128xf32, #tpu.memory_space<hbm>>
      tpu.wait_indirect_dma semaphore(%arg15 : memref<!tpu.dma_semaphore, #tpu.memory_space<semaphore_mem>>) src(%dma_wait3A_320 : memref<10240x128xf32, #tpu.memory_space<hbm>>) dst(%arg12 : memref<128x128xf32, #tpu.memory_space<vmem>>)
      "tpu.region"() ({
        %run_scoped3A = tpu.sem_alloc : memref<!tpu.dma_semaphore, #tpu.memory_space<semaphore_mem>>
        %dma_start3A_321 = arith.constant 0 : i32
        %dma_start3A_322 = arith.constant 0 : i32
        %dma_start3A_323 = tpu.memref_slice %arg13[%dma_start3A_321, %dma_start3A_322] : memref<10240x128xf32, #tpu.memory_space<vmem_shared>> -> memref<10240x128xf32, #tpu.memory_space<vmem_shared>>
        tpu.enqueue_indirect_dma source(%arg12 : memref<128x128xf32, #tpu.memory_space<vmem>>) target(%dma_start3A_323 : memref<10240x128xf32, #tpu.memory_space<vmem_shared>>) offsets(%arg10 : memref<128xi32, #tpu.memory_space<vmem>>) semaphore(%run_scoped3A : memref<!tpu.dma_semaphore, #tpu.memory_space<semaphore_mem>>) {add = true}
        %dma_wait3A_324 = arith.constant 0 : i32
        %dma_wait3A_325 = arith.constant 0 : i32
        %dma_wait3A_326 = tpu.memref_slice %arg13[%dma_wait3A_324, %dma_wait3A_325] : memref<10240x128xf32, #tpu.memory_space<vmem_shared>> -> memref<10240x128xf32, #tpu.memory_space<vmem_shared>>
        tpu.wait_indirect_dma semaphore(%run_scoped3A : memref<!tpu.dma_semaphore, #tpu.memory_space<semaphore_mem>>) src(%arg12 : memref<128x128xf32, #tpu.memory_space<vmem>>) dst(%dma_wait3A_326 : memref<10240x128xf32, #tpu.memory_space<vmem_shared>>)
        tpu.yield
      }) : () -> ()
    }
    %scan3A_156 = arith.constant 40 : i32
    %barrier3A_157 = arith.constant 0 : index
    tpu.barrier barrier_id(%barrier3A_157)
    "tpu.region"() ({
      %run_scoped3A = tpu.sem_alloc : memref<!tpu.dma_semaphore, #tpu.memory_space<semaphore_mem>>
      %dma_start3A_158 = arith.constant 0 : i32
      %dma_start3A_159 = tpu.memref_slice %arg5[%arg0, %mul3A_2, %dma_start3A_158] : memref<2x10240x128xf32, #tpu.memory_space<hbm>> -> memref<1x640x128xf32, #tpu.memory_space<hbm>>
      %dma_start3A_160 = tpu.memref_squeeze %dma_start3A_159 : memref<1x640x128xf32, #tpu.memory_space<hbm>> -> memref<640x128xf32, #tpu.memory_space<hbm>>
      %dma_start3A_161 = arith.constant 0 : i32
      %dma_start3A_162 = tpu.memref_slice %arg13[%mul3A_2, %dma_start3A_161] : memref<10240x128xf32, #tpu.memory_space<vmem_shared>> -> memref<640x128xf32, #tpu.memory_space<vmem_shared>>
      tpu.enqueue_dma source(%dma_start3A_162 : memref<640x128xf32, #tpu.memory_space<vmem_shared>>) target(%dma_start3A_160 : memref<640x128xf32, #tpu.memory_space<hbm>>) target_semaphore(%run_scoped3A : memref<!tpu.dma_semaphore, #tpu.memory_space<semaphore_mem>>)
      %dma_wait3A = arith.constant 0 : i32
      %dma_wait3A_163 = tpu.memref_slice %arg5[%arg0, %mul3A_2, %dma_wait3A] : memref<2x10240x128xf32, #tpu.memory_space<hbm>> -> memref<1x640x128xf32, #tpu.memory_space<hbm>>
      %dma_wait3A_164 = tpu.memref_squeeze %dma_wait3A_163 : memref<1x640x128xf32, #tpu.memory_space<hbm>> -> memref<640x128xf32, #tpu.memory_space<hbm>>
      %dma_wait3A_165 = arith.constant 0 : i32
      %dma_wait3A_166 = tpu.memref_slice %arg13[%mul3A_2, %dma_wait3A_165] : memref<10240x128xf32, #tpu.memory_space<vmem_shared>> -> memref<640x128xf32, #tpu.memory_space<vmem_shared>>
      tpu.wait_dma2 semaphore(%run_scoped3A : memref<!tpu.dma_semaphore, #tpu.memory_space<semaphore_mem>>) src(%dma_wait3A_166 : memref<640x128xf32, #tpu.memory_space<vmem_shared>>) dst(%dma_wait3A_164 : memref<640x128xf32, #tpu.memory_space<hbm>>)
      tpu.yield
    }) : () -> ()
    return
  }
}

module attributes {stable_mosaic.version = 14 : i64} {
  func.func @_k1a_body(%arg0: i32, %arg1: memref<1024x128xf32, #tpu.memory_space<vmem>>, %arg2: memref<128x128xf32, #tpu.memory_space<vmem>>, %arg3: memref<1024x128xf32, #tpu.memory_space<vmem>>) attributes {dimension_semantics = [#tpu.dimension_semantics<arbitrary>], iteration_bounds = array<i64: 10>, scalar_prefetch = 0 : i64, scratch_operands = 0 : i64, tpu.core_type = #tpu.core_type<tc>, window_params = [{transform_indices = @transform_0, window_bounds = array<i64: 1024, 128>}, {pipeline_mode = #tpu.pipeline_mode<synchronous>, transform_indices = @transform_1, window_bounds = array<i64: 128, 128>}, {transform_indices = @transform_2, window_bounds = array<i64: 1024, 128>}]} {
    %get3A = arith.constant 0 : index
    %get3A_0 = arith.constant 0 : index
    %get3A_1 = vector.load %arg1[%get3A, %get3A_0] : memref<1024x128xf32, #tpu.memory_space<vmem>>, vector<1024x128xf32>
    %get3A_2 = arith.constant 0 : index
    %get3A_3 = arith.constant 0 : index
    %get3A_4 = vector.load %arg2[%get3A_2, %get3A_3] : memref<128x128xf32, #tpu.memory_space<vmem>>, vector<128x128xf32>
    %dot_general3A = arith.constant dense<0.000000e+00> : vector<1024x128xf32>
    %dot_general3A_5 = tpu.matmul %get3A_1, %get3A_4, %dot_general3A {dimension_numbers = #tpu.dot_dimension_numbers<[1], [0], [0], [1], [0, 0, 1, 1], [], []>, transpose_lhs_hint = false} : vector<1024x128xf32>, vector<128x128xf32>, vector<1024x128xf32> -> vector<1024x128xf32>
    %swap3A = arith.constant 0 : index
    %swap3A_6 = arith.constant 0 : index
    %swap3A_7 = vector.load %arg3[%swap3A, %swap3A_6] : memref<1024x128xf32, #tpu.memory_space<vmem>>, vector<1024x128xf32>
    tpu.vector_store %arg3[%swap3A, %swap3A_6], %dot_general3A_5 {strides = array<i32>} : memref<1024x128xf32, #tpu.memory_space<vmem>>, vector<1024x128xf32>,
    return
  }
  func.func @transform_0(%arg0: i32) -> (i32, i32) {
    %c0_i32 = arith.constant 0 : i32
    %c0_i32_0 = arith.constant 0 : i32
    return %arg0, %c0_i32 : i32, i32
  }
  func.func @transform_1(%arg0: i32) -> (i32, i32) {
    %c0_i32 = arith.constant 0 : i32
    %c0_i32_0 = arith.constant 0 : i32
    %c0_i32_1 = arith.constant 0 : i32
    return %c0_i32, %c0_i32_0 : i32, i32
  }
  func.func @transform_2(%arg0: i32) -> (i32, i32) {
    %c0_i32 = arith.constant 0 : i32
    %c0_i32_0 = arith.constant 0 : i32
    return %arg0, %c0_i32 : i32, i32
  }
}

module attributes {stable_mosaic.version = 14 : i64} {
  func.func @_k1b_body(%arg0: i32, %arg1: memref<1024x128xf32, #tpu.memory_space<vmem>>, %arg2: memref<2x1024xf32, #tpu.memory_space<vmem>>, %arg3: memref<2x1024xf32, #tpu.memory_space<vmem>>, %arg4: memref<1024x128xf32, #tpu.memory_space<vmem>>) attributes {dimension_semantics = [#tpu.dimension_semantics<arbitrary>], iteration_bounds = array<i64: 10>, scalar_prefetch = 0 : i64, scratch_operands = 0 : i64, tpu.core_type = #tpu.core_type<tc>, window_params = [{transform_indices = @transform_0, window_bounds = array<i64: 1024, 128>}, {transform_indices = @transform_1, window_bounds = array<i64: 2, 1024>}, {transform_indices = @transform_2, window_bounds = array<i64: 2, 1024>}, {transform_indices = @transform_3, window_bounds = array<i64: 1024, 128>}]} {
    %get3A = arith.constant 0 : index
    %get3A_0 = arith.constant 0 : index
    %get3A_1 = vector.load %arg2[%get3A, %get3A_0] : memref<2x1024xf32, #tpu.memory_space<vmem>>, vector<1x1024xf32>
    %get3A_2 = vector.shape_cast %get3A_1 : vector<1x1024xf32> to vector<1024xf32>
    %get3A_3 = arith.constant 1 : index
    %get3A_4 = arith.constant 0 : index
    %get3A_5 = vector.load %arg2[%get3A_3, %get3A_4] : memref<2x1024xf32, #tpu.memory_space<vmem>>, vector<1x1024xf32>
    %get3A_6 = vector.shape_cast %get3A_5 : vector<1x1024xf32> to vector<1024xf32>
    %add3A = arith.addf %get3A_2, %get3A_6 : vector<1024xf32>
    %gt3A = arith.constant 0.000000e+00 : f32
    %gt3A_7 = vector.broadcast %gt3A : f32 to vector<1024xf32>
    %gt3A_8 = arith.cmpf ogt, %add3A, %gt3A_7 : vector<1024xf32>
    %max3A = arith.constant 1.000000e+00 : f32
    %max3A_9 = vector.broadcast %max3A : f32 to vector<1024xf32>
    %max3A_10 = arith.maximumf %add3A, %max3A_9 : vector<1024xf32>
    %rsqrt3A = math.rsqrt %max3A_10 : vector<1024xf32>
    %jit3A = arith.constant 0.000000e+00 : f32
    %broadcast_in_dim3A = vector.broadcast %jit3A : f32 to vector<1024xf32>
    %select_n3A = arith.select %gt3A_8, %rsqrt3A, %broadcast_in_dim3A : vector<1024xi1>, vector<1024xf32>
    %get3A_11 = arith.constant 0 : index
    %get3A_12 = arith.constant 0 : index
    %get3A_13 = vector.load %arg1[%get3A_11, %get3A_12] : memref<1024x128xf32, #tpu.memory_space<vmem>>, vector<1024x128xf32>
    %broadcast_in_dim3A_14 = vector.shape_cast %select_n3A : vector<1024xf32> to vector<1024x1xf32>
    %mul3A = vector.broadcast %broadcast_in_dim3A_14 : vector<1024x1xf32> to vector<1024x128xf32>
    %mul3A_15 = arith.mulf %get3A_13, %mul3A : vector<1024x128xf32>
    %swap3A = arith.constant 0 : index
    %swap3A_16 = arith.constant 0 : index
    %swap3A_17 = vector.load %arg4[%swap3A, %swap3A_16] : memref<1024x128xf32, #tpu.memory_space<vmem>>, vector<1024x128xf32>
    tpu.vector_store %arg4[%swap3A, %swap3A_16], %mul3A_15 {strides = array<i32>} : memref<1024x128xf32, #tpu.memory_space<vmem>>, vector<1024x128xf32>,
    return
  }
  func.func @transform_0(%arg0: i32) -> (i32, i32) {
    %c0_i32 = arith.constant 0 : i32
    %c0_i32_0 = arith.constant 0 : i32
    return %arg0, %c0_i32 : i32, i32
  }
  func.func @transform_1(%arg0: i32) -> (i32, i32) {
    %c0_i32 = arith.constant 0 : i32
    %c0_i32_0 = arith.constant 0 : i32
    return %c0_i32, %arg0 : i32, i32
  }
  func.func @transform_2(%arg0: i32) -> (i32, i32) {
    %c0_i32 = arith.constant 0 : i32
    %c0_i32_0 = arith.constant 0 : i32
    return %c0_i32, %arg0 : i32, i32
  }
  func.func @transform_3(%arg0: i32) -> (i32, i32) {
    %c0_i32 = arith.constant 0 : i32
    %c0_i32_0 = arith.constant 0 : i32
    return %arg0, %c0_i32 : i32, i32
  }
}

module attributes {stable_mosaic.version = 14 : i64} {
  func.func @_k3_body(%arg0: i32, %arg1: memref<2x1024x128xf32, #tpu.memory_space<vmem>>, %arg2: memref<2x1024xf32, #tpu.memory_space<vmem>>, %arg3: memref<2x1024xf32, #tpu.memory_space<vmem>>, %arg4: memref<1x128xf32, #tpu.memory_space<vmem>>, %arg5: memref<1024x128xf32, #tpu.memory_space<vmem>>) attributes {dimension_semantics = [#tpu.dimension_semantics<arbitrary>], iteration_bounds = array<i64: 10>, scalar_prefetch = 0 : i64, scratch_operands = 0 : i64, tpu.core_type = #tpu.core_type<tc>, window_params = [{transform_indices = @transform_0, window_bounds = array<i64: 2, 1024, 128>}, {transform_indices = @transform_1, window_bounds = array<i64: 2, 1024>}, {transform_indices = @transform_2, window_bounds = array<i64: 2, 1024>}, {pipeline_mode = #tpu.pipeline_mode<synchronous>, transform_indices = @transform_3, window_bounds = array<i64: 1, 128>}, {transform_indices = @transform_4, window_bounds = array<i64: 1024, 128>}]} {
    %get3A = arith.constant 0 : index
    %get3A_0 = arith.constant 0 : index
    %get3A_1 = vector.load %arg2[%get3A, %get3A_0] : memref<2x1024xf32, #tpu.memory_space<vmem>>, vector<1x1024xf32>
    %get3A_2 = vector.shape_cast %get3A_1 : vector<1x1024xf32> to vector<1024xf32>
    %get3A_3 = arith.constant 1 : index
    %get3A_4 = arith.constant 0 : index
    %get3A_5 = vector.load %arg2[%get3A_3, %get3A_4] : memref<2x1024xf32, #tpu.memory_space<vmem>>, vector<1x1024xf32>
    %get3A_6 = vector.shape_cast %get3A_5 : vector<1x1024xf32> to vector<1024xf32>
    %add3A = arith.addf %get3A_2, %get3A_6 : vector<1024xf32>
    %get3A_7 = arith.constant 0 : index
    %get3A_8 = arith.constant 0 : index
    %get3A_9 = vector.load %arg3[%get3A_7, %get3A_8] : memref<2x1024xf32, #tpu.memory_space<vmem>>, vector<1x1024xf32>
    %get3A_10 = vector.shape_cast %get3A_9 : vector<1x1024xf32> to vector<1024xf32>
    %get3A_11 = arith.constant 1 : index
    %get3A_12 = arith.constant 0 : index
    %get3A_13 = vector.load %arg3[%get3A_11, %get3A_12] : memref<2x1024xf32, #tpu.memory_space<vmem>>, vector<1x1024xf32>
    %get3A_14 = vector.shape_cast %get3A_13 : vector<1x1024xf32> to vector<1024xf32>
    %add3A_15 = arith.addf %get3A_10, %get3A_14 : vector<1024xf32>
    %gt3A = arith.constant 0.000000e+00 : f32
    %gt3A_16 = vector.broadcast %gt3A : f32 to vector<1024xf32>
    %gt3A_17 = arith.cmpf ogt, %add3A, %gt3A_16 : vector<1024xf32>
    %max3A = arith.constant 1.000000e+00 : f32
    %max3A_18 = vector.broadcast %max3A : f32 to vector<1024xf32>
    %max3A_19 = arith.maximumf %add3A, %max3A_18 : vector<1024xf32>
    %rsqrt3A = math.rsqrt %max3A_19 : vector<1024xf32>
    %jit3A = arith.constant 0.000000e+00 : f32
    %broadcast_in_dim3A = vector.broadcast %jit3A : f32 to vector<1024xf32>
    %select_n3A = arith.select %gt3A_17, %rsqrt3A, %broadcast_in_dim3A : vector<1024xi1>, vector<1024xf32>
    %gt3A_20 = arith.constant 0.000000e+00 : f32
    %gt3A_21 = vector.broadcast %gt3A_20 : f32 to vector<1024xf32>
    %gt3A_22 = arith.cmpf ogt, %add3A_15, %gt3A_21 : vector<1024xf32>
    %max3A_23 = arith.constant 1.000000e+00 : f32
    %max3A_24 = vector.broadcast %max3A_23 : f32 to vector<1024xf32>
    %max3A_25 = arith.maximumf %add3A_15, %max3A_24 : vector<1024xf32>
    %rsqrt3A_26 = math.rsqrt %max3A_25 : vector<1024xf32>
    %jit3A_27 = arith.constant 0.000000e+00 : f32
    %broadcast_in_dim3A_28 = vector.broadcast %jit3A_27 : f32 to vector<1024xf32>
    %select_n3A_29 = arith.select %gt3A_22, %rsqrt3A_26, %broadcast_in_dim3A_28 : vector<1024xi1>, vector<1024xf32>
    %get3A_30 = arith.constant 0 : index
    %get3A_31 = arith.constant 0 : index
    %get3A_32 = arith.constant 0 : index
    %get3A_33 = vector.load %arg1[%get3A_30, %get3A_31, %get3A_32] : memref<2x1024x128xf32, #tpu.memory_space<vmem>>, vector<1x1024x128xf32>
    %get3A_34 = vector.shape_cast %get3A_33 : vector<1x1024x128xf32> to vector<1024x128xf32>
    %get3A_35 = arith.constant 1 : index
    %get3A_36 = arith.constant 0 : index
    %get3A_37 = arith.constant 0 : index
    %get3A_38 = vector.load %arg1[%get3A_35, %get3A_36, %get3A_37] : memref<2x1024x128xf32, #tpu.memory_space<vmem>>, vector<1x1024x128xf32>
    %get3A_39 = vector.shape_cast %get3A_38 : vector<1x1024x128xf32> to vector<1024x128xf32>
    %add3A_40 = arith.addf %get3A_34, %get3A_39 : vector<1024x128xf32>
    %broadcast_in_dim3A_41 = vector.shape_cast %select_n3A_29 : vector<1024xf32> to vector<1024x1xf32>
    %mul3A = vector.broadcast %broadcast_in_dim3A_41 : vector<1024x1xf32> to vector<1024x128xf32>
    %mul3A_42 = arith.mulf %add3A_40, %mul3A : vector<1024x128xf32>
    %get3A_43 = arith.constant 0 : index
    %get3A_44 = arith.constant 0 : index
    %get3A_45 = vector.load %arg4[%get3A_43, %get3A_44] : memref<1x128xf32, #tpu.memory_space<vmem>>, vector<1x128xf32>
    %add3A_46 = vector.broadcast %get3A_45 : vector<1x128xf32> to vector<1024x128xf32>
    %add3A_47 = arith.addf %mul3A_42, %add3A_46 : vector<1024x128xf32>
    %max3A_48 = arith.constant 0.000000e+00 : f32
    %max3A_49 = vector.broadcast %max3A_48 : f32 to vector<1024x128xf32>
    %max3A_50 = arith.maximumf %add3A_47, %max3A_49 : vector<1024x128xf32>
    %broadcast_in_dim3A_51 = vector.shape_cast %select_n3A : vector<1024xf32> to vector<1024x1xf32>
    %mul3A_52 = vector.broadcast %broadcast_in_dim3A_51 : vector<1024x1xf32> to vector<1024x128xf32>
    %mul3A_53 = arith.mulf %max3A_50, %mul3A_52 : vector<1024x128xf32>
    %swap3A = arith.constant 0 : index
    %swap3A_54 = arith.constant 0 : index
    %swap3A_55 = vector.load %arg5[%swap3A, %swap3A_54] : memref<1024x128xf32, #tpu.memory_space<vmem>>, vector<1024x128xf32>
    tpu.vector_store %arg5[%swap3A, %swap3A_54], %mul3A_53 {strides = array<i32>} : memref<1024x128xf32, #tpu.memory_space<vmem>>, vector<1024x128xf32>,
    return
  }
  func.func @transform_0(%arg0: i32) -> (i32, i32, i32) {
    %c0_i32 = arith.constant 0 : i32
    %c0_i32_0 = arith.constant 0 : i32
    %c0_i32_1 = arith.constant 0 : i32
    return %c0_i32, %arg0, %c0_i32_0 : i32, i32, i32
  }
  func.func @transform_1(%arg0: i32) -> (i32, i32) {
    %c0_i32 = arith.constant 0 : i32
    %c0_i32_0 = arith.constant 0 : i32
    return %c0_i32, %arg0 : i32, i32
  }
  func.func @transform_2(%arg0: i32) -> (i32, i32) {
    %c0_i32 = arith.constant 0 : i32
    %c0_i32_0 = arith.constant 0 : i32
    return %c0_i32, %arg0 : i32, i32
  }
  func.func @transform_3(%arg0: i32) -> (i32, i32) {
    %c0_i32 = arith.constant 0 : i32
    %c0_i32_0 = arith.constant 0 : i32
    %c0_i32_1 = arith.constant 0 : i32
    return %c0_i32, %c0_i32_0 : i32, i32
  }
  func.func @transform_4(%arg0: i32) -> (i32, i32) {
    %c0_i32 = arith.constant 0 : i32
    %c0_i32_0 = arith.constant 0 : i32
    return %arg0, %c0_i32 : i32, i32
  }
}

module attributes {stable_mosaic.version = 14 : i64} {
  func.func @_k5_body(%arg0: i32, %arg1: memref<2x1024x128xf32, #tpu.memory_space<vmem>>, %arg2: memref<2x1024xf32, #tpu.memory_space<vmem>>, %arg3: memref<2x1024xf32, #tpu.memory_space<vmem>>, %arg4: memref<1x40xf32, #tpu.memory_space<vmem>>, %arg5: memref<128x40xf32, #tpu.memory_space<vmem>>, %arg6: memref<1024x40xf32, #tpu.memory_space<vmem>>) attributes {dimension_semantics = [#tpu.dimension_semantics<arbitrary>], iteration_bounds = array<i64: 10>, scalar_prefetch = 0 : i64, scratch_operands = 0 : i64, tpu.core_type = #tpu.core_type<tc>, window_params = [{transform_indices = @transform_0, window_bounds = array<i64: 2, 1024, 128>}, {transform_indices = @transform_1, window_bounds = array<i64: 2, 1024>}, {transform_indices = @transform_2, window_bounds = array<i64: 2, 1024>}, {pipeline_mode = #tpu.pipeline_mode<synchronous>, transform_indices = @transform_3, window_bounds = array<i64: 1, 40>}, {pipeline_mode = #tpu.pipeline_mode<synchronous>, transform_indices = @transform_4, window_bounds = array<i64: 128, 40>}, {transform_indices = @transform_5, window_bounds = array<i64: 1024, 40>}]} {
    %get3A = arith.constant 0 : index
    %get3A_0 = arith.constant 0 : index
    %get3A_1 = vector.load %arg3[%get3A, %get3A_0] : memref<2x1024xf32, #tpu.memory_space<vmem>>, vector<1x1024xf32>
    %get3A_2 = vector.shape_cast %get3A_1 : vector<1x1024xf32> to vector<1024xf32>
    %get3A_3 = arith.constant 1 : index
    %get3A_4 = arith.constant 0 : index
    %get3A_5 = vector.load %arg3[%get3A_3, %get3A_4] : memref<2x1024xf32, #tpu.memory_space<vmem>>, vector<1x1024xf32>
    %get3A_6 = vector.shape_cast %get3A_5 : vector<1x1024xf32> to vector<1024xf32>
    %add3A = arith.addf %get3A_2, %get3A_6 : vector<1024xf32>
    %gt3A = arith.constant 0.000000e+00 : f32
    %gt3A_7 = vector.broadcast %gt3A : f32 to vector<1024xf32>
    %gt3A_8 = arith.cmpf ogt, %add3A, %gt3A_7 : vector<1024xf32>
    %max3A = arith.constant 1.000000e+00 : f32
    %max3A_9 = vector.broadcast %max3A : f32 to vector<1024xf32>
    %max3A_10 = arith.maximumf %add3A, %max3A_9 : vector<1024xf32>
    %rsqrt3A = math.rsqrt %max3A_10 : vector<1024xf32>
    %jit3A = arith.constant 0.000000e+00 : f32
    %broadcast_in_dim3A = vector.broadcast %jit3A : f32 to vector<1024xf32>
    %select_n3A = arith.select %gt3A_8, %rsqrt3A, %broadcast_in_dim3A : vector<1024xi1>, vector<1024xf32>
    %get3A_11 = arith.constant 0 : index
    %get3A_12 = arith.constant 0 : index
    %get3A_13 = arith.constant 0 : index
    %get3A_14 = vector.load %arg1[%get3A_11, %get3A_12, %get3A_13] : memref<2x1024x128xf32, #tpu.memory_space<vmem>>, vector<1x1024x128xf32>
    %get3A_15 = vector.shape_cast %get3A_14 : vector<1x1024x128xf32> to vector<1024x128xf32>
    %get3A_16 = arith.constant 1 : index
    %get3A_17 = arith.constant 0 : index
    %get3A_18 = arith.constant 0 : index
    %get3A_19 = vector.load %arg1[%get3A_16, %get3A_17, %get3A_18] : memref<2x1024x128xf32, #tpu.memory_space<vmem>>, vector<1x1024x128xf32>
    %get3A_20 = vector.shape_cast %get3A_19 : vector<1x1024x128xf32> to vector<1024x128xf32>
    %add3A_21 = arith.addf %get3A_15, %get3A_20 : vector<1024x128xf32>
    %get3A_22 = arith.constant 0 : index
    %get3A_23 = arith.constant 0 : index
    %get3A_24 = vector.load %arg5[%get3A_22, %get3A_23] : memref<128x40xf32, #tpu.memory_space<vmem>>, vector<128x40xf32>
    %dot_general3A = arith.constant dense<0.000000e+00> : vector<1024x40xf32>
    %dot_general3A_25 = tpu.matmul %add3A_21, %get3A_24, %dot_general3A {dimension_numbers = #tpu.dot_dimension_numbers<[1], [0], [0], [1], [0, 0, 1, 1], [], []>, transpose_lhs_hint = false} : vector<1024x128xf32>, vector<128x40xf32>, vector<1024x40xf32> -> vector<1024x40xf32>
    %broadcast_in_dim3A_26 = vector.shape_cast %select_n3A : vector<1024xf32> to vector<1024x1xf32>
    %mul3A = vector.broadcast %broadcast_in_dim3A_26 : vector<1024x1xf32> to vector<1024x40xf32>
    %mul3A_27 = arith.mulf %dot_general3A_25, %mul3A : vector<1024x40xf32>
    %get3A_28 = arith.constant 0 : index
    %get3A_29 = arith.constant 0 : index
    %get3A_30 = vector.load %arg4[%get3A_28, %get3A_29] : memref<1x40xf32, #tpu.memory_space<vmem>>, vector<1x40xf32>
    %add3A_31 = vector.broadcast %get3A_30 : vector<1x40xf32> to vector<1024x40xf32>
    %add3A_32 = arith.addf %mul3A_27, %add3A_31 : vector<1024x40xf32>
    %swap3A = arith.constant 0 : index
    %swap3A_33 = arith.constant 0 : index
    %swap3A_34 = vector.load %arg6[%swap3A, %swap3A_33] : memref<1024x40xf32, #tpu.memory_space<vmem>>, vector<1024x40xf32>
    tpu.vector_store %arg6[%swap3A, %swap3A_33], %add3A_32 {strides = array<i32>} : memref<1024x40xf32, #tpu.memory_space<vmem>>, vector<1024x40xf32>,
    return
  }
  func.func @transform_0(%arg0: i32) -> (i32, i32, i32) {
    %c0_i32 = arith.constant 0 : i32
    %c0_i32_0 = arith.constant 0 : i32
    %c0_i32_1 = arith.constant 0 : i32
    return %c0_i32, %arg0, %c0_i32_0 : i32, i32, i32
  }
  func.func @transform_1(%arg0: i32) -> (i32, i32) {
    %c0_i32 = arith.constant 0 : i32
    %c0_i32_0 = arith.constant 0 : i32
    return %c0_i32, %arg0 : i32, i32
  }
  func.func @transform_2(%arg0: i32) -> (i32, i32) {
    %c0_i32 = arith.constant 0 : i32
    %c0_i32_0 = arith.constant 0 : i32
    return %c0_i32, %arg0 : i32, i32
  }
  func.func @transform_3(%arg0: i32) -> (i32, i32) {
    %c0_i32 = arith.constant 0 : i32
    %c0_i32_0 = arith.constant 0 : i32
    %c0_i32_1 = arith.constant 0 : i32
    return %c0_i32, %c0_i32_0 : i32, i32
  }
  func.func @transform_4(%arg0: i32) -> (i32, i32) {
    %c0_i32 = arith.constant 0 : i32
    %c0_i32_0 = arith.constant 0 : i32
    %c0_i32_1 = arith.constant 0 : i32
    return %c0_i32, %c0_i32_0 : i32, i32
  }
  func.func @transform_5(%arg0: i32) -> (i32, i32) {
    %c0_i32 = arith.constant 0 : i32
    %c0_i32_0 = arith.constant 0 : i32
    return %arg0, %c0_i32 : i32, i32
  }
}

</mosaic_0001>

<sc_bundles>
// kernel: kernel.12.cloned.1.call-start
scs
__scs_entry_jumppad:
0x0: {  	(pc) =	sbr.rel $0x88, $3  }
0x1: {  	(tag) =	ssettag $0x0;
	lr =	simm.s32 $0x1  }
0x2: {  	[smem:$0x3F9B] =	sst lr;
	_ =	strace $0xD0000000  }
0x3: {  	_ = 	snop  }
0x4: {  	_ = 	snop  }
0x5: {  	_ = 	snop  }
0x6: {  	_ = 	snop  }
0x7: {  	_ = 	snop  }
__scs_overlays_trampoline_lowered:
0x8: {  	[smem:$0x3FAA] =	sst s0  }
0x9: {  	[smem:$0x3FAB] =	sst s1  }
0xa: {  	[smem:$0x3FAC] =	sst s2  }
0xb: {  	[smem:$0x3FAD] =	sst s3  }
0xc: {  	[smem:$0x3FAE] =	sst s4  }
0xd: {  	[smem:$0x3FAF] =	sst s5  }
0xe: {  	[smem:$0x3FB0] =	sst s6  }
0xf: {  	[smem:$0x3FB1] =	sst s7  }
0x10: {  	[smem:$0x3FB2] =	sst s8  }
0x11: {  	[smem:$0x3FB3] =	sst s9;
	s0 =	simm.s32 @!p0 $0x0  }
0x12: {  	s1 =	sld [smem:$0x3F99];
	s0 =	simm.s32 @p0 $0x1  }
0x13: {  	[smem:$0x3FB4] =	sst s0;
	s0 =	simm.s32 @!p1 $0x0  }
0x14: {  	s2 =	sld [smem:$0x3F98];
	s0 =	simm.s32 @p1 $0x1  }
0x15: {  	[smem:$0x3FB5] =	sst s0;
	s0 =	simm.s32 @!p2 $0x0  }
0x16: {  	s3 =	sld [smem:$0x3FDB];
	s0 =	simm.s32 @p2 $0x1  }
0x17: {  	s4 =	simm.s32 $0x1BF5;
	[smem:$0x3FB7] =	sst s0  }
0x18: {  	s0 =	sld [smem:$0x3F9A];
	_ =	swait.ge [sflag:s4], $0x0  }
0x19: {  	s7 =	sld [smem:$0x3F9B]  }
0x1a: {  	s8 =	sadd.s32 $0xFFFFE003, lr  }
0x1b: {  	s9 =	sadd.s32 $0xFFFFFEF7, lr;
	s5 =	simm.s32 $0xFFFFFFFF;
	p2 =	slt.u32 s8, $0xFFFFF086  }
0x1c: {  	p1 =	slt.u32 s9, $0xF7A;
	s5 =	simm.s32 @!p2 $0x0  }
0x1d: {  	s5 =	simm.s32 @p1 $0x1;
	p0 =	seq.s32 s7, s2  }
0x1e: {  	s7 =	smul.u32 @!p0 $0xF7A, s2;
	p2 =	seq.s32 @!p0 s5, $0x0  }
0x1f: {  	s9 =	smul.u32 $0xF7A, s1;
	s8 =	simm.s32 @!p0 $0x1BF5;
	p2 =	por !p2, p0  }
0x20: {  	[sflag:s8] =	ssyncset.s32 @!p0 $0xFFFFF086;
	s6 =	sadd.s32 @!p0 s3, s7;
	s7 =	simm.s32 @!p0 $0x108  }
0x21: {  	s3 =	sadd.s32 s3, s9;
	s6 =	sadd.s32 @!p0 $0x88, s6;
	s7 =	simm.s32 @p2 $0x1082  }
0x22: {  	[simem:s7], [sflag:s8] =	dma.local @!p0 [hbm:s6], $0xF7A  }
0x23: {  	s9 =	sor.u32 $0xD0000000, s2;
	s6 =	simm.s32 $0x108;
	_ =	swait.ge @!p0 [sflag:s8], $0x0  }
0x24: {  	s3 =	sadd.s32 $0x88, s3;
	s6 =	simm.s32 @!p1 $0x1082;
	[sflag:s4] =	ssyncset.s32 $0xFFFFF086  }
0x25: {  	[simem:s6], [sflag:s4] =	dma.local [hbm:s3], $0xF7A  }
0x26: {  	[smem:$0x3F9B] =	sst s1;
	(tag) =	ssettag s2;
	_ =	strace s9  }
0x27: {  	s1 =	sld [smem:$0x3FAB]  }
0x28: {  	s2 =	sld [smem:$0x3FAC]  }
0x29: {  	s4 =	sld [smem:$0x3FAE]  }
0x2a: {  	p0 =	seq.s32 s5, $0x0;
	s5 =	sld [smem:$0x3FAF]  }
0x2b: {  	s6 =	sld [smem:$0x3FB0]  }
0x2c: {  	s7 =	sld [smem:$0x3FB1]  }
0x2d: {  	s3 =	simm.s32 $0x108;
	s8 =	sld [smem:$0x3FB2]  }
0x2e: {  	s3 =	simm.s32 @!p0 $0x1082;
	s9 =	sld [smem:$0x3FB3]  }
0x2f: {  	lr =	sadd.s32 s0, s3;
	s0 =	sld [smem:$0x3FAA]  }
0x30: {  	s3 =	sld [smem:$0x3FAD]  }
0x31: {  	[smem:$0x3FB6] =	sst s10  }
0x32: {  	s10 =	sld [smem:$0x3FB4];
	_ =	sdelay $0x3  }
0x33: {  	p0 =	seq.s32 s10, $0x1;
	s10 =	sld [smem:$0x3FB6];
	_ =	sdelay $0x3  }
0x34: {  	[smem:$0x3FB6] =	sst s10  }
0x35: {  	s10 =	sld [smem:$0x3FB5];
	_ =	sdelay $0x3  }
0x36: {  	p1 =	seq.s32 s10, $0x1;
	s10 =	sld [smem:$0x3FB6];
	_ =	sdelay $0x3  }
0x37: {  	[smem:$0x3FB6] =	sst s10  }
0x38: {  	s10 =	sld [smem:$0x3FB7]  }
0x39: {  	_ = 	snop;
	(pc) =	sbr.ind lr, $3  }
0x3a: {  	_ = 	snop  }
0x3b: {  	_ = 	snop  }
0x3c: {  	p2 =	seq.s32 s10, $0x1;
	s10 =	sld [smem:$0x3FB6]  }
0x3d: {  	_ =	shalt  }
0x3e: {  	_ =	shalt  }
0x3f: {  	_ =	shalt  }
0x40: {  	_ =	shalt  }
0x41: {  	_ =	shalt  }
0x42: {  	_ =	shalt  }
0x43: {  	_ =	shalt  }
0x44: {  	_ =	shalt  }
0x45: {  	_ =	shalt  }
0x46: {  	_ =	shalt  }
0x47: {  	_ =	shalt  }
0x48: {  	_ =	shalt  }
0x49: {  	_ =	shalt  }
0x4a: {  	_ =	shalt  }
0x4b: {  	_ =	shalt  }
0x4c: {  	_ =	shalt  }
0x4d: {  	_ =	shalt  }
0x4e: {  	_ =	shalt  }
0x4f: {  	_ =	shalt  }
0x50: {  	_ =	shalt  }
0x51: {  	_ =	shalt  }
0x52: {  	_ =	shalt  }
0x53: {  	_ =	shalt  }
0x54: {  	_ =	shalt  }
0x55: {  	_ =	shalt  }
0x56: {  	_ =	shalt  }
0x57: {  	_ =	shalt  }
0x58: {  	_ =	shalt  }
0x59: {  	_ =	shalt  }
0x5a: {  	_ =	shalt  }
0x5b: {  	_ =	shalt  }
0x5c: {  	_ =	shalt  }
0x5d: {  	_ =	shalt  }
0x5e: {  	_ =	shalt  }
0x5f: {  	_ =	shalt  }
0x60: {  	_ =	shalt  }
0x61: {  	_ =	shalt  }
0x62: {  	_ =	shalt  }
0x63: {  	_ =	shalt  }
0x64: {  	_ =	shalt  }
0x65: {  	_ =	shalt  }
0x66: {  	_ =	shalt  }
0x67: {  	_ =	shalt  }
0x68: {  	_ =	shalt  }
0x69: {  	_ =	shalt  }
0x6a: {  	_ =	shalt  }
0x6b: {  	_ =	shalt  }
0x6c: {  	_ =	shalt  }
0x6d: {  	_ =	shalt  }
0x6e: {  	_ =	shalt  }
0x6f: {  	_ =	shalt  }
0x70: {  	_ =	shalt  }
0x71: {  	_ =	shalt  }
0x72: {  	_ =	shalt  }
0x73: {  	_ =	shalt  }
0x74: {  	_ =	shalt  }
0x75: {  	_ =	shalt  }
0x76: {  	_ =	shalt  }
0x77: {  	_ =	shalt  }
0x78: {  	_ =	shalt  }
0x79: {  	_ =	shalt  }
0x7a: {  	_ =	shalt  }
0x7b: {  	_ =	shalt  }
0x7c: {  	_ =	shalt  }
0x7d: {  	_ =	shalt  }
0x7e: {  	_ =	shalt  }
0x7f: {  	_ =	shalt  }
0x80: {  	_ =	shalt  }
0x81: {  	_ =	shalt  }
0x82: {  	_ =	shalt  }
0x83: {  	_ =	shalt  }
0x84: {  	_ =	shalt  }
0x85: {  	_ =	shalt  }
0x86: {  	_ =	shalt  }
0x87: {  	_ =	shalt  }
.Lfunc_end0:
.L_simem_size_0:
called_computation.1_lowered:
.L_overlay_start_0:
0x88: {  	s2 =	sld [smem:$0x3FD9]  }
0x89: {  	s3 =	sld [smem:$0x3FFE];
	_ =	sdelay $0x1  }
0x8a: {  	s1 =	srdreg.scid  }
0x8b: {  	s0 =	sand.u32 $0x1, s1  }
0x8c: {  	s17 =	sshll.u32 s0, $0xA;
	s2 =	sadd.s32 s3, s2  }
0x8d: {  	s2 =	sadd.s32 s2, s17  }
0x8e: {  	[smem:$0x3FC2] =	sst s2  }
0x8f: {  	_ = 	snop  }
0x90: {  	s2 =	sld [smem:$0x3FD0];
	(tm) =	ssettm $0x1  }
0x91: {  	s18 =	sld [smem:$0x3FFB];
	_ =	sdelay $0x3  }
0x92: {  	_ =	strace s18  }
0x93: {  	s3 =	sld [smem:$0x3FFC];
	_ =	sdelay $0x3  }
0x94: {  	_ =	strace s3  }
0x95: {  	s3 =	sld [smem:$0x3FFD];
	_ =	sdelay $0x3  }
0x96: {  	_ =	strace s3  }
0x97: {  	_ =	strace $0x8FFFFFFF  }
0x98: {  	s19 =	sld [smem:$0x3FDB];
	_ =	sdelay $0x1  }
0x99: {  	s4 =	simm.s32 $_scs_section_size  }
0x9a: {  	s5 =	simm.s32 $_size__tile_overlayer_lowered;
	s6 =	simm.s32 $_tile_overlayer_lowered  }
0x9b: {  	s22 =	simm.s32 $0x1BFF;
	s21 =	sshll.u32 s6, $0x1;
	s3 =	sadd.s32 s4, s19  }
0x9c: {  	s7 =	simm.s32 $0x0;
	s20 =	sshll.u32 s5, $0x1;
	s5 =	sadd.s32 s21, s3  }
0x9d: {  	[timem:s7], [sflag:s22] =	dma.local [hbm:s5], s20  }
0x9e: {  	_ =	swait.ge [sflag:s22], s20  }
0x9f: {  	s4 =	ssub.s32 $0x0, s20;
	[sflag:s22] =	ssyncset.done $0x0  }
0xa0: {  	[sflag:s22] =	ssyncadd.s32 s4;
	_ =	sdelay $0x1  }
0xa1: {  	s23 =	simm.s32 $0x1B8B  }
0xa2: {  	_ =	swait.ge [sflag:s23], $0x1  }
0xa3: {  	[sflag:s23] =	ssyncset.done $0x0  }
0xa4: {  	s25 =	simm.s32 $0x1B8E;
	s24 =	sld [smem:$0x3FFE];
	[sflag:s23] =	ssyncadd.s32 $0xFFFFFFFF  }
0xa5: {  	s26 =	simm.s32 $execute0_lowered;
	[smem:$0x3FD2] =	sst s25  }
0xa6: {  	s5 =	sshll.u32 s26, $0x1;
	_ =	strace $0x80000049;
	[dreg:$0x1] =	wrdreg $0xFFFFFFFF  }
0xa7: {  	s28 =	simm.s32 $_size_execute0_lowered;
	s3 =	sadd.s32 s3, s5;
	[dreg:$0x0] =	wrdreg $0x0  }
0xa8: {  	s5 =	sshll.u32 s28, $0x1;
	[dreg:$0x2] =	wrdreg s3  }
0xa9: {  	[dreg:$0x3] =	wrdreg s5  }
0xaa: {  	[dreg:$0x4] =	wrdreg $0xC0  }
0xab: {  	_ =	task [dreg:s7], $0x5FFFF  }
0xac: {  	[dreg:$0x1] =	wrdreg $0xFFFFFFFF  }
0xad: {  	[dreg:$0x0] =	wrdreg $0x60  }
0xae: {  	[dreg:$0x2] =	wrdreg s24  }
0xaf: {  	[dreg:$0x3] =	wrdreg s2  }
0xb0: {  	[dreg:$0x4] =	wrdreg $0xAA000  }
0xb1: {  	[dreg:$0x5] =	wrdreg $0x9  }
0xb2: {  	_ =	task.clear_ibuf [dreg:s7], $0x6FFFF;
	_ =	strace $0x90000049  }
0xb3: {  	s29 =	simm.s32 $0x9;
	_ =	strace $0x8000004B  }
0xb4: {  	_ =	swait.ge [sflag:s29], $0x1  }
0xb5: {  	[sflag:s29] =	ssyncadd.s32 $0xFFFFFFFF  }
0xb6: {  	_ =	strace $0x9000004B  }
0xb7: {  	_ =	sfence  }
0xb8: {  	s30 =	sld [smem:$0x0];
	_ =	sdelay $0x2  }
0xb9: {  	s31 =	sshll.u32 s1, $0xD;
	s1 =	sshrl.u32 s1, $0x2  }
0xba: {  	s3 =	sand.u32 $0x4000, s31;
	s1 =	sadd.s32 s1, s30  }
0xbb: {  	s0 =	sor.u32 s3, s0;
	s1 =	sshll.u32 s1, $0x11  }
0xbc: {  	s0 =	sor.u32 s1, s0  }
0xbd: {  	s0 =	sadd.s32 $0x8F2B, s0  }
0xbe: {  	[sflag:s0] =	ssyncadd.remote.s32 $0x1  }
0xbf: {  	_ =	sfence.sel $0xFFFF  }
0xc0: {  	[dreg:$0x0] =	wrdreg $0xFFFFFFFF;
	(pc) =	sbr.abs _section_cstart, $3  }
0xc1: {  	[dreg:$0x1] =	wrdreg $0xFFFFFFFF  }
0xc2: {  	_ =	task.clear_ibuf [dreg:s7], $0x2FFFF;
	_ =	strace $0x9FFFFFFF  }
0xc3: {  	(tm) =	ssettm $0x7FFFFFFF  }
tec
execute0_lowered:
.L_overlay_start_1:
0x0: {  	(tag) =	ssettag $0x1  }
0x1: {  	s5 =	rddreg [dreg:$0x0]  }
0x2: {  	s6 =	rddreg [dreg:$0x1]  }
0x3: {  	s2 =	rddreg [dreg:$0x2]  }
0x4: {  	s0 =	rddreg [dreg:$0x3]  }
0x5: {  	s1 =	stileid.u32;
	s4 =	srdreg.scid  }
0x6: {  	s3 =	simm.s32 $0x0;
	s13 =	simm.s32 $0x2800;
	s14 =	simm.s32 $0x2A00  }
0x7: {  	s15 =	simm.s32 $0x2900;
	s16 =	simm.s32 $0x6A00;
	s17 =	simm.s32 $0x1  }
0x8: {  	s18 =	simm.s32 $0x2880;
	s19 =	simm.s32 $0x2;
	s20 =	simm.s32 $0x2980  }
0x9: {  	s21 =	simm.s32 $0x0;
	s7 =	smul.u32 $0x14000, s1;
	s8 =	sand.u32 $0x1, s4  }
0xa: {  	[smem:$0x7FF] =	sst s3;
	s10 =	sshll.u32 s1, $0x1;
	s28 =	smul.u32 $0x50000, s1  }
0xb: {  	s4 =	sadd.s32 $0x2400, s5;
	s31 =	sshll.u32 s1, $0x6;
	s9 =	smul.u32 $0x140000, s8  }
0xc: {  	_ =	strace $0x8000004A;
	s10 =	sor.u32 s8, s10;
	s8 =	ssub.s32 $0x2, s8  }
0xd: {  	s11 =	sshrl.u32 s7, $0x3;
	s26 =	smul.u32 $0x500, s10;
	s29 =	sshrl.u32 s8, $0x1  }
0xe: {  	s30 =	sshrl.u32 s28, $0x2;
	s10 =	sor.u32 $0x1C03, s31;
	s7 =	sadd.s32 s7, s9  }
0xf: {  	s11 =	sadd.s32 s11, s5;
	s8 =	ssub.s32 s8, s29;
	s12 =	sadd.s32 s30, s2  }
0x10: {  	s9 =	simm.s32 $0x3;
	s7 =	sshrl.u32 s7, $0x3;
	s8 =	smax.u32 s8, $0x1  }
0x11: {  	s7 =	sadd.s32 s7, s5;
	s5 =	sadd.s32 s6, s26;
	s6 =	sadd.s32 $0x2A400, s11  }
0x12: {  	s11 =	sshrl.u32 s12, $0x3;
	s12 =	simm.s32 $0x80;
	s7 =	sadd.s32 $0x52400, s7  }
.LBB2_1:
0x13: {  	[tilespmem:s3], [sflag:$0x3] =	stream.linear.gather [hbm4b:s5+s3], $0x2800, $0x38;
	[tilespmem:$0x1EA00] =	vst v63  }
0x14: {  	_ =	swait.ge [sflag:s9], $0x2800  }
0x15: {  	[sflag:s9] =	ssyncset.done $0x0  }
0x16: {  	[sflag:s9] =	ssyncadd.s32 $0xFFFFD800  }
0x17: {  	[spmem:s11], [sflag:s10] =	dma.local [hbm:s6], $0x2800  }
0x18: {  	_ =	swait.ge [sflag:s9], $0x2800  }
0x19: {  	[sflag:s9] =	ssyncset.done $0x0  }
0x1a: {  	[sflag:s9] =	ssyncadd.s32 $0xFFFFD800  }
0x1b: {  	[bflag:$0x0] =	sbarrier.arrive $0xFFFF  }
0x1c: {  	v0 =	vld [tilespmem:$0x0];
	_ =	sdelay $0x1  }
0x1d: {  	v1 =	vld [tilespmem:$0x10];
	_ =	sdelay $0x1  }
0x1e: {  	v2 =	vld [tilespmem:$0x20]  }
0x1f: {  	v3 =	vshrl.u32 v0, $0xE  }
0x20: {  	v0 =	vand.u32 $0x3FFF, v0;
	[tilespmem:$0x2800] =	vst v3;
	v3 =	vld [tilespmem:$0x30]  }
0x21: {  	[tilespmem:$0x2880] =	vst v0;
	v0 =	vshrl.u32 v1, $0xE  }
0x22: {  	[tilespmem:$0x2810] =	vst v0;
	v0 =	vand.u32 $0x3FFF, v1;
	v1 =	vld [tilespmem:$0x40]  }
0x23: {  	[tilespmem:$0x2890] =	vst v0;
	v0 =	vshrl.u32 v2, $0xE  }
0x24: {  	[tilespmem:$0x2820] =	vst v0;
	v0 =	vand.u32 $0x3FFF, v2;
	v2 =	vld [tilespmem:$0x50]  }
0x25: {  	[tilespmem:$0x28A0] =	vst v0;
	v0 =	vshrl.u32 v3, $0xE  }
0x26: {  	[tilespmem:$0x2830] =	vst v0;
	v0 =	vand.u32 $0x3FFF, v3;
	v3 =	vld [tilespmem:$0x60]  }
0x27: {  	[tilespmem:$0x28B0] =	vst v0;
	v0 =	vshrl.u32 v1, $0xE  }
0x28: {  	[tilespmem:$0x2840] =	vst v0;
	v0 =	vand.u32 $0x3FFF, v1;
	v1 =	vld [tilespmem:$0x70]  }
0x29: {  	[tilespmem:$0x28C0] =	vst v0;
	v0 =	vshrl.u32 v2, $0xE  }
0x2a: {  	[tilespmem:$0x2850] =	vst v0;
	v0 =	vand.u32 $0x3FFF, v2  }
0x2b: {  	[tilespmem:$0x28D0] =	vst v0;
	v0 =	vshrl.u32 v3, $0xE  }
0x2c: {  	[tilespmem:$0x2860] =	vst v0;
	v0 =	vand.u32 $0x3FFF, v3  }
0x2d: {  	[tilespmem:$0x28E0] =	vst v0;
	v0 =	vshrl.u32 v1, $0xE  }
0x2e: {  	[tilespmem:$0x2870] =	vst v0;
	v0 =	vand.u32 $0x3FFF, v1  }
0x2f: {  	s22 =	simm.s32 $0x0;
	[tilespmem:$0x28F0] =	vst v0  }
0x30: {  	[tilespmem:s14], [sflag:$0x1] =	stream.indirect.gather [hbm4b:s4+s12], $0x80, s13, s12, $0xb8;
	[tilespmem:$0x1EA00] =	vst v63  }
0x31: {  	v0 =	vld [tilespmem:s22+$0x80];
	_ =	sdelay $0x4  }
0x32: {  	v1 =	vshrl.u32 v0, $0xE  }
0x33: {  	v0 =	vand.u32 $0x3FFF, v0;
	[tilespmem:$0x2900] =	vst v1  }
0x34: {  	[tilespmem:$0x2980] =	vst v0  }
0x35: {  	v0 =	vld [tilespmem:s22+$0x90];
	_ =	sdelay $0x4  }
0x36: {  	v1 =	vshrl.u32 v0, $0xE  }
0x37: {  	v0 =	vand.u32 $0x3FFF, v0;
	[tilespmem:$0x2910] =	vst v1  }
0x38: {  	[tilespmem:$0x2990] =	vst v0  }
0x39: {  	v0 =	vld [tilespmem:s22+$0xA0];
	_ =	sdelay $0x4  }
0x3a: {  	v1 =	vshrl.u32 v0, $0xE  }
0x3b: {  	v0 =	vand.u32 $0x3FFF, v0;
	[tilespmem:$0x2920] =	vst v1  }
0x3c: {  	[tilespmem:$0x29A0] =	vst v0  }
0x3d: {  	v0 =	vld [tilespmem:s22+$0xB0];
	_ =	sdelay $0x4  }
0x3e: {  	v1 =	vshrl.u32 v0, $0xE  }
0x3f: {  	v0 =	vand.u32 $0x3FFF, v0;
	[tilespmem:$0x2930] =	vst v1  }
0x40: {  	[tilespmem:$0x29B0] =	vst v0  }
0x41: {  	v0 =	vld [tilespmem:s22+$0xC0];
	_ =	sdelay $0x4  }
0x42: {  	v1 =	vshrl.u32 v0, $0xE  }
0x43: {  	v0 =	vand.u32 $0x3FFF, v0;
	[tilespmem:$0x2940] =	vst v1  }
0x44: {  	[tilespmem:$0x29C0] =	vst v0  }
0x45: {  	v0 =	vld [tilespmem:s22+$0xD0];
	_ =	sdelay $0x4  }
0x46: {  	v1 =	vshrl.u32 v0, $0xE  }
0x47: {  	v0 =	vand.u32 $0x3FFF, v0;
	[tilespmem:$0x2950] =	vst v1  }
0x48: {  	[tilespmem:$0x29D0] =	vst v0  }
0x49: {  	v0 =	vld [tilespmem:s22+$0xE0];
	_ =	sdelay $0x4  }
0x4a: {  	v1 =	vshrl.u32 v0, $0xE  }
0x4b: {  	v0 =	vand.u32 $0x3FFF, v0;
	[tilespmem:$0x2960] =	vst v1  }
0x4c: {  	[tilespmem:$0x29E0] =	vst v0  }
0x4d: {  	v0 =	vld [tilespmem:s22+$0xF0];
	_ =	sdelay $0x4  }
0x4e: {  	v1 =	vshrl.u32 v0, $0xE  }
0x4f: {  	v0 =	vand.u32 $0x3FFF, v0;
	[tilespmem:$0x2970] =	vst v1  }
0x50: {  	[tilespmem:$0x29F0] =	vst v0  }
0x51: {  	[tilespmem:s16], [sflag:$0x2] =	stream.indirect.gather [hbm4b:s4+s12], $0x80, s15, s12, $0xb8;
	[tilespmem:$0x1EA00] =	vst v63  }
0x52: {  	_ =	swait.ge [sflag:s17], $0x4000  }
0x53: {  	[sflag:s17] =	ssyncset.done $0x0  }
0x54: {  	[sflag:s17] =	ssyncadd.s32 $0xFFFFC000  }
0x55: {  	[spmem:s2] =	stream.indirect.scatter.add.f32 [tilespmem:s14], [sflag:$0x3], $0x80, s18, s12, $0xb8;
	[tilespmem:$0x1EA00] =	vst v63  }
0x56: {  	_ =	swait.ge [sflag:s9], $0x4000  }
0x57: {  	p1 =	por $0x0, $0x0;
	[sflag:s9] =	ssyncset.done $0x0  }
0x58: {  	s23 =	simm.s32 @!p1 $0x0;
	[sflag:s9] =	ssyncadd.s32 $0xFFFFC000  }
0x59: {  	v0 =	vld @!p1 [tilespmem:s23+$0x100];
	_ =	sdelay $0x4  }
0x5a: {  	v1 =	vshrl.u32 @!p1 v0, $0xE  }
0x5b: {  	v0 =	vand.u32 @!p1 $0x3FFF, v0;
	[tilespmem:$0x2800] =	vst @!p1 v1  }
0x5c: {  	[tilespmem:$0x2880] =	vst @!p1 v0  }
0x5d: {  	v0 =	vld @!p1 [tilespmem:s23+$0x110];
	_ =	sdelay $0x4  }
0x5e: {  	v1 =	vshrl.u32 @!p1 v0, $0xE  }
0x5f: {  	v0 =	vand.u32 @!p1 $0x3FFF, v0;
	[tilespmem:$0x2810] =	vst @!p1 v1  }
0x60: {  	[tilespmem:$0x2890] =	vst @!p1 v0  }
0x61: {  	v0 =	vld @!p1 [tilespmem:s23+$0x120];
	_ =	sdelay $0x4  }
0x62: {  	v1 =	vshrl.u32 @!p1 v0, $0xE  }
0x63: {  	v0 =	vand.u32 @!p1 $0x3FFF, v0;
	[tilespmem:$0x2820] =	vst @!p1 v1  }
0x64: {  	[tilespmem:$0x28A0] =	vst @!p1 v0  }
0x65: {  	v0 =	vld @!p1 [tilespmem:s23+$0x130];
	_ =	sdelay $0x4  }
0x66: {  	v1 =	vshrl.u32 @!p1 v0, $0xE  }
0x67: {  	v0 =	vand.u32 @!p1 $0x3FFF, v0;
	[tilespmem:$0x2830] =	vst @!p1 v1  }
0x68: {  	[tilespmem:$0x28B0] =	vst @!p1 v0  }
0x69: {  	v0 =	vld @!p1 [tilespmem:s23+$0x140];
	_ =	sdelay $0x4  }
0x6a: {  	v1 =	vshrl.u32 @!p1 v0, $0xE  }
0x6b: {  	v0 =	vand.u32 @!p1 $0x3FFF, v0;
	[tilespmem:$0x2840] =	vst @!p1 v1  }
0x6c: {  	[tilespmem:$0x28C0] =	vst @!p1 v0  }
0x6d: {  	v0 =	vld @!p1 [tilespmem:s23+$0x150];
	_ =	sdelay $0x4  }
0x6e: {  	v1 =	vshrl.u32 @!p1 v0, $0xE  }
0x6f: {  	v0 =	vand.u32 @!p1 $0x3FFF, v0;
	[tilespmem:$0x2850] =	vst @!p1 v1  }
0x70: {  	[tilespmem:$0x28D0] =	vst @!p1 v0  }
0x71: {  	v0 =	vld @!p1 [tilespmem:s23+$0x160];
	_ =	sdelay $0x4  }
0x72: {  	s25 =	simm.s32 @!p1 $0x80;
	v1 =	vshrl.u32 @!p1 v0, $0xE  }
0x73: {  	s26 =	simm.s32 @!p1 $0x2800;
	s28 =	simm.s32 @!p1 $0x2A00;
	s22 =	simm.s32 $0x400;
	v0 =	vand.u32 @!p1 $0x3FFF, v0;
	[tilespmem:$0x2860] =	vst @!p1 v1  }
.LBB2_2:
0x74: {  	[tilespmem:$0x28E0] =	vst @!p1 v0;
	s24 =	smov.u32 s22;
	s22 =	sadd.s32 $0x400, s22  }
0x75: {  	p0 =	sne.s32 s22, $0xA000;
	v0 =	vld @!p1 [tilespmem:s23+$0x170];
	_ =	sdelay $0x4  }
0x76: {  	v1 =	vshrl.u32 @!p1 v0, $0xE;
	v0 =	vand.u32 @!p1 $0x3FFF, v0  }
0x77: {  	[tilespmem:$0x2870] =	vst @!p1 v1  }
0x78: {  	[tilespmem:$0x28F0] =	vst @!p1 v0  }
0x79: {  	[tilespmem:s28], [sflag:$0x1] =	stream.indirect.gather @!p1 [hbm4b:s4+s25], $0x80, s26, s25, $0xb8;
	[tilespmem:$0x1EA00] =	vst v63  }
0x7a: {  	_ =	swait.ge [sflag:s19], $0x4000  }
0x7b: {  	[sflag:s19] =	ssyncset.done $0x0  }
0x7c: {  	[sflag:s19] =	ssyncadd.s32 $0xFFFFC000  }
0x7d: {  	[spmem:s2] =	stream.indirect.scatter.add.f32 [tilespmem:s16], [sflag:$0x3], $0x80, s20, s12, $0xb8;
	[tilespmem:$0x1EA00] =	vst v63  }
0x7e: {  	_ =	swait.ge [sflag:s9], $0x4000  }
0x7f: {  	[sflag:s9] =	ssyncset.done $0x0  }
0x80: {  	s23 =	sshra.s32 s24, $0x2;
	[sflag:s9] =	ssyncadd.s32 $0xFFFFC000  }
0x81: {  	v0 =	vld [tilespmem:s23+$0x80];
	_ =	sdelay $0x4  }
0x82: {  	v1 =	vshrl.u32 v0, $0xE;
	v0 =	vand.u32 $0x3FFF, v0  }
0x83: {  	[tilespmem:$0x2900] =	vst v1  }
0x84: {  	[tilespmem:$0x2980] =	vst v0  }
0x85: {  	v0 =	vld [tilespmem:s23+$0x90];
	_ =	sdelay $0x4  }
0x86: {  	v1 =	vshrl.u32 v0, $0xE;
	v0 =	vand.u32 $0x3FFF, v0  }
0x87: {  	[tilespmem:$0x2910] =	vst v1  }
0x88: {  	[tilespmem:$0x2990] =	vst v0  }
0x89: {  	v0 =	vld [tilespmem:s23+$0xA0];
	_ =	sdelay $0x4  }
0x8a: {  	v1 =	vshrl.u32 v0, $0xE;
	v0 =	vand.u32 $0x3FFF, v0  }
0x8b: {  	[tilespmem:$0x2920] =	vst v1  }
0x8c: {  	[tilespmem:$0x29A0] =	vst v0  }
0x8d: {  	v0 =	vld [tilespmem:s23+$0xB0];
	_ =	sdelay $0x4  }
0x8e: {  	v1 =	vshrl.u32 v0, $0xE;
	v0 =	vand.u32 $0x3FFF, v0  }
0x8f: {  	[tilespmem:$0x2930] =	vst v1  }
0x90: {  	[tilespmem:$0x29B0] =	vst v0  }
0x91: {  	v0 =	vld [tilespmem:s23+$0xC0];
	_ =	sdelay $0x4  }
0x92: {  	v1 =	vshrl.u32 v0, $0xE;
	v0 =	vand.u32 $0x3FFF, v0  }
0x93: {  	[tilespmem:$0x2940] =	vst v1  }
0x94: {  	[tilespmem:$0x29C0] =	vst v0  }
0x95: {  	v0 =	vld [tilespmem:s23+$0xD0];
	_ =	sdelay $0x4  }
0x96: {  	v1 =	vshrl.u32 v0, $0xE;
	v0 =	vand.u32 $0x3FFF, v0  }
0x97: {  	[tilespmem:$0x2950] =	vst v1  }
0x98: {  	[tilespmem:$0x29D0] =	vst v0  }
0x99: {  	v0 =	vld [tilespmem:s23+$0xE0];
	_ =	sdelay $0x4  }
0x9a: {  	v1 =	vshrl.u32 v0, $0xE;
	v0 =	vand.u32 $0x3FFF, v0  }
0x9b: {  	[tilespmem:$0x2960] =	vst v1  }
0x9c: {  	[tilespmem:$0x29E0] =	vst v0  }
0x9d: {  	v0 =	vld [tilespmem:s23+$0xF0];
	_ =	sdelay $0x4  }
0x9e: {  	v1 =	vshrl.u32 v0, $0xE;
	v0 =	vand.u32 $0x3FFF, v0  }
0x9f: {  	p1 =	seq.s32 s24, $0x9C00;
	[tilespmem:$0x2970] =	vst v1  }
0xa0: {  	s23 =	sshra.s32 @!p1 s24, $0x2;
	[tilespmem:$0x29F0] =	vst v0  }
0xa1: {  	[tilespmem:s16], [sflag:$0x2] =	stream.indirect.gather [hbm4b:s4+s12], $0x80, s15, s12, $0xb8;
	[tilespmem:$0x1EA00] =	vst v63  }
0xa2: {  	_ =	swait.ge [sflag:s17], $0x4000  }
0xa3: {  	[sflag:s17] =	ssyncset.done $0x0  }
0xa4: {  	[sflag:s17] =	ssyncadd.s32 $0xFFFFC000  }
0xa5: {  	[spmem:s2] =	stream.indirect.scatter.add.f32 [tilespmem:s14], [sflag:$0x3], $0x80, s18, s12, $0xb8;
	[tilespmem:$0x1EA00] =	vst v63  }
0xa6: {  	_ =	swait.ge [sflag:s9], $0x4000  }
0xa7: {  	[sflag:s9] =	ssyncset.done $0x0  }
0xa8: {  	[sflag:s9] =	ssyncadd.s32 $0xFFFFC000  }
0xa9: {  	v0 =	vld @!p1 [tilespmem:s23+$0x100];
	_ =	sdelay $0x4  }
0xaa: {  	v1 =	vshrl.u32 @!p1 v0, $0xE;
	v0 =	vand.u32 @!p1 $0x3FFF, v0  }
0xab: {  	[tilespmem:$0x2800] =	vst @!p1 v1  }
0xac: {  	[tilespmem:$0x2880] =	vst @!p1 v0  }
0xad: {  	v0 =	vld @!p1 [tilespmem:s23+$0x110];
	_ =	sdelay $0x4  }
0xae: {  	v1 =	vshrl.u32 @!p1 v0, $0xE;
	v0 =	vand.u32 @!p1 $0x3FFF, v0  }
0xaf: {  	[tilespmem:$0x2810] =	vst @!p1 v1  }
0xb0: {  	[tilespmem:$0x2890] =	vst @!p1 v0  }
0xb1: {  	v0 =	vld @!p1 [tilespmem:s23+$0x120];
	_ =	sdelay $0x4  }
0xb2: {  	v1 =	vshrl.u32 @!p1 v0, $0xE;
	v0 =	vand.u32 @!p1 $0x3FFF, v0  }
0xb3: {  	[tilespmem:$0x2820] =	vst @!p1 v1  }
0xb4: {  	[tilespmem:$0x28A0] =	vst @!p1 v0  }
0xb5: {  	v0 =	vld @!p1 [tilespmem:s23+$0x130];
	_ =	sdelay $0x4  }
0xb6: {  	v1 =	vshrl.u32 @!p1 v0, $0xE;
	v0 =	vand.u32 @!p1 $0x3FFF, v0  }
0xb7: {  	[tilespmem:$0x2830] =	vst @!p1 v1  }
0xb8: {  	[tilespmem:$0x28B0] =	vst @!p1 v0  }
0xb9: {  	v0 =	vld @!p1 [tilespmem:s23+$0x140];
	_ =	sdelay $0x4  }
0xba: {  	v1 =	vshrl.u32 @!p1 v0, $0xE;
	v0 =	vand.u32 @!p1 $0x3FFF, v0  }
0xbb: {  	[tilespmem:$0x2840] =	vst @!p1 v1  }
0xbc: {  	[tilespmem:$0x28C0] =	vst @!p1 v0  }
0xbd: {  	v0 =	vld @!p1 [tilespmem:s23+$0x150];
	_ =	sdelay $0x4  }
0xbe: {  	v1 =	vshrl.u32 @!p1 v0, $0xE;
	v0 =	vand.u32 @!p1 $0x3FFF, v0  }
0xbf: {  	[tilespmem:$0x2850] =	vst @!p1 v1  }
0xc0: {  	s25 =	simm.s32 @!p1 $0x80;
	s26 =	simm.s32 @!p1 $0x2800;
	s28 =	simm.s32 @!p1 $0x2A00;
	[tilespmem:$0x28D0] =	vst @!p1 v0  }
0xc1: {  	v0 =	vld @!p1 [tilespmem:s23+$0x160];
	_ =	sdelay $0x1  }
.Ltmp0:
0xc2: {  	(pc) =	sbr.rel @p0 .LBB2_2-.Ltmp0, $3  }
0xc3: {  	_ =	sdelay $0x1  }
0xc4: {  	v1 =	vshrl.u32 @!p1 v0, $0xE;
	v0 =	vand.u32 @!p1 $0x3FFF, v0  }
0xc5: {  	[tilespmem:$0x2860] =	vst @!p1 v1  }
0xc6: {  	[tilespmem:$0x28E0] =	vst @!p1 v0  }
0xc7: {  	v0 =	vld @!p1 [tilespmem:s23+$0x170];
	_ =	sdelay $0x4  }
0xc8: {  	v1 =	vshrl.u32 @!p1 v0, $0xE  }
0xc9: {  	v0 =	vand.u32 @!p1 $0x3FFF, v0;
	[tilespmem:$0x2870] =	vst @!p1 v1  }
0xca: {  	[tilespmem:$0x28F0] =	vst @!p1 v0  }
0xcb: {  	[tilespmem:s28], [sflag:$0x1] =	stream.indirect.gather @!p1 [hbm4b:s4+s25], $0x80, s26, s25, $0xb8;
	[tilespmem:$0x1EA00] =	vst v63  }
0xcc: {  	_ =	swait.ge [sflag:s19], $0x4000  }
0xcd: {  	[sflag:s19] =	ssyncset.done $0x0  }
0xce: {  	[sflag:s19] =	ssyncadd.s32 $0xFFFFC000  }
0xcf: {  	[spmem:s2] =	stream.indirect.scatter.add.f32 [tilespmem:s16], [sflag:$0x3], $0x80, s20, s12, $0xb8;
	[tilespmem:$0x1EA00] =	vst v63  }
0xd0: {  	_ =	swait.ge [sflag:s9], $0x4000  }
0xd1: {  	s21 =	sadd.s32 $0x1, s21;
	[sflag:s9] =	ssyncset.done $0x0  }
0xd2: {  	p0 =	sne.s32 s21, s8;
	[sflag:s9] =	ssyncadd.s32 $0xFFFFC000  }
.Ltmp1:
0xd3: {  	[bflag:$0x0] =	sbarrier.arrive $0xFFFF;
	(pc) =	sbr.rel @p0 .LBB2_1-.Ltmp1, $4  }
0xd4: {  	[hbm:s7], [sflag:s10] =	dma.local [spmem:s11], $0x2800  }
0xd5: {  	_ =	swait.ge [sflag:s9], $0x2800  }
0xd6: {  	[sflag:s9] =	ssyncset.done $0x0  }
0xd7: {  	[sflag:s9] =	ssyncadd.s32 $0xFFFFD800  }
0xd8: {  	_ =	sfence.sel $0x180000  }
0xd9: {  	[bflag:$0x0] =	sbarrier.arrive $0xFFFF  }
0xda: {  	p0 =	sne.s32 s1, $0x0;
	_ =	strace $0x9000004A  }
0xdb: {  	s0 =	sadd.s32 @!p0 $0x100000, s0;
	[bflag:$0x2] =	sbarrier.arrive $0xFFFF  }
0xdc: {  	[sflag:s0] =	ssyncadd.tile.s32 @!p0 $0x1;
	_ =	shalt  }
.Lfunc_end2:
_tile_overlayer_lowered:
.L_overlay_start_2:
0xdd: {  	(tag) =	ssettag $0x2  }
0xde: {  	s0 =	rddreg [dreg:$0x0];
	s2 =	stileid.u32  }
0xdf: {  	s1 =	rddreg [dreg:$0x1];
	p0 =	sne.s32 s2, $0x0  }
0xe0: {  	s3 =	rddreg [dreg:$0x2];
	[bflag:$0x3] =	sbarrier.arrive $0xFFFF;
	s2 =	simm.s32 @!p0 $0x1C03  }
0xe1: {  	[timem:s3], [sflag:s2] =	dma.local @!p0 [hbm:s0], s1  }
0xe2: {  	s0 =	simm.s32 @!p0 $0x3  }
0xe3: {  	_ =	swait.ge @!p0 [sflag:s0], s1  }
0xe4: {  	s1 =	ssub.s32 @!p0 $0x0, s1;
	[sflag:s0] =	ssyncset.done @!p0 $0x0  }
0xe5: {  	[sflag:s0] =	ssyncadd.s32 @!p0 s1  }
0xe6: {  	[bflag:$0x3] =	sbarrier.arrive $0xFFFF  }
0xe7: {  	_ =	shalt  }

// kernel: kernel.15.cloned.1.call-start
scs
__scs_entry_jumppad:
0x0: {  	(pc) =	sbr.rel $0x88, $3  }
0x1: {  	(tag) =	ssettag $0x0;
	lr =	simm.s32 $0x1  }
0x2: {  	[smem:$0x3F9B] =	sst lr;
	_ =	strace $0xD0000000  }
0x3: {  	_ = 	snop  }
0x4: {  	_ = 	snop  }
0x5: {  	_ = 	snop  }
0x6: {  	_ = 	snop  }
0x7: {  	_ = 	snop  }
__scs_overlays_trampoline_lowered:
0x8: {  	[smem:$0x3FAA] =	sst s0  }
0x9: {  	[smem:$0x3FAB] =	sst s1  }
0xa: {  	[smem:$0x3FAC] =	sst s2  }
0xb: {  	[smem:$0x3FAD] =	sst s3  }
0xc: {  	[smem:$0x3FAE] =	sst s4  }
0xd: {  	[smem:$0x3FAF] =	sst s5  }
0xe: {  	[smem:$0x3FB0] =	sst s6  }
0xf: {  	[smem:$0x3FB1] =	sst s7  }
0x10: {  	[smem:$0x3FB2] =	sst s8  }
0x11: {  	[smem:$0x3FB3] =	sst s9;
	s0 =	simm.s32 @!p0 $0x0  }
0x12: {  	s1 =	sld [smem:$0x3F99];
	s0 =	simm.s32 @p0 $0x1  }
0x13: {  	[smem:$0x3FB4] =	sst s0;
	s0 =	simm.s32 @!p1 $0x0  }
0x14: {  	s2 =	sld [smem:$0x3F98];
	s0 =	simm.s32 @p1 $0x1  }
0x15: {  	[smem:$0x3FB5] =	sst s0;
	s0 =	simm.s32 @!p2 $0x0  }
0x16: {  	s3 =	sld [smem:$0x3FDB];
	s0 =	simm.s32 @p2 $0x1  }
0x17: {  	s4 =	simm.s32 $0x1BF5;
	[smem:$0x3FB7] =	sst s0  }
0x18: {  	s0 =	sld [smem:$0x3F9A];
	_ =	swait.ge [sflag:s4], $0x0  }
0x19: {  	s7 =	sld [smem:$0x3F9B]  }
0x1a: {  	s8 =	sadd.s32 $0xFFFFE003, lr  }
0x1b: {  	s9 =	sadd.s32 $0xFFFFFEF7, lr;
	s5 =	simm.s32 $0xFFFFFFFF;
	p2 =	slt.u32 s8, $0xFFFFF086  }
0x1c: {  	p1 =	slt.u32 s9, $0xF7A;
	s5 =	simm.s32 @!p2 $0x0  }
0x1d: {  	s5 =	simm.s32 @p1 $0x1;
	p0 =	seq.s32 s7, s2  }
0x1e: {  	s7 =	smul.u32 @!p0 $0xF7A, s2;
	p2 =	seq.s32 @!p0 s5, $0x0  }
0x1f: {  	s9 =	smul.u32 $0xF7A, s1;
	s8 =	simm.s32 @!p0 $0x1BF5;
	p2 =	por !p2, p0  }
0x20: {  	[sflag:s8] =	ssyncset.s32 @!p0 $0xFFFFF086;
	s6 =	sadd.s32 @!p0 s3, s7;
	s7 =	simm.s32 @!p0 $0x108  }
0x21: {  	s3 =	sadd.s32 s3, s9;
	s6 =	sadd.s32 @!p0 $0x88, s6;
	s7 =	simm.s32 @p2 $0x1082  }
0x22: {  	[simem:s7], [sflag:s8] =	dma.local @!p0 [hbm:s6], $0xF7A  }
0x23: {  	s9 =	sor.u32 $0xD0000000, s2;
	s6 =	simm.s32 $0x108;
	_ =	swait.ge @!p0 [sflag:s8], $0x0  }
0x24: {  	s3 =	sadd.s32 $0x88, s3;
	s6 =	simm.s32 @!p1 $0x1082;
	[sflag:s4] =	ssyncset.s32 $0xFFFFF086  }
0x25: {  	[simem:s6], [sflag:s4] =	dma.local [hbm:s3], $0xF7A  }
0x26: {  	[smem:$0x3F9B] =	sst s1;
	(tag) =	ssettag s2;
	_ =	strace s9  }
0x27: {  	s1 =	sld [smem:$0x3FAB]  }
0x28: {  	s2 =	sld [smem:$0x3FAC]  }
0x29: {  	s4 =	sld [smem:$0x3FAE]  }
0x2a: {  	p0 =	seq.s32 s5, $0x0;
	s5 =	sld [smem:$0x3FAF]  }
0x2b: {  	s6 =	sld [smem:$0x3FB0]  }
0x2c: {  	s7 =	sld [smem:$0x3FB1]  }
0x2d: {  	s3 =	simm.s32 $0x108;
	s8 =	sld [smem:$0x3FB2]  }
0x2e: {  	s3 =	simm.s32 @!p0 $0x1082;
	s9 =	sld [smem:$0x3FB3]  }
0x2f: {  	lr =	sadd.s32 s0, s3;
	s0 =	sld [smem:$0x3FAA]  }
0x30: {  	s3 =	sld [smem:$0x3FAD]  }
0x31: {  	[smem:$0x3FB6] =	sst s10  }
0x32: {  	s10 =	sld [smem:$0x3FB4];
	_ =	sdelay $0x3  }
0x33: {  	p0 =	seq.s32 s10, $0x1;
	s10 =	sld [smem:$0x3FB6];
	_ =	sdelay $0x3  }
0x34: {  	[smem:$0x3FB6] =	sst s10  }
0x35: {  	s10 =	sld [smem:$0x3FB5];
	_ =	sdelay $0x3  }
0x36: {  	p1 =	seq.s32 s10, $0x1;
	s10 =	sld [smem:$0x3FB6];
	_ =	sdelay $0x3  }
0x37: {  	[smem:$0x3FB6] =	sst s10  }
0x38: {  	s10 =	sld [smem:$0x3FB7]  }
0x39: {  	_ = 	snop;
	(pc) =	sbr.ind lr, $3  }
0x3a: {  	_ = 	snop  }
0x3b: {  	_ = 	snop  }
0x3c: {  	p2 =	seq.s32 s10, $0x1;
	s10 =	sld [smem:$0x3FB6]  }
0x3d: {  	_ =	shalt  }
0x3e: {  	_ =	shalt  }
0x3f: {  	_ =	shalt  }
0x40: {  	_ =	shalt  }
0x41: {  	_ =	shalt  }
0x42: {  	_ =	shalt  }
0x43: {  	_ =	shalt  }
0x44: {  	_ =	shalt  }
0x45: {  	_ =	shalt  }
0x46: {  	_ =	shalt  }
0x47: {  	_ =	shalt  }
0x48: {  	_ =	shalt  }
0x49: {  	_ =	shalt  }
0x4a: {  	_ =	shalt  }
0x4b: {  	_ =	shalt  }
0x4c: {  	_ =	shalt  }
0x4d: {  	_ =	shalt  }
0x4e: {  	_ =	shalt  }
0x4f: {  	_ =	shalt  }
0x50: {  	_ =	shalt  }
0x51: {  	_ =	shalt  }
0x52: {  	_ =	shalt  }
0x53: {  	_ =	shalt  }
0x54: {  	_ =	shalt  }
0x55: {  	_ =	shalt  }
0x56: {  	_ =	shalt  }
0x57: {  	_ =	shalt  }
0x58: {  	_ =	shalt  }
0x59: {  	_ =	shalt  }
0x5a: {  	_ =	shalt  }
0x5b: {  	_ =	shalt  }
0x5c: {  	_ =	shalt  }
0x5d: {  	_ =	shalt  }
0x5e: {  	_ =	shalt  }
0x5f: {  	_ =	shalt  }
0x60: {  	_ =	shalt  }
0x61: {  	_ =	shalt  }
0x62: {  	_ =	shalt  }
0x63: {  	_ =	shalt  }
0x64: {  	_ =	shalt  }
0x65: {  	_ =	shalt  }
0x66: {  	_ =	shalt  }
0x67: {  	_ =	shalt  }
0x68: {  	_ =	shalt  }
0x69: {  	_ =	shalt  }
0x6a: {  	_ =	shalt  }
0x6b: {  	_ =	shalt  }
0x6c: {  	_ =	shalt  }
0x6d: {  	_ =	shalt  }
0x6e: {  	_ =	shalt  }
0x6f: {  	_ =	shalt  }
0x70: {  	_ =	shalt  }
0x71: {  	_ =	shalt  }
0x72: {  	_ =	shalt  }
0x73: {  	_ =	shalt  }
0x74: {  	_ =	shalt  }
0x75: {  	_ =	shalt  }
0x76: {  	_ =	shalt  }
0x77: {  	_ =	shalt  }
0x78: {  	_ =	shalt  }
0x79: {  	_ =	shalt  }
0x7a: {  	_ =	shalt  }
0x7b: {  	_ =	shalt  }
0x7c: {  	_ =	shalt  }
0x7d: {  	_ =	shalt  }
0x7e: {  	_ =	shalt  }
0x7f: {  	_ =	shalt  }
0x80: {  	_ =	shalt  }
0x81: {  	_ =	shalt  }
0x82: {  	_ =	shalt  }
0x83: {  	_ =	shalt  }
0x84: {  	_ =	shalt  }
0x85: {  	_ =	shalt  }
0x86: {  	_ =	shalt  }
0x87: {  	_ =	shalt  }
.Lfunc_end0:
.L_simem_size_0:
called_computation.2_lowered:
.L_overlay_start_0:
0x88: {  	s2 =	sld [smem:$0x3FD9]  }
0x89: {  	s3 =	sld [smem:$0x3FFE];
	_ =	sdelay $0x1  }
0x8a: {  	s1 =	srdreg.scid  }
0x8b: {  	s0 =	sand.u32 $0x1, s1  }
0x8c: {  	s17 =	sshll.u32 s0, $0xA;
	s2 =	sadd.s32 s3, s2  }
0x8d: {  	s2 =	sadd.s32 s2, s17  }
0x8e: {  	[smem:$0x3FC2] =	sst s2  }
0x8f: {  	_ = 	snop  }
0x90: {  	s2 =	sld [smem:$0x3FD0];
	(tm) =	ssettm $0x1  }
0x91: {  	s18 =	sld [smem:$0x3FFB];
	_ =	sdelay $0x3  }
0x92: {  	_ =	strace s18  }
0x93: {  	s3 =	sld [smem:$0x3FFC];
	_ =	sdelay $0x3  }
0x94: {  	_ =	strace s3  }
0x95: {  	s3 =	sld [smem:$0x3FFD];
	_ =	sdelay $0x3  }
0x96: {  	_ =	strace s3  }
0x97: {  	_ =	strace $0x8FFFFFFF  }
0x98: {  	s19 =	sld [smem:$0x3FDB];
	_ =	sdelay $0x1  }
0x99: {  	s4 =	simm.s32 $_scs_section_size  }
0x9a: {  	s5 =	simm.s32 $_size__tile_overlayer_lowered;
	s6 =	simm.s32 $_tile_overlayer_lowered  }
0x9b: {  	s22 =	simm.s32 $0x1BFF;
	s21 =	sshll.u32 s6, $0x1;
	s3 =	sadd.s32 s4, s19  }
0x9c: {  	s7 =	simm.s32 $0x0;
	s20 =	sshll.u32 s5, $0x1;
	s5 =	sadd.s32 s21, s3  }
0x9d: {  	[timem:s7], [sflag:s22] =	dma.local [hbm:s5], s20  }
0x9e: {  	_ =	swait.ge [sflag:s22], s20  }
0x9f: {  	s4 =	ssub.s32 $0x0, s20;
	[sflag:s22] =	ssyncset.done $0x0  }
0xa0: {  	[sflag:s22] =	ssyncadd.s32 s4;
	_ =	sdelay $0x1  }
0xa1: {  	s23 =	simm.s32 $0x1B8B  }
0xa2: {  	_ =	swait.ge [sflag:s23], $0x1  }
0xa3: {  	[sflag:s23] =	ssyncset.done $0x0  }
0xa4: {  	s25 =	simm.s32 $0x1B8E;
	s24 =	sld [smem:$0x3FFE];
	[sflag:s23] =	ssyncadd.s32 $0xFFFFFFFF  }
0xa5: {  	s26 =	simm.s32 $execute0_lowered;
	[smem:$0x3FD2] =	sst s25  }
0xa6: {  	s5 =	sshll.u32 s26, $0x1;
	_ =	strace $0x8000004C;
	[dreg:$0x1] =	wrdreg $0xFFFFFFFF  }
0xa7: {  	s28 =	simm.s32 $_size_execute0_lowered;
	s3 =	sadd.s32 s3, s5;
	[dreg:$0x0] =	wrdreg $0x0  }
0xa8: {  	s5 =	sshll.u32 s28, $0x1;
	[dreg:$0x2] =	wrdreg s3  }
0xa9: {  	[dreg:$0x3] =	wrdreg s5  }
0xaa: {  	[dreg:$0x4] =	wrdreg $0xC0  }
0xab: {  	_ =	task [dreg:s7], $0x5FFFF  }
0xac: {  	[dreg:$0x1] =	wrdreg $0xFFFFFFFF  }
0xad: {  	[dreg:$0x0] =	wrdreg $0x60  }
0xae: {  	[dreg:$0x2] =	wrdreg s24  }
0xaf: {  	[dreg:$0x3] =	wrdreg s2  }
0xb0: {  	[dreg:$0x4] =	wrdreg $0xAA000  }
0xb1: {  	[dreg:$0x5] =	wrdreg $0x9  }
0xb2: {  	_ =	task.clear_ibuf [dreg:s7], $0x6FFFF;
	_ =	strace $0x9000004C  }
0xb3: {  	s29 =	simm.s32 $0x9;
	_ =	strace $0x8000004E  }
0xb4: {  	_ =	swait.ge [sflag:s29], $0x1  }
0xb5: {  	[sflag:s29] =	ssyncadd.s32 $0xFFFFFFFF  }
0xb6: {  	_ =	strace $0x9000004E  }
0xb7: {  	_ =	sfence  }
0xb8: {  	s30 =	sld [smem:$0x0];
	_ =	sdelay $0x2  }
0xb9: {  	s31 =	sshll.u32 s1, $0xD;
	s1 =	sshrl.u32 s1, $0x2  }
0xba: {  	s3 =	sand.u32 $0x4000, s31;
	s1 =	sadd.s32 s1, s30  }
0xbb: {  	s0 =	sor.u32 s3, s0;
	s1 =	sshll.u32 s1, $0x11  }
0xbc: {  	s0 =	sor.u32 s1, s0  }
0xbd: {  	s0 =	sadd.s32 $0x8F2B, s0  }
0xbe: {  	[sflag:s0] =	ssyncadd.remote.s32 $0x1  }
0xbf: {  	_ =	sfence.sel $0xFFFF  }
0xc0: {  	[dreg:$0x0] =	wrdreg $0xFFFFFFFF;
	(pc) =	sbr.abs _section_cstart, $3  }
0xc1: {  	[dreg:$0x1] =	wrdreg $0xFFFFFFFF  }
0xc2: {  	_ =	task.clear_ibuf [dreg:s7], $0x2FFFF;
	_ =	strace $0x9FFFFFFF  }
0xc3: {  	(tm) =	ssettm $0x7FFFFFFF  }
tec
execute0_lowered:
.L_overlay_start_1:
0x0: {  	(tag) =	ssettag $0x1  }
0x1: {  	s5 =	rddreg [dreg:$0x0]  }
0x2: {  	s6 =	rddreg [dreg:$0x1]  }
0x3: {  	s2 =	rddreg [dreg:$0x2]  }
0x4: {  	s0 =	rddreg [dreg:$0x3]  }
0x5: {  	s1 =	stileid.u32;
	s4 =	srdreg.scid  }
0x6: {  	s3 =	simm.s32 $0x0;
	s13 =	simm.s32 $0x2800;
	s14 =	simm.s32 $0x2A00  }
0x7: {  	s15 =	simm.s32 $0x2900;
	s16 =	simm.s32 $0x6A00;
	s17 =	simm.s32 $0x1  }
0x8: {  	s18 =	simm.s32 $0x2880;
	s19 =	simm.s32 $0x2;
	s20 =	simm.s32 $0x2980  }
0x9: {  	s21 =	simm.s32 $0x0;
	s7 =	smul.u32 $0x14000, s1;
	s8 =	sand.u32 $0x1, s4  }
0xa: {  	[smem:$0x7FF] =	sst s3;
	s10 =	sshll.u32 s1, $0x1;
	s28 =	smul.u32 $0x50000, s1  }
0xb: {  	s4 =	sadd.s32 $0x2400, s5;
	s31 =	sshll.u32 s1, $0x6;
	s9 =	smul.u32 $0x140000, s8  }
0xc: {  	_ =	strace $0x8000004D;
	s10 =	sor.u32 s8, s10;
	s8 =	ssub.s32 $0x2, s8  }
0xd: {  	s11 =	sshrl.u32 s7, $0x3;
	s26 =	smul.u32 $0x500, s10;
	s29 =	sshrl.u32 s8, $0x1  }
0xe: {  	s30 =	sshrl.u32 s28, $0x2;
	s10 =	sor.u32 $0x1C03, s31;
	s7 =	sadd.s32 s7, s9  }
0xf: {  	s11 =	sadd.s32 s11, s5;
	s8 =	ssub.s32 s8, s29;
	s12 =	sadd.s32 s30, s2  }
0x10: {  	s9 =	simm.s32 $0x3;
	s7 =	sshrl.u32 s7, $0x3;
	s8 =	smax.u32 s8, $0x1  }
0x11: {  	s7 =	sadd.s32 s7, s5;
	s5 =	sadd.s32 s6, s26;
	s6 =	sadd.s32 $0x2A400, s11  }
0x12: {  	s11 =	sshrl.u32 s12, $0x3;
	s12 =	simm.s32 $0x80;
	s7 =	sadd.s32 $0x52400, s7  }
.LBB2_1:
0x13: {  	[tilespmem:s3], [sflag:$0x3] =	stream.linear.gather [hbm4b:s5+s3], $0x2800, $0x38;
	[tilespmem:$0x1EA00] =	vst v63  }
0x14: {  	_ =	swait.ge [sflag:s9], $0x2800  }
0x15: {  	[sflag:s9] =	ssyncset.done $0x0  }
0x16: {  	[sflag:s9] =	ssyncadd.s32 $0xFFFFD800  }
0x17: {  	[spmem:s11], [sflag:s10] =	dma.local [hbm:s6], $0x2800  }
0x18: {  	_ =	swait.ge [sflag:s9], $0x2800  }
0x19: {  	[sflag:s9] =	ssyncset.done $0x0  }
0x1a: {  	[sflag:s9] =	ssyncadd.s32 $0xFFFFD800  }
0x1b: {  	[bflag:$0x0] =	sbarrier.arrive $0xFFFF  }
0x1c: {  	v0 =	vld [tilespmem:$0x0];
	_ =	sdelay $0x1  }
0x1d: {  	v1 =	vld [tilespmem:$0x10];
	_ =	sdelay $0x1  }
0x1e: {  	v2 =	vld [tilespmem:$0x20]  }
0x1f: {  	v3 =	vshrl.u32 v0, $0xE  }
0x20: {  	v0 =	vand.u32 $0x3FFF, v0;
	[tilespmem:$0x2800] =	vst v3;
	v3 =	vld [tilespmem:$0x30]  }
0x21: {  	[tilespmem:$0x2880] =	vst v0;
	v0 =	vshrl.u32 v1, $0xE  }
0x22: {  	[tilespmem:$0x2810] =	vst v0;
	v0 =	vand.u32 $0x3FFF, v1;
	v1 =	vld [tilespmem:$0x40]  }
0x23: {  	[tilespmem:$0x2890] =	vst v0;
	v0 =	vshrl.u32 v2, $0xE  }
0x24: {  	[tilespmem:$0x2820] =	vst v0;
	v0 =	vand.u32 $0x3FFF, v2;
	v2 =	vld [tilespmem:$0x50]  }
0x25: {  	[tilespmem:$0x28A0] =	vst v0;
	v0 =	vshrl.u32 v3, $0xE  }
0x26: {  	[tilespmem:$0x2830] =	vst v0;
	v0 =	vand.u32 $0x3FFF, v3;
	v3 =	vld [tilespmem:$0x60]  }
0x27: {  	[tilespmem:$0x28B0] =	vst v0;
	v0 =	vshrl.u32 v1, $0xE  }
0x28: {  	[tilespmem:$0x2840] =	vst v0;
	v0 =	vand.u32 $0x3FFF, v1;
	v1 =	vld [tilespmem:$0x70]  }
0x29: {  	[tilespmem:$0x28C0] =	vst v0;
	v0 =	vshrl.u32 v2, $0xE  }
0x2a: {  	[tilespmem:$0x2850] =	vst v0;
	v0 =	vand.u32 $0x3FFF, v2  }
0x2b: {  	[tilespmem:$0x28D0] =	vst v0;
	v0 =	vshrl.u32 v3, $0xE  }
0x2c: {  	[tilespmem:$0x2860] =	vst v0;
	v0 =	vand.u32 $0x3FFF, v3  }
0x2d: {  	[tilespmem:$0x28E0] =	vst v0;
	v0 =	vshrl.u32 v1, $0xE  }
0x2e: {  	[tilespmem:$0x2870] =	vst v0;
	v0 =	vand.u32 $0x3FFF, v1  }
0x2f: {  	s22 =	simm.s32 $0x0;
	[tilespmem:$0x28F0] =	vst v0  }
0x30: {  	[tilespmem:s14], [sflag:$0x1] =	stream.indirect.gather [hbm4b:s4+s12], $0x80, s13, s12, $0xb8;
	[tilespmem:$0x1EA00] =	vst v63  }
0x31: {  	v0 =	vld [tilespmem:s22+$0x80];
	_ =	sdelay $0x4  }
0x32: {  	v1 =	vshrl.u32 v0, $0xE  }
0x33: {  	v0 =	vand.u32 $0x3FFF, v0;
	[tilespmem:$0x2900] =	vst v1  }
0x34: {  	[tilespmem:$0x2980] =	vst v0  }
0x35: {  	v0 =	vld [tilespmem:s22+$0x90];
	_ =	sdelay $0x4  }
0x36: {  	v1 =	vshrl.u32 v0, $0xE  }
0x37: {  	v0 =	vand.u32 $0x3FFF, v0;
	[tilespmem:$0x2910] =	vst v1  }
0x38: {  	[tilespmem:$0x2990] =	vst v0  }
0x39: {  	v0 =	vld [tilespmem:s22+$0xA0];
	_ =	sdelay $0x4  }
0x3a: {  	v1 =	vshrl.u32 v0, $0xE  }
0x3b: {  	v0 =	vand.u32 $0x3FFF, v0;
	[tilespmem:$0x2920] =	vst v1  }
0x3c: {  	[tilespmem:$0x29A0] =	vst v0  }
0x3d: {  	v0 =	vld [tilespmem:s22+$0xB0];
	_ =	sdelay $0x4  }
0x3e: {  	v1 =	vshrl.u32 v0, $0xE  }
0x3f: {  	v0 =	vand.u32 $0x3FFF, v0;
	[tilespmem:$0x2930] =	vst v1  }
0x40: {  	[tilespmem:$0x29B0] =	vst v0  }
0x41: {  	v0 =	vld [tilespmem:s22+$0xC0];
	_ =	sdelay $0x4  }
0x42: {  	v1 =	vshrl.u32 v0, $0xE  }
0x43: {  	v0 =	vand.u32 $0x3FFF, v0;
	[tilespmem:$0x2940] =	vst v1  }
0x44: {  	[tilespmem:$0x29C0] =	vst v0  }
0x45: {  	v0 =	vld [tilespmem:s22+$0xD0];
	_ =	sdelay $0x4  }
0x46: {  	v1 =	vshrl.u32 v0, $0xE  }
0x47: {  	v0 =	vand.u32 $0x3FFF, v0;
	[tilespmem:$0x2950] =	vst v1  }
0x48: {  	[tilespmem:$0x29D0] =	vst v0  }
0x49: {  	v0 =	vld [tilespmem:s22+$0xE0];
	_ =	sdelay $0x4  }
0x4a: {  	v1 =	vshrl.u32 v0, $0xE  }
0x4b: {  	v0 =	vand.u32 $0x3FFF, v0;
	[tilespmem:$0x2960] =	vst v1  }
0x4c: {  	[tilespmem:$0x29E0] =	vst v0  }
0x4d: {  	v0 =	vld [tilespmem:s22+$0xF0];
	_ =	sdelay $0x4  }
0x4e: {  	v1 =	vshrl.u32 v0, $0xE  }
0x4f: {  	v0 =	vand.u32 $0x3FFF, v0;
	[tilespmem:$0x2970] =	vst v1  }
0x50: {  	[tilespmem:$0x29F0] =	vst v0  }
0x51: {  	[tilespmem:s16], [sflag:$0x2] =	stream.indirect.gather [hbm4b:s4+s12], $0x80, s15, s12, $0xb8;
	[tilespmem:$0x1EA00] =	vst v63  }
0x52: {  	_ =	swait.ge [sflag:s17], $0x4000  }
0x53: {  	[sflag:s17] =	ssyncset.done $0x0  }
0x54: {  	[sflag:s17] =	ssyncadd.s32 $0xFFFFC000  }
0x55: {  	[spmem:s2] =	stream.indirect.scatter.add.f32 [tilespmem:s14], [sflag:$0x3], $0x80, s18, s12, $0xb8;
	[tilespmem:$0x1EA00] =	vst v63  }
0x56: {  	_ =	swait.ge [sflag:s9], $0x4000  }
0x57: {  	p1 =	por $0x0, $0x0;
	[sflag:s9] =	ssyncset.done $0x0  }
0x58: {  	s23 =	simm.s32 @!p1 $0x0;
	[sflag:s9] =	ssyncadd.s32 $0xFFFFC000  }
0x59: {  	v0 =	vld @!p1 [tilespmem:s23+$0x100];
	_ =	sdelay $0x4  }
0x5a: {  	v1 =	vshrl.u32 @!p1 v0, $0xE  }
0x5b: {  	v0 =	vand.u32 @!p1 $0x3FFF, v0;
	[tilespmem:$0x2800] =	vst @!p1 v1  }
0x5c: {  	[tilespmem:$0x2880] =	vst @!p1 v0  }
0x5d: {  	v0 =	vld @!p1 [tilespmem:s23+$0x110];
	_ =	sdelay $0x4  }
0x5e: {  	v1 =	vshrl.u32 @!p1 v0, $0xE  }
0x5f: {  	v0 =	vand.u32 @!p1 $0x3FFF, v0;
	[tilespmem:$0x2810] =	vst @!p1 v1  }
0x60: {  	[tilespmem:$0x2890] =	vst @!p1 v0  }
0x61: {  	v0 =	vld @!p1 [tilespmem:s23+$0x120];
	_ =	sdelay $0x4  }
0x62: {  	v1 =	vshrl.u32 @!p1 v0, $0xE  }
0x63: {  	v0 =	vand.u32 @!p1 $0x3FFF, v0;
	[tilespmem:$0x2820] =	vst @!p1 v1  }
0x64: {  	[tilespmem:$0x28A0] =	vst @!p1 v0  }
0x65: {  	v0 =	vld @!p1 [tilespmem:s23+$0x130];
	_ =	sdelay $0x4  }
0x66: {  	v1 =	vshrl.u32 @!p1 v0, $0xE  }
0x67: {  	v0 =	vand.u32 @!p1 $0x3FFF, v0;
	[tilespmem:$0x2830] =	vst @!p1 v1  }
0x68: {  	[tilespmem:$0x28B0] =	vst @!p1 v0  }
0x69: {  	v0 =	vld @!p1 [tilespmem:s23+$0x140];
	_ =	sdelay $0x4  }
0x6a: {  	v1 =	vshrl.u32 @!p1 v0, $0xE  }
0x6b: {  	v0 =	vand.u32 @!p1 $0x3FFF, v0;
	[tilespmem:$0x2840] =	vst @!p1 v1  }
0x6c: {  	[tilespmem:$0x28C0] =	vst @!p1 v0  }
0x6d: {  	v0 =	vld @!p1 [tilespmem:s23+$0x150];
	_ =	sdelay $0x4  }
0x6e: {  	v1 =	vshrl.u32 @!p1 v0, $0xE  }
0x6f: {  	v0 =	vand.u32 @!p1 $0x3FFF, v0;
	[tilespmem:$0x2850] =	vst @!p1 v1  }
0x70: {  	[tilespmem:$0x28D0] =	vst @!p1 v0  }
0x71: {  	v0 =	vld @!p1 [tilespmem:s23+$0x160];
	_ =	sdelay $0x4  }
0x72: {  	s25 =	simm.s32 @!p1 $0x80;
	v1 =	vshrl.u32 @!p1 v0, $0xE  }
0x73: {  	s26 =	simm.s32 @!p1 $0x2800;
	s28 =	simm.s32 @!p1 $0x2A00;
	s22 =	simm.s32 $0x400;
	v0 =	vand.u32 @!p1 $0x3FFF, v0;
	[tilespmem:$0x2860] =	vst @!p1 v1  }
.LBB2_2:
0x74: {  	[tilespmem:$0x28E0] =	vst @!p1 v0;
	s24 =	smov.u32 s22;
	s22 =	sadd.s32 $0x400, s22  }
0x75: {  	p0 =	sne.s32 s22, $0xA000;
	v0 =	vld @!p1 [tilespmem:s23+$0x170];
	_ =	sdelay $0x4  }
0x76: {  	v1 =	vshrl.u32 @!p1 v0, $0xE;
	v0 =	vand.u32 @!p1 $0x3FFF, v0  }
0x77: {  	[tilespmem:$0x2870] =	vst @!p1 v1  }
0x78: {  	[tilespmem:$0x28F0] =	vst @!p1 v0  }
0x79: {  	[tilespmem:s28], [sflag:$0x1] =	stream.indirect.gather @!p1 [hbm4b:s4+s25], $0x80, s26, s25, $0xb8;
	[tilespmem:$0x1EA00] =	vst v63  }
0x7a: {  	_ =	swait.ge [sflag:s19], $0x4000  }
0x7b: {  	[sflag:s19] =	ssyncset.done $0x0  }
0x7c: {  	[sflag:s19] =	ssyncadd.s32 $0xFFFFC000  }
0x7d: {  	[spmem:s2] =	stream.indirect.scatter.add.f32 [tilespmem:s16], [sflag:$0x3], $0x80, s20, s12, $0xb8;
	[tilespmem:$0x1EA00] =	vst v63  }
0x7e: {  	_ =	swait.ge [sflag:s9], $0x4000  }
0x7f: {  	[sflag:s9] =	ssyncset.done $0x0  }
0x80: {  	s23 =	sshra.s32 s24, $0x2;
	[sflag:s9] =	ssyncadd.s32 $0xFFFFC000  }
0x81: {  	v0 =	vld [tilespmem:s23+$0x80];
	_ =	sdelay $0x4  }
0x82: {  	v1 =	vshrl.u32 v0, $0xE;
	v0 =	vand.u32 $0x3FFF, v0  }
0x83: {  	[tilespmem:$0x2900] =	vst v1  }
0x84: {  	[tilespmem:$0x2980] =	vst v0  }
0x85: {  	v0 =	vld [tilespmem:s23+$0x90];
	_ =	sdelay $0x4  }
0x86: {  	v1 =	vshrl.u32 v0, $0xE;
	v0 =	vand.u32 $0x3FFF, v0  }
0x87: {  	[tilespmem:$0x2910] =	vst v1  }
0x88: {  	[tilespmem:$0x2990] =	vst v0  }
0x89: {  	v0 =	vld [tilespmem:s23+$0xA0];
	_ =	sdelay $0x4  }
0x8a: {  	v1 =	vshrl.u32 v0, $0xE;
	v0 =	vand.u32 $0x3FFF, v0  }
0x8b: {  	[tilespmem:$0x2920] =	vst v1  }
0x8c: {  	[tilespmem:$0x29A0] =	vst v0  }
0x8d: {  	v0 =	vld [tilespmem:s23+$0xB0];
	_ =	sdelay $0x4  }
0x8e: {  	v1 =	vshrl.u32 v0, $0xE;
	v0 =	vand.u32 $0x3FFF, v0  }
0x8f: {  	[tilespmem:$0x2930] =	vst v1  }
0x90: {  	[tilespmem:$0x29B0] =	vst v0  }
0x91: {  	v0 =	vld [tilespmem:s23+$0xC0];
	_ =	sdelay $0x4  }
0x92: {  	v1 =	vshrl.u32 v0, $0xE;
	v0 =	vand.u32 $0x3FFF, v0  }
0x93: {  	[tilespmem:$0x2940] =	vst v1  }
0x94: {  	[tilespmem:$0x29C0] =	vst v0  }
0x95: {  	v0 =	vld [tilespmem:s23+$0xD0];
	_ =	sdelay $0x4  }
0x96: {  	v1 =	vshrl.u32 v0, $0xE;
	v0 =	vand.u32 $0x3FFF, v0  }
0x97: {  	[tilespmem:$0x2950] =	vst v1  }
0x98: {  	[tilespmem:$0x29D0] =	vst v0  }
0x99: {  	v0 =	vld [tilespmem:s23+$0xE0];
	_ =	sdelay $0x4  }
0x9a: {  	v1 =	vshrl.u32 v0, $0xE;
	v0 =	vand.u32 $0x3FFF, v0  }
0x9b: {  	[tilespmem:$0x2960] =	vst v1  }
0x9c: {  	[tilespmem:$0x29E0] =	vst v0  }
0x9d: {  	v0 =	vld [tilespmem:s23+$0xF0];
	_ =	sdelay $0x4  }
0x9e: {  	v1 =	vshrl.u32 v0, $0xE;
	v0 =	vand.u32 $0x3FFF, v0  }
0x9f: {  	p1 =	seq.s32 s24, $0x9C00;
	[tilespmem:$0x2970] =	vst v1  }
0xa0: {  	s23 =	sshra.s32 @!p1 s24, $0x2;
	[tilespmem:$0x29F0] =	vst v0  }
0xa1: {  	[tilespmem:s16], [sflag:$0x2] =	stream.indirect.gather [hbm4b:s4+s12], $0x80, s15, s12, $0xb8;
	[tilespmem:$0x1EA00] =	vst v63  }
0xa2: {  	_ =	swait.ge [sflag:s17], $0x4000  }
0xa3: {  	[sflag:s17] =	ssyncset.done $0x0  }
0xa4: {  	[sflag:s17] =	ssyncadd.s32 $0xFFFFC000  }
0xa5: {  	[spmem:s2] =	stream.indirect.scatter.add.f32 [tilespmem:s14], [sflag:$0x3], $0x80, s18, s12, $0xb8;
	[tilespmem:$0x1EA00] =	vst v63  }
0xa6: {  	_ =	swait.ge [sflag:s9], $0x4000  }
0xa7: {  	[sflag:s9] =	ssyncset.done $0x0  }
0xa8: {  	[sflag:s9] =	ssyncadd.s32 $0xFFFFC000  }
0xa9: {  	v0 =	vld @!p1 [tilespmem:s23+$0x100];
	_ =	sdelay $0x4  }
0xaa: {  	v1 =	vshrl.u32 @!p1 v0, $0xE;
	v0 =	vand.u32 @!p1 $0x3FFF, v0  }
0xab: {  	[tilespmem:$0x2800] =	vst @!p1 v1  }
0xac: {  	[tilespmem:$0x2880] =	vst @!p1 v0  }
0xad: {  	v0 =	vld @!p1 [tilespmem:s23+$0x110];
	_ =	sdelay $0x4  }
0xae: {  	v1 =	vshrl.u32 @!p1 v0, $0xE;
	v0 =	vand.u32 @!p1 $0x3FFF, v0  }
0xaf: {  	[tilespmem:$0x2810] =	vst @!p1 v1  }
0xb0: {  	[tilespmem:$0x2890] =	vst @!p1 v0  }
0xb1: {  	v0 =	vld @!p1 [tilespmem:s23+$0x120];
	_ =	sdelay $0x4  }
0xb2: {  	v1 =	vshrl.u32 @!p1 v0, $0xE;
	v0 =	vand.u32 @!p1 $0x3FFF, v0  }
0xb3: {  	[tilespmem:$0x2820] =	vst @!p1 v1  }
0xb4: {  	[tilespmem:$0x28A0] =	vst @!p1 v0  }
0xb5: {  	v0 =	vld @!p1 [tilespmem:s23+$0x130];
	_ =	sdelay $0x4  }
0xb6: {  	v1 =	vshrl.u32 @!p1 v0, $0xE;
	v0 =	vand.u32 @!p1 $0x3FFF, v0  }
0xb7: {  	[tilespmem:$0x2830] =	vst @!p1 v1  }
0xb8: {  	[tilespmem:$0x28B0] =	vst @!p1 v0  }
0xb9: {  	v0 =	vld @!p1 [tilespmem:s23+$0x140];
	_ =	sdelay $0x4  }
0xba: {  	v1 =	vshrl.u32 @!p1 v0, $0xE;
	v0 =	vand.u32 @!p1 $0x3FFF, v0  }
0xbb: {  	[tilespmem:$0x2840] =	vst @!p1 v1  }
0xbc: {  	[tilespmem:$0x28C0] =	vst @!p1 v0  }
0xbd: {  	v0 =	vld @!p1 [tilespmem:s23+$0x150];
	_ =	sdelay $0x4  }
0xbe: {  	v1 =	vshrl.u32 @!p1 v0, $0xE;
	v0 =	vand.u32 @!p1 $0x3FFF, v0  }
0xbf: {  	[tilespmem:$0x2850] =	vst @!p1 v1  }
0xc0: {  	s25 =	simm.s32 @!p1 $0x80;
	s26 =	simm.s32 @!p1 $0x2800;
	s28 =	simm.s32 @!p1 $0x2A00;
	[tilespmem:$0x28D0] =	vst @!p1 v0  }
0xc1: {  	v0 =	vld @!p1 [tilespmem:s23+$0x160];
	_ =	sdelay $0x1  }
.Ltmp0:
0xc2: {  	(pc) =	sbr.rel @p0 .LBB2_2-.Ltmp0, $3  }
0xc3: {  	_ =	sdelay $0x1  }
0xc4: {  	v1 =	vshrl.u32 @!p1 v0, $0xE;
	v0 =	vand.u32 @!p1 $0x3FFF, v0  }
0xc5: {  	[tilespmem:$0x2860] =	vst @!p1 v1  }
0xc6: {  	[tilespmem:$0x28E0] =	vst @!p1 v0  }
0xc7: {  	v0 =	vld @!p1 [tilespmem:s23+$0x170];
	_ =	sdelay $0x4  }
0xc8: {  	v1 =	vshrl.u32 @!p1 v0, $0xE  }
0xc9: {  	v0 =	vand.u32 @!p1 $0x3FFF, v0;
	[tilespmem:$0x2870] =	vst @!p1 v1  }
0xca: {  	[tilespmem:$0x28F0] =	vst @!p1 v0  }
0xcb: {  	[tilespmem:s28], [sflag:$0x1] =	stream.indirect.gather @!p1 [hbm4b:s4+s25], $0x80, s26, s25, $0xb8;
	[tilespmem:$0x1EA00] =	vst v63  }
0xcc: {  	_ =	swait.ge [sflag:s19], $0x4000  }
0xcd: {  	[sflag:s19] =	ssyncset.done $0x0  }
0xce: {  	[sflag:s19] =	ssyncadd.s32 $0xFFFFC000  }
0xcf: {  	[spmem:s2] =	stream.indirect.scatter.add.f32 [tilespmem:s16], [sflag:$0x3], $0x80, s20, s12, $0xb8;
	[tilespmem:$0x1EA00] =	vst v63  }
0xd0: {  	_ =	swait.ge [sflag:s9], $0x4000  }
0xd1: {  	s21 =	sadd.s32 $0x1, s21;
	[sflag:s9] =	ssyncset.done $0x0  }
0xd2: {  	p0 =	sne.s32 s21, s8;
	[sflag:s9] =	ssyncadd.s32 $0xFFFFC000  }
.Ltmp1:
0xd3: {  	[bflag:$0x0] =	sbarrier.arrive $0xFFFF;
	(pc) =	sbr.rel @p0 .LBB2_1-.Ltmp1, $4  }
0xd4: {  	[hbm:s7], [sflag:s10] =	dma.local [spmem:s11], $0x2800  }
0xd5: {  	_ =	swait.ge [sflag:s9], $0x2800  }
0xd6: {  	[sflag:s9] =	ssyncset.done $0x0  }
0xd7: {  	[sflag:s9] =	ssyncadd.s32 $0xFFFFD800  }
0xd8: {  	_ =	sfence.sel $0x180000  }
0xd9: {  	[bflag:$0x0] =	sbarrier.arrive $0xFFFF  }
0xda: {  	p0 =	sne.s32 s1, $0x0;
	_ =	strace $0x9000004D  }
0xdb: {  	s0 =	sadd.s32 @!p0 $0x100000, s0;
	[bflag:$0x2] =	sbarrier.arrive $0xFFFF  }
0xdc: {  	[sflag:s0] =	ssyncadd.tile.s32 @!p0 $0x1;
	_ =	shalt  }
.Lfunc_end2:
_tile_overlayer_lowered:
.L_overlay_start_2:
0xdd: {  	(tag) =	ssettag $0x2  }
0xde: {  	s0 =	rddreg [dreg:$0x0];
	s2 =	stileid.u32  }
0xdf: {  	s1 =	rddreg [dreg:$0x1];
	p0 =	sne.s32 s2, $0x0  }
0xe0: {  	s3 =	rddreg [dreg:$0x2];
	[bflag:$0x3] =	sbarrier.arrive $0xFFFF;
	s2 =	simm.s32 @!p0 $0x1C03  }
0xe1: {  	[timem:s3], [sflag:s2] =	dma.local @!p0 [hbm:s0], s1  }
0xe2: {  	s0 =	simm.s32 @!p0 $0x3  }
0xe3: {  	_ =	swait.ge @!p0 [sflag:s0], s1  }
0xe4: {  	s1 =	ssub.s32 @!p0 $0x0, s1;
	[sflag:s0] =	ssyncset.done @!p0 $0x0  }
0xe5: {  	[sflag:s0] =	ssyncadd.s32 @!p0 s1  }
0xe6: {  	[bflag:$0x3] =	sbarrier.arrive $0xFFFF  }
0xe7: {  	_ =	shalt  }

// kernel: kernel.9.cloned.1.call-start
scs
__scs_entry_jumppad:
0x0: {  	(pc) =	sbr.rel $0x88, $3  }
0x1: {  	(tag) =	ssettag $0x0;
	lr =	simm.s32 $0x1  }
0x2: {  	[smem:$0x3F9B] =	sst lr;
	_ =	strace $0xD0000000  }
0x3: {  	_ = 	snop  }
0x4: {  	_ = 	snop  }
0x5: {  	_ = 	snop  }
0x6: {  	_ = 	snop  }
0x7: {  	_ = 	snop  }
__scs_overlays_trampoline_lowered:
0x8: {  	[smem:$0x3FAA] =	sst s0  }
0x9: {  	[smem:$0x3FAB] =	sst s1  }
0xa: {  	[smem:$0x3FAC] =	sst s2  }
0xb: {  	[smem:$0x3FAD] =	sst s3  }
0xc: {  	[smem:$0x3FAE] =	sst s4  }
0xd: {  	[smem:$0x3FAF] =	sst s5  }
0xe: {  	[smem:$0x3FB0] =	sst s6  }
0xf: {  	[smem:$0x3FB1] =	sst s7  }
0x10: {  	[smem:$0x3FB2] =	sst s8  }
0x11: {  	[smem:$0x3FB3] =	sst s9;
	s0 =	simm.s32 @!p0 $0x0  }
0x12: {  	s1 =	sld [smem:$0x3F99];
	s0 =	simm.s32 @p0 $0x1  }
0x13: {  	[smem:$0x3FB4] =	sst s0;
	s0 =	simm.s32 @!p1 $0x0  }
0x14: {  	s2 =	sld [smem:$0x3F98];
	s0 =	simm.s32 @p1 $0x1  }
0x15: {  	[smem:$0x3FB5] =	sst s0;
	s0 =	simm.s32 @!p2 $0x0  }
0x16: {  	s3 =	sld [smem:$0x3FDB];
	s0 =	simm.s32 @p2 $0x1  }
0x17: {  	s4 =	simm.s32 $0x1BF5;
	[smem:$0x3FB7] =	sst s0  }
0x18: {  	s0 =	sld [smem:$0x3F9A];
	_ =	swait.ge [sflag:s4], $0x0  }
0x19: {  	s7 =	sld [smem:$0x3F9B]  }
0x1a: {  	s8 =	sadd.s32 $0xFFFFE003, lr  }
0x1b: {  	s9 =	sadd.s32 $0xFFFFFEF7, lr;
	s5 =	simm.s32 $0xFFFFFFFF;
	p2 =	slt.u32 s8, $0xFFFFF086  }
0x1c: {  	p1 =	slt.u32 s9, $0xF7A;
	s5 =	simm.s32 @!p2 $0x0  }
0x1d: {  	s5 =	simm.s32 @p1 $0x1;
	p0 =	seq.s32 s7, s2  }
0x1e: {  	s7 =	smul.u32 @!p0 $0xF7A, s2;
	p2 =	seq.s32 @!p0 s5, $0x0  }
0x1f: {  	s9 =	smul.u32 $0xF7A, s1;
	s8 =	simm.s32 @!p0 $0x1BF5;
	p2 =	por !p2, p0  }
0x20: {  	[sflag:s8] =	ssyncset.s32 @!p0 $0xFFFFF086;
	s6 =	sadd.s32 @!p0 s3, s7;
	s7 =	simm.s32 @!p0 $0x108  }
0x21: {  	s3 =	sadd.s32 s3, s9;
	s6 =	sadd.s32 @!p0 $0x88, s6;
	s7 =	simm.s32 @p2 $0x1082  }
0x22: {  	[simem:s7], [sflag:s8] =	dma.local @!p0 [hbm:s6], $0xF7A  }
0x23: {  	s9 =	sor.u32 $0xD0000000, s2;
	s6 =	simm.s32 $0x108;
	_ =	swait.ge @!p0 [sflag:s8], $0x0  }
0x24: {  	s3 =	sadd.s32 $0x88, s3;
	s6 =	simm.s32 @!p1 $0x1082;
	[sflag:s4] =	ssyncset.s32 $0xFFFFF086  }
0x25: {  	[simem:s6], [sflag:s4] =	dma.local [hbm:s3], $0xF7A  }
0x26: {  	[smem:$0x3F9B] =	sst s1;
	(tag) =	ssettag s2;
	_ =	strace s9  }
0x27: {  	s1 =	sld [smem:$0x3FAB]  }
0x28: {  	s2 =	sld [smem:$0x3FAC]  }
0x29: {  	s4 =	sld [smem:$0x3FAE]  }
0x2a: {  	p0 =	seq.s32 s5, $0x0;
	s5 =	sld [smem:$0x3FAF]  }
0x2b: {  	s6 =	sld [smem:$0x3FB0]  }
0x2c: {  	s7 =	sld [smem:$0x3FB1]  }
0x2d: {  	s3 =	simm.s32 $0x108;
	s8 =	sld [smem:$0x3FB2]  }
0x2e: {  	s3 =	simm.s32 @!p0 $0x1082;
	s9 =	sld [smem:$0x3FB3]  }
0x2f: {  	lr =	sadd.s32 s0, s3;
	s0 =	sld [smem:$0x3FAA]  }
0x30: {  	s3 =	sld [smem:$0x3FAD]  }
0x31: {  	[smem:$0x3FB6] =	sst s10  }
0x32: {  	s10 =	sld [smem:$0x3FB4];
	_ =	sdelay $0x3  }
0x33: {  	p0 =	seq.s32 s10, $0x1;
	s10 =	sld [smem:$0x3FB6];
	_ =	sdelay $0x3  }
0x34: {  	[smem:$0x3FB6] =	sst s10  }
0x35: {  	s10 =	sld [smem:$0x3FB5];
	_ =	sdelay $0x3  }
0x36: {  	p1 =	seq.s32 s10, $0x1;
	s10 =	sld [smem:$0x3FB6];
	_ =	sdelay $0x3  }
0x37: {  	[smem:$0x3FB6] =	sst s10  }
0x38: {  	s10 =	sld [smem:$0x3FB7]  }
0x39: {  	_ = 	snop;
	(pc) =	sbr.ind lr, $3  }
0x3a: {  	_ = 	snop  }
0x3b: {  	_ = 	snop  }
0x3c: {  	p2 =	seq.s32 s10, $0x1;
	s10 =	sld [smem:$0x3FB6]  }
0x3d: {  	_ =	shalt  }
0x3e: {  	_ =	shalt  }
0x3f: {  	_ =	shalt  }
0x40: {  	_ =	shalt  }
0x41: {  	_ =	shalt  }
0x42: {  	_ =	shalt  }
0x43: {  	_ =	shalt  }
0x44: {  	_ =	shalt  }
0x45: {  	_ =	shalt  }
0x46: {  	_ =	shalt  }
0x47: {  	_ =	shalt  }
0x48: {  	_ =	shalt  }
0x49: {  	_ =	shalt  }
0x4a: {  	_ =	shalt  }
0x4b: {  	_ =	shalt  }
0x4c: {  	_ =	shalt  }
0x4d: {  	_ =	shalt  }
0x4e: {  	_ =	shalt  }
0x4f: {  	_ =	shalt  }
0x50: {  	_ =	shalt  }
0x51: {  	_ =	shalt  }
0x52: {  	_ =	shalt  }
0x53: {  	_ =	shalt  }
0x54: {  	_ =	shalt  }
0x55: {  	_ =	shalt  }
0x56: {  	_ =	shalt  }
0x57: {  	_ =	shalt  }
0x58: {  	_ =	shalt  }
0x59: {  	_ =	shalt  }
0x5a: {  	_ =	shalt  }
0x5b: {  	_ =	shalt  }
0x5c: {  	_ =	shalt  }
0x5d: {  	_ =	shalt  }
0x5e: {  	_ =	shalt  }
0x5f: {  	_ =	shalt  }
0x60: {  	_ =	shalt  }
0x61: {  	_ =	shalt  }
0x62: {  	_ =	shalt  }
0x63: {  	_ =	shalt  }
0x64: {  	_ =	shalt  }
0x65: {  	_ =	shalt  }
0x66: {  	_ =	shalt  }
0x67: {  	_ =	shalt  }
0x68: {  	_ =	shalt  }
0x69: {  	_ =	shalt  }
0x6a: {  	_ =	shalt  }
0x6b: {  	_ =	shalt  }
0x6c: {  	_ =	shalt  }
0x6d: {  	_ =	shalt  }
0x6e: {  	_ =	shalt  }
0x6f: {  	_ =	shalt  }
0x70: {  	_ =	shalt  }
0x71: {  	_ =	shalt  }
0x72: {  	_ =	shalt  }
0x73: {  	_ =	shalt  }
0x74: {  	_ =	shalt  }
0x75: {  	_ =	shalt  }
0x76: {  	_ =	shalt  }
0x77: {  	_ =	shalt  }
0x78: {  	_ =	shalt  }
0x79: {  	_ =	shalt  }
0x7a: {  	_ =	shalt  }
0x7b: {  	_ =	shalt  }
0x7c: {  	_ =	shalt  }
0x7d: {  	_ =	shalt  }
0x7e: {  	_ =	shalt  }
0x7f: {  	_ =	shalt  }
0x80: {  	_ =	shalt  }
0x81: {  	_ =	shalt  }
0x82: {  	_ =	shalt  }
0x83: {  	_ =	shalt  }
0x84: {  	_ =	shalt  }
0x85: {  	_ =	shalt  }
0x86: {  	_ =	shalt  }
0x87: {  	_ =	shalt  }
.Lfunc_end0:
.L_simem_size_0:
called_computation_lowered:
.L_overlay_start_0:
0x88: {  	s2 =	sld [smem:$0x3FD9]  }
0x89: {  	s3 =	sld [smem:$0x3FFE];
	_ =	sdelay $0x1  }
0x8a: {  	s1 =	srdreg.scid  }
0x8b: {  	s0 =	sand.u32 $0x1, s1  }
0x8c: {  	s17 =	sshll.u32 s0, $0xA;
	s2 =	sadd.s32 s3, s2  }
0x8d: {  	s2 =	sadd.s32 s2, s17  }
0x8e: {  	[smem:$0x3FC2] =	sst s2  }
0x8f: {  	_ = 	snop  }
0x90: {  	s2 =	sld [smem:$0x3FD0];
	(tm) =	ssettm $0x1  }
0x91: {  	s18 =	sld [smem:$0x3FFB];
	_ =	sdelay $0x3  }
0x92: {  	_ =	strace s18  }
0x93: {  	s3 =	sld [smem:$0x3FFC];
	_ =	sdelay $0x3  }
0x94: {  	_ =	strace s3  }
0x95: {  	s3 =	sld [smem:$0x3FFD];
	_ =	sdelay $0x3  }
0x96: {  	_ =	strace s3  }
0x97: {  	_ =	strace $0x8FFFFFFF  }
0x98: {  	s19 =	sld [smem:$0x3FDB];
	_ =	sdelay $0x1  }
0x99: {  	s4 =	simm.s32 $_scs_section_size  }
0x9a: {  	s5 =	simm.s32 $_size__tile_overlayer_lowered;
	s6 =	simm.s32 $_tile_overlayer_lowered  }
0x9b: {  	s22 =	simm.s32 $0x1BFF;
	s21 =	sshll.u32 s6, $0x1;
	s3 =	sadd.s32 s4, s19  }
0x9c: {  	s7 =	simm.s32 $0x0;
	s20 =	sshll.u32 s5, $0x1;
	s5 =	sadd.s32 s21, s3  }
0x9d: {  	[timem:s7], [sflag:s22] =	dma.local [hbm:s5], s20  }
0x9e: {  	_ =	swait.ge [sflag:s22], s20  }
0x9f: {  	s4 =	ssub.s32 $0x0, s20;
	[sflag:s22] =	ssyncset.done $0x0  }
0xa0: {  	[sflag:s22] =	ssyncadd.s32 s4;
	_ =	sdelay $0x1  }
0xa1: {  	s23 =	simm.s32 $0x1B8B  }
0xa2: {  	_ =	swait.ge [sflag:s23], $0x1  }
0xa3: {  	[sflag:s23] =	ssyncset.done $0x0  }
0xa4: {  	s25 =	simm.s32 $0x1B8E;
	s24 =	sld [smem:$0x3FFE];
	[sflag:s23] =	ssyncadd.s32 $0xFFFFFFFF  }
0xa5: {  	s26 =	simm.s32 $execute0_lowered;
	[smem:$0x3FD2] =	sst s25  }
0xa6: {  	s5 =	sshll.u32 s26, $0x1;
	_ =	strace $0x80000046;
	[dreg:$0x1] =	wrdreg $0xFFFFFFFF  }
0xa7: {  	s28 =	simm.s32 $_size_execute0_lowered;
	s3 =	sadd.s32 s3, s5;
	[dreg:$0x0] =	wrdreg $0x0  }
0xa8: {  	s5 =	sshll.u32 s28, $0x1;
	[dreg:$0x2] =	wrdreg s3  }
0xa9: {  	[dreg:$0x3] =	wrdreg s5  }
0xaa: {  	[dreg:$0x4] =	wrdreg $0xC0  }
0xab: {  	_ =	task [dreg:s7], $0x5FFFF  }
0xac: {  	[dreg:$0x1] =	wrdreg $0xFFFFFFFF  }
0xad: {  	[dreg:$0x0] =	wrdreg $0x60  }
0xae: {  	[dreg:$0x2] =	wrdreg s2  }
0xaf: {  	[dreg:$0x3] =	wrdreg s24  }
0xb0: {  	[dreg:$0x4] =	wrdreg $0x2A800  }
0xb1: {  	[dreg:$0x5] =	wrdreg $0x2D000  }
0xb2: {  	[dreg:$0x6] =	wrdreg $0x9  }
0xb3: {  	_ =	task.clear_ibuf [dreg:s7], $0x7FFFF;
	_ =	strace $0x90000046  }
0xb4: {  	s29 =	simm.s32 $0x9;
	_ =	strace $0x80000048  }
0xb5: {  	_ =	swait.ge [sflag:s29], $0x1  }
0xb6: {  	[sflag:s29] =	ssyncadd.s32 $0xFFFFFFFF  }
0xb7: {  	_ =	strace $0x90000048  }
0xb8: {  	_ =	sfence  }
0xb9: {  	s30 =	sld [smem:$0x0];
	_ =	sdelay $0x2  }
0xba: {  	s31 =	sshll.u32 s1, $0xD;
	s1 =	sshrl.u32 s1, $0x2  }
0xbb: {  	s3 =	sand.u32 $0x4000, s31;
	s1 =	sadd.s32 s1, s30  }
0xbc: {  	s0 =	sor.u32 s3, s0;
	s1 =	sshll.u32 s1, $0x11  }
0xbd: {  	s0 =	sor.u32 s1, s0  }
0xbe: {  	s0 =	sadd.s32 $0x8F2B, s0  }
0xbf: {  	[sflag:s0] =	ssyncadd.remote.s32 $0x1  }
0xc0: {  	_ =	sfence.sel $0xFFFF  }
0xc1: {  	[dreg:$0x0] =	wrdreg $0xFFFFFFFF;
	(pc) =	sbr.abs _section_cstart, $3  }
0xc2: {  	[dreg:$0x1] =	wrdreg $0xFFFFFFFF  }
0xc3: {  	_ =	task.clear_ibuf [dreg:s7], $0x2FFFF;
	_ =	strace $0x9FFFFFFF  }
0xc4: {  	(tm) =	ssettm $0x7FFFFFFF  }
0xc5: {  	_ =	shalt  }
tec
execute0_lowered:
.L_overlay_start_1:
0x0: {  	(tag) =	ssettag $0x1  }
0x1: {  	s5 =	rddreg [dreg:$0x0]  }
0x2: {  	s6 =	rddreg [dreg:$0x1]  }
0x3: {  	s1 =	rddreg [dreg:$0x2]  }
0x4: {  	s3 =	rddreg [dreg:$0x3]  }
0x5: {  	s0 =	rddreg [dreg:$0x4]  }
0x6: {  	s4 =	simm.s32 $0x0;
	s2 =	stileid.u32;
	s8 =	srdreg.scid  }
0x7: {  	s15 =	simm.s32 $0x2800;
	s16 =	simm.s32 $0x2A00;
	s17 =	simm.s32 $0x2880  }
0x8: {  	s18 =	simm.s32 $0x2900;
	s19 =	simm.s32 $0x2980;
	s20 =	simm.s32 $0x1  }
0x9: {  	s21 =	simm.s32 $0x2;
	s22 =	simm.s32 $0x3;
	s23 =	simm.s32 $0x4  }
0xa: {  	s24 =	simm.s32 $0x20;
	s25 =	simm.s32 $0x10;
	s26 =	simm.s32 $0x0  }
0xb: {  	[smem:$0x7FF] =	sst s4;
	s7 =	smul.u32 $0x280, s2;
	s8 =	sand.u32 $0x1, s8  }
0xc: {  	s9 =	smul.u32 $0x500, s2;
	s10 =	sshll.u32 s2, $0x1;
	s31 =	sshll.u32 s2, $0x6  }
0xd: {  	_ =	strace $0x80000047;
	s12 =	sshll.u32 s8, $0x7;
	s10 =	sor.u32 s8, s10  }
0xe: {  	s8 =	ssub.s32 $0x2, s8;
	s11 =	sshrl.u32 s7, $0x3;
	s9 =	sor.u32 s12, s9  }
0xf: {  	s10 =	smul.u32 $0x500, s10;
	s30 =	sshrl.u32 s8, $0x1;
	s13 =	sadd.s32 s7, s1  }
0x10: {  	s14 =	sadd.s32 s7, s3;
	s11 =	sadd.s32 s11, s6;
	s9 =	sshrl.u32 s9, $0x3  }
0x11: {  	s12 =	ssub.s32 s8, s30;
	s9 =	sadd.s32 s9, s6;
	s5 =	sadd.s32 s5, s10  }
0x12: {  	s6 =	sadd.s32 $0x2400, s11;
	s10 =	simm.s32 $0x5;
	s11 =	sor.u32 $0x1C05, s31  }
0x13: {  	s7 =	sadd.s32 $0x2A00, s9;
	s8 =	sadd.s32 $0x3400, s9;
	s9 =	smax.u32 s12, $0x1  }
0x14: {  	v0 =	vimm.f32 $1.000000000e+00;
	s12 =	sshrl.u32 s13, $0x3;
	s13 =	sshrl.u32 s14, $0x3;
	s14 =	simm.s32 $0x80  }
.LBB2_1:
0x15: {  	[tilespmem:$0x2A00] =	vst v0  }
0x16: {  	[tilespmem:$0x2A10] =	vst v0  }
0x17: {  	[tilespmem:$0x2A20] =	vst v0  }
0x18: {  	[tilespmem:$0x2A30] =	vst v0  }
0x19: {  	[tilespmem:$0x2A40] =	vst v0  }
0x1a: {  	[tilespmem:$0x2A50] =	vst v0  }
0x1b: {  	[tilespmem:$0x2A60] =	vst v0  }
0x1c: {  	[tilespmem:$0x2A70] =	vst v0  }
0x1d: {  	[tilespmem:s4], [sflag:$0x5] =	stream.linear.gather [hbm4b:s5+s4], $0x2800, $0x38;
	[tilespmem:$0x2F80] =	vst v63  }
0x1e: {  	_ =	swait.ge [sflag:s10], $0x2800  }
0x1f: {  	[sflag:s10] =	ssyncset.done $0x0  }
0x20: {  	[sflag:s10] =	ssyncadd.s32 $0xFFFFD800  }
0x21: {  	[spmem:s12], [sflag:s11] =	dma.local [hbm:s6], $0x50  }
0x22: {  	_ =	swait.ge [sflag:s10], $0x50  }
0x23: {  	[sflag:s10] =	ssyncset.done $0x0  }
0x24: {  	[sflag:s10] =	ssyncadd.s32 $0xFFFFFFB0  }
0x25: {  	[spmem:s13], [sflag:s11] =	dma.local [hbm:s6], $0x50  }
0x26: {  	_ =	swait.ge [sflag:s10], $0x50  }
0x27: {  	[sflag:s10] =	ssyncset.done $0x0  }
0x28: {  	[sflag:s10] =	ssyncadd.s32 $0xFFFFFFB0  }
0x29: {  	s28 =	simm.s32 $0x0;
	[bflag:$0x0] =	sbarrier.arrive $0xFFFF  }
0x2a: {  	v1 =	vld [tilespmem:s28+$0x0];
	_ =	sdelay $0x4  }
0x2b: {  	v2 =	vshrl.u32 v1, $0xE  }
0x2c: {  	v1 =	vand.u32 $0x3FFF, v1;
	[tilespmem:$0x2800] =	vst v2  }
0x2d: {  	[tilespmem:$0x2880] =	vst v1  }
0x2e: {  	v1 =	vld [tilespmem:s28+$0x10];
	_ =	sdelay $0x4  }
0x2f: {  	v2 =	vshrl.u32 v1, $0xE  }
0x30: {  	v1 =	vand.u32 $0x3FFF, v1;
	[tilespmem:$0x2810] =	vst v2  }
0x31: {  	[tilespmem:$0x2890] =	vst v1  }
0x32: {  	v1 =	vld [tilespmem:s28+$0x20];
	_ =	sdelay $0x4  }
0x33: {  	v2 =	vshrl.u32 v1, $0xE  }
0x34: {  	v1 =	vand.u32 $0x3FFF, v1;
	[tilespmem:$0x2820] =	vst v2  }
0x35: {  	[tilespmem:$0x28A0] =	vst v1  }
0x36: {  	v1 =	vld [tilespmem:s28+$0x30];
	_ =	sdelay $0x4  }
0x37: {  	v2 =	vshrl.u32 v1, $0xE  }
0x38: {  	v1 =	vand.u32 $0x3FFF, v1;
	[tilespmem:$0x2830] =	vst v2  }
0x39: {  	[tilespmem:$0x28B0] =	vst v1  }
0x3a: {  	v1 =	vld [tilespmem:s28+$0x40];
	_ =	sdelay $0x4  }
0x3b: {  	v2 =	vshrl.u32 v1, $0xE  }
0x3c: {  	v1 =	vand.u32 $0x3FFF, v1;
	[tilespmem:$0x2840] =	vst v2  }
0x3d: {  	[tilespmem:$0x28C0] =	vst v1  }
0x3e: {  	v1 =	vld [tilespmem:s28+$0x50];
	_ =	sdelay $0x4  }
0x3f: {  	v2 =	vshrl.u32 v1, $0xE  }
0x40: {  	v1 =	vand.u32 $0x3FFF, v1;
	[tilespmem:$0x2850] =	vst v2  }
0x41: {  	[tilespmem:$0x28D0] =	vst v1  }
0x42: {  	v1 =	vld [tilespmem:s28+$0x60];
	_ =	sdelay $0x4  }
0x43: {  	v2 =	vshrl.u32 v1, $0xE  }
0x44: {  	v1 =	vand.u32 $0x3FFF, v1;
	[tilespmem:$0x2860] =	vst v2  }
0x45: {  	[tilespmem:$0x28E0] =	vst v1  }
0x46: {  	v1 =	vld [tilespmem:s28+$0x70];
	_ =	sdelay $0x4  }
0x47: {  	v2 =	vshrl.u32 v1, $0xE  }
0x48: {  	v1 =	vand.u32 $0x3FFF, v1;
	[tilespmem:$0x2870] =	vst v2  }
0x49: {  	[tilespmem:$0x28F0] =	vst v1  }
0x4a: {  	[spmem:s1] =	stream.indirect.scatter.add.f32 [tilespmem:s16], [sflag:$0x1], $0x1, s15, s14, $0xb8;
	[tilespmem:$0x2F80] =	vst v63  }
0x4b: {  	_ = 	snop  }
0x4c: {  	[spmem:s3] =	stream.indirect.scatter.add.f32 [tilespmem:s16], [sflag:$0x2], $0x1, s17, s14, $0xb8;
	[tilespmem:$0x2F80] =	vst v63  }
0x4d: {  	v1 =	vld [tilespmem:s28+$0x80];
	_ =	sdelay $0x4  }
0x4e: {  	v2 =	vshrl.u32 v1, $0xE  }
0x4f: {  	v1 =	vand.u32 $0x3FFF, v1;
	[tilespmem:$0x2900] =	vst v2  }
0x50: {  	[tilespmem:$0x2980] =	vst v1  }
0x51: {  	v1 =	vld [tilespmem:s28+$0x90];
	_ =	sdelay $0x4  }
0x52: {  	v2 =	vshrl.u32 v1, $0xE  }
0x53: {  	v1 =	vand.u32 $0x3FFF, v1;
	[tilespmem:$0x2910] =	vst v2  }
0x54: {  	[tilespmem:$0x2990] =	vst v1  }
0x55: {  	v1 =	vld [tilespmem:s28+$0xA0];
	_ =	sdelay $0x4  }
0x56: {  	v2 =	vshrl.u32 v1, $0xE  }
0x57: {  	v1 =	vand.u32 $0x3FFF, v1;
	[tilespmem:$0x2920] =	vst v2  }
0x58: {  	[tilespmem:$0x29A0] =	vst v1  }
0x59: {  	v1 =	vld [tilespmem:s28+$0xB0];
	_ =	sdelay $0x4  }
0x5a: {  	v2 =	vshrl.u32 v1, $0xE  }
0x5b: {  	v1 =	vand.u32 $0x3FFF, v1;
	[tilespmem:$0x2930] =	vst v2  }
0x5c: {  	[tilespmem:$0x29B0] =	vst v1  }
0x5d: {  	v1 =	vld [tilespmem:s28+$0xC0];
	_ =	sdelay $0x4  }
0x5e: {  	v2 =	vshrl.u32 v1, $0xE  }
0x5f: {  	v1 =	vand.u32 $0x3FFF, v1;
	[tilespmem:$0x2940] =	vst v2  }
0x60: {  	[tilespmem:$0x29C0] =	vst v1  }
0x61: {  	v1 =	vld [tilespmem:s28+$0xD0];
	_ =	sdelay $0x4  }
0x62: {  	v2 =	vshrl.u32 v1, $0xE  }
0x63: {  	v1 =	vand.u32 $0x3FFF, v1;
	[tilespmem:$0x2950] =	vst v2  }
0x64: {  	[tilespmem:$0x29D0] =	vst v1  }
0x65: {  	v1 =	vld [tilespmem:s28+$0xE0];
	_ =	sdelay $0x4  }
0x66: {  	v2 =	vshrl.u32 v1, $0xE  }
0x67: {  	v1 =	vand.u32 $0x3FFF, v1;
	[tilespmem:$0x2960] =	vst v2  }
0x68: {  	[tilespmem:$0x29E0] =	vst v1  }
0x69: {  	v1 =	vld [tilespmem:s28+$0xF0];
	_ =	sdelay $0x4  }
0x6a: {  	s28 =	simm.s32 $0x400;
	v2 =	vshrl.u32 v1, $0xE;
	v1 =	vand.u32 $0x3FFF, v1  }
.LBB2_2:
0x6b: {  	p0 =	sne.s32 s28, $0x9C00;
	[tilespmem:$0x2970] =	vst v2;
	s29 =	smov.u32 s28;
	s28 =	sadd.s32 $0x400, s28  }
0x6c: {  	[tilespmem:$0x29F0] =	vst v1  }
0x6d: {  	[spmem:s1] =	stream.indirect.scatter.add.f32 [tilespmem:s16], [sflag:$0x3], $0x1, s18, s14, $0xb8;
	[tilespmem:$0x2F80] =	vst v63  }
0x6e: {  	_ = 	snop  }
0x6f: {  	[spmem:s3] =	stream.indirect.scatter.add.f32 [tilespmem:s16], [sflag:$0x4], $0x1, s19, s14, $0xb8;
	[tilespmem:$0x2F80] =	vst v63  }
0x70: {  	_ =	swait.ge [sflag:s20], $0x80  }
0x71: {  	[sflag:s20] =	ssyncset.done $0x0  }
0x72: {  	[sflag:s20] =	ssyncadd.s32 $0xFFFFFF80  }
0x73: {  	_ =	swait.ge [sflag:s21], $0x80  }
0x74: {  	[sflag:s21] =	ssyncset.done $0x0  }
0x75: {  	[sflag:s21] =	ssyncadd.s32 $0xFFFFFF80  }
0x76: {  	_ =	swait.ge [sflag:s22], $0x80  }
0x77: {  	[sflag:s22] =	ssyncset.done $0x0  }
0x78: {  	[sflag:s22] =	ssyncadd.s32 $0xFFFFFF80  }
0x79: {  	_ =	swait.ge [sflag:s23], $0x80  }
0x7a: {  	[sflag:s23] =	ssyncset.done $0x0  }
0x7b: {  	s29 =	sshra.s32 s29, $0x2;
	[sflag:s23] =	ssyncadd.s32 $0xFFFFFF80  }
0x7c: {  	v1 =	vld [tilespmem:s29+$0x0];
	_ =	sdelay $0x4  }
0x7d: {  	v2 =	vshrl.u32 v1, $0xE;
	v1 =	vand.u32 $0x3FFF, v1  }
0x7e: {  	[tilespmem:$0x2800] =	vst v2  }
0x7f: {  	[tilespmem:$0x2880] =	vst v1  }
0x80: {  	v1 =	vld [tilespmem:s29+$0x10];
	_ =	sdelay $0x4  }
0x81: {  	v2 =	vshrl.u32 v1, $0xE;
	v1 =	vand.u32 $0x3FFF, v1  }
0x82: {  	[tilespmem:$0x2810] =	vst v2  }
0x83: {  	[tilespmem:$0x2890] =	vst v1  }
0x84: {  	v1 =	vld [tilespmem:s29+$0x20];
	_ =	sdelay $0x4  }
0x85: {  	v2 =	vshrl.u32 v1, $0xE;
	v1 =	vand.u32 $0x3FFF, v1  }
0x86: {  	[tilespmem:$0x2820] =	vst v2  }
0x87: {  	[tilespmem:$0x28A0] =	vst v1  }
0x88: {  	v1 =	vld [tilespmem:s29+$0x30];
	_ =	sdelay $0x4  }
0x89: {  	v2 =	vshrl.u32 v1, $0xE;
	v1 =	vand.u32 $0x3FFF, v1  }
0x8a: {  	[tilespmem:$0x2830] =	vst v2  }
0x8b: {  	[tilespmem:$0x28B0] =	vst v1  }
0x8c: {  	v1 =	vld [tilespmem:s29+$0x40];
	_ =	sdelay $0x4  }
0x8d: {  	v2 =	vshrl.u32 v1, $0xE;
	v1 =	vand.u32 $0x3FFF, v1  }
0x8e: {  	[tilespmem:$0x2840] =	vst v2  }
0x8f: {  	[tilespmem:$0x28C0] =	vst v1  }
0x90: {  	v1 =	vld [tilespmem:s29+$0x50];
	_ =	sdelay $0x4  }
0x91: {  	v2 =	vshrl.u32 v1, $0xE;
	v1 =	vand.u32 $0x3FFF, v1  }
0x92: {  	[tilespmem:$0x2850] =	vst v2  }
0x93: {  	[tilespmem:$0x28D0] =	vst v1  }
0x94: {  	v1 =	vld [tilespmem:s29+$0x60];
	_ =	sdelay $0x4  }
0x95: {  	v2 =	vshrl.u32 v1, $0xE;
	v1 =	vand.u32 $0x3FFF, v1  }
0x96: {  	[tilespmem:$0x2860] =	vst v2  }
0x97: {  	[tilespmem:$0x28E0] =	vst v1  }
0x98: {  	v1 =	vld [tilespmem:s29+$0x70];
	_ =	sdelay $0x4  }
0x99: {  	v2 =	vshrl.u32 v1, $0xE;
	v1 =	vand.u32 $0x3FFF, v1  }
0x9a: {  	[tilespmem:$0x2870] =	vst v2  }
0x9b: {  	[tilespmem:$0x28F0] =	vst v1  }
0x9c: {  	[spmem:s1] =	stream.indirect.scatter.add.f32 [tilespmem:s16], [sflag:$0x1], $0x1, s15, s14, $0xb8;
	[tilespmem:$0x2F80] =	vst v63  }
0x9d: {  	_ = 	snop  }
0x9e: {  	[spmem:s3] =	stream.indirect.scatter.add.f32 [tilespmem:s16], [sflag:$0x2], $0x1, s17, s14, $0xb8;
	[tilespmem:$0x2F80] =	vst v63  }
0x9f: {  	v1 =	vld [tilespmem:s29+$0x80];
	_ =	sdelay $0x4  }
0xa0: {  	v2 =	vshrl.u32 v1, $0xE;
	v1 =	vand.u32 $0x3FFF, v1  }
0xa1: {  	[tilespmem:$0x2900] =	vst v2  }
0xa2: {  	[tilespmem:$0x2980] =	vst v1  }
0xa3: {  	v1 =	vld [tilespmem:s29+$0x90];
	_ =	sdelay $0x4  }
0xa4: {  	v2 =	vshrl.u32 v1, $0xE;
	v1 =	vand.u32 $0x3FFF, v1  }
0xa5: {  	[tilespmem:$0x2910] =	vst v2  }
0xa6: {  	[tilespmem:$0x2990] =	vst v1  }
0xa7: {  	v1 =	vld [tilespmem:s29+$0xA0];
	_ =	sdelay $0x4  }
0xa8: {  	v2 =	vshrl.u32 v1, $0xE;
	v1 =	vand.u32 $0x3FFF, v1  }
0xa9: {  	[tilespmem:$0x2920] =	vst v2  }
0xaa: {  	[tilespmem:$0x29A0] =	vst v1  }
0xab: {  	v1 =	vld [tilespmem:s29+$0xB0];
	_ =	sdelay $0x4  }
0xac: {  	v2 =	vshrl.u32 v1, $0xE;
	v1 =	vand.u32 $0x3FFF, v1  }
0xad: {  	[tilespmem:$0x2930] =	vst v2  }
0xae: {  	[tilespmem:$0x29B0] =	vst v1  }
0xaf: {  	v1 =	vld [tilespmem:s29+$0xC0];
	_ =	sdelay $0x4  }
0xb0: {  	v2 =	vshrl.u32 v1, $0xE;
	v1 =	vand.u32 $0x3FFF, v1  }
0xb1: {  	[tilespmem:$0x2940] =	vst v2  }
0xb2: {  	[tilespmem:$0x29C0] =	vst v1  }
0xb3: {  	v1 =	vld [tilespmem:s29+$0xD0];
	_ =	sdelay $0x4  }
0xb4: {  	v2 =	vshrl.u32 v1, $0xE;
	v1 =	vand.u32 $0x3FFF, v1  }
0xb5: {  	[tilespmem:$0x2950] =	vst v2  }
0xb6: {  	[tilespmem:$0x29D0] =	vst v1  }
0xb7: {  	v1 =	vld [tilespmem:s29+$0xE0];
	_ =	sdelay $0x4  }
0xb8: {  	v2 =	vshrl.u32 v1, $0xE;
	v1 =	vand.u32 $0x3FFF, v1  }
0xb9: {  	[tilespmem:$0x2960] =	vst v2  }
0xba: {  	[tilespmem:$0x29E0] =	vst v1  }
0xbb: {  	v1 =	vld [tilespmem:s29+$0xF0]  }
.Ltmp0:
0xbc: {  	(pc) =	sbr.rel @p0 .LBB2_2-.Ltmp0, $2  }
0xbd: {  	_ =	sdelay $0x2  }
0xbe: {  	v2 =	vshrl.u32 v1, $0xE;
	v1 =	vand.u32 $0x3FFF, v1  }
0xbf: {  	[tilespmem:$0x2970] =	vst v2  }
0xc0: {  	[tilespmem:$0x29F0] =	vst v1  }
0xc1: {  	[spmem:s1] =	stream.indirect.scatter.add.f32 [tilespmem:s16], [sflag:$0x3], $0x1, s18, s14, $0xb8;
	[tilespmem:$0x2F80] =	vst v63  }
0xc2: {  	_ = 	snop  }
0xc3: {  	[spmem:s3] =	stream.indirect.scatter.add.f32 [tilespmem:s16], [sflag:$0x4], $0x1, s19, s14, $0xb8;
	[tilespmem:$0x2F80] =	vst v63  }
0xc4: {  	_ =	swait.ge [sflag:s20], $0x80  }
0xc5: {  	[sflag:s20] =	ssyncset.done $0x0  }
0xc6: {  	[sflag:s20] =	ssyncadd.s32 $0xFFFFFF80  }
0xc7: {  	_ =	swait.ge [sflag:s21], $0x80  }
0xc8: {  	[sflag:s21] =	ssyncset.done $0x0  }
0xc9: {  	[sflag:s21] =	ssyncadd.s32 $0xFFFFFF80  }
0xca: {  	_ =	swait.ge [sflag:s22], $0x80  }
0xcb: {  	[sflag:s22] =	ssyncset.done $0x0  }
0xcc: {  	[sflag:s22] =	ssyncadd.s32 $0xFFFFFF80  }
0xcd: {  	_ =	swait.ge [sflag:s23], $0x80  }
0xce: {  	[sflag:s23] =	ssyncset.done $0x0  }
0xcf: {  	[sflag:s23] =	ssyncadd.s32 $0xFFFFFF80  }
0xd0: {  	[bflag:$0x0] =	sbarrier.arrive $0xFFFF  }
0xd1: {  	[hbm:s7@s24], [sflag:s11] =	dma.strided [spmem:s12@s25], $0x50, s20, $0x10   }
0xd2: {  	s26 =	sadd.s32 $0x1, s26;
	_ =	swait.ge [sflag:s10], $0x50  }
0xd3: {  	p0 =	sne.s32 s26, s9;
	[sflag:s10] =	ssyncset.done $0x0  }
.Ltmp1:
0xd4: {  	[sflag:s10] =	ssyncadd.s32 $0xFFFFFFB0;
	(pc) =	sbr.rel @p0 .LBB2_1-.Ltmp1, $4  }
0xd5: {  	[hbm:s8@s24], [sflag:s11] =	dma.strided [spmem:s13@s25], $0x50, s20, $0x10   }
0xd6: {  	_ =	swait.ge [sflag:s10], $0x50  }
0xd7: {  	[sflag:s10] =	ssyncset.done $0x0  }
0xd8: {  	[sflag:s10] =	ssyncadd.s32 $0xFFFFFFB0  }
0xd9: {  	_ =	sfence.sel $0x180000  }
0xda: {  	[bflag:$0x0] =	sbarrier.arrive $0xFFFF  }
0xdb: {  	p0 =	sne.s32 s2, $0x0;
	_ =	strace $0x90000047  }
0xdc: {  	s0 =	sadd.s32 @!p0 $0x100000, s0;
	[bflag:$0x2] =	sbarrier.arrive $0xFFFF  }
0xdd: {  	[sflag:s0] =	ssyncadd.tile.s32 @!p0 $0x1;
	_ =	shalt  }
.Lfunc_end2:
_tile_overlayer_lowered:
.L_overlay_start_2:
0xde: {  	(tag) =	ssettag $0x2  }
0xdf: {  	s0 =	rddreg [dreg:$0x0];
	s2 =	stileid.u32  }
0xe0: {  	s1 =	rddreg [dreg:$0x1];
	p0 =	sne.s32 s2, $0x0  }
0xe1: {  	s3 =	rddreg [dreg:$0x2];
	[bflag:$0x3] =	sbarrier.arrive $0xFFFF;
	s2 =	simm.s32 @!p0 $0x1C05  }
0xe2: {  	[timem:s3], [sflag:s2] =	dma.local @!p0 [hbm:s0], s1  }
0xe3: {  	s0 =	simm.s32 @!p0 $0x5  }
0xe4: {  	_ =	swait.ge @!p0 [sflag:s0], s1  }
0xe5: {  	s1 =	ssub.s32 @!p0 $0x0, s1;
	[sflag:s0] =	ssyncset.done @!p0 $0x0  }
0xe6: {  	[sflag:s0] =	ssyncadd.s32 @!p0 s1  }
0xe7: {  	[bflag:$0x3] =	sbarrier.arrive $0xFFFF  }
0xe8: {  	_ =	shalt  }

</sc_bundles>
